<compile_context>
chip_gen: v7x
topology: tpu7x:2x2x1
jax: 0.10.2.dev20260603
libtpu: 0.0.44.dev20260713+nightly
codegen_flags: <defaults>
</compile_context>

<pallas_src>
import functools

import jax
import jax.numpy as jnp
import numpy as np
from jax import lax
from jax.experimental import pallas as pl
from jax.experimental.pallas import tpu as pltpu
from jax.experimental.pallas import tpu_sc as plsc

N_NODES = 10000
D = 128

NC = 2
NS = 16
NW = NC * NS

CH = 128
K = 80
P_EDGES = NW * K * CH
NPAD = 10240
STRIPE = NPAD // NS

CHS = 128
KA = 88
KB = 72
IB = 8
NBA = KA // IB
NBB = KB // IB
P_EDGES_S = NS * (KA + KB) * CHS
NACC = N_NODES
SACC = NACC // NS


def _hist_body(dst_hbm, out_hbm, dst_v, ones_v, z_v, cnt_sh):
    c = lax.axis_index("c")
    s = lax.axis_index("s")
    wid = c * NS + s

    for j in range(CH // 16):
        ones_v[pl.ds(j * 16, 16)] = jnp.ones((16,), jnp.int32)

    def zb(i, carry):
        z_v[pl.ds(i * 16, 16)] = jnp.zeros((16,), jnp.int32)
        return carry

    lax.fori_loop(0, STRIPE // 16, zb, 0)
    pltpu.sync_copy(z_v, cnt_sh.at[pl.ds(s * STRIPE, STRIPE)])
    pltpu.sync_copy(dst_hbm.at[wid], dst_v)
    plsc.subcore_barrier()

    def body(k, carry):
        pltpu.sync_copy(ones_v, cnt_sh.at[dst_v.at[k]], add=True)
        return carry

    lax.fori_loop(0, K, body, 0)
    plsc.subcore_barrier()
    pltpu.sync_copy(cnt_sh.at[pl.ds(s * STRIPE, STRIPE)],
                    out_hbm.at[c, pl.ds(s * STRIPE, STRIPE)])


_HI_MASK = -65536


def _decode(rbB, rbF):
    shift = jnp.full((16,), 16, jnp.int32)
    mask = jnp.full((16,), _HI_MASK, jnp.int32)

    def row(r, carry):
        for j in range(D // 32):
            w = rbB[r, pl.ds(16 * j, 16)]
            rbF[r, pl.ds(32 * j, 16)] = lax.bitcast_convert_type(
                lax.shift_left(w, shift), jnp.float32)
            rbF[r, pl.ds(32 * j + 16, 16)] = lax.bitcast_convert_type(
                lax.bitwise_and(w, mask), jnp.float32)
        return carry

    lax.fori_loop(0, CHS, row, 0)


def _edge_loop(hhb_hbm, src_hbm, dst_hbm, s, nb,
               src_v, dst_v, rbB0, rbB1, rbF, acc_sh, sg0, sg1):
    def blk_body(blk, carry):
        pltpu.sync_copy(src_hbm.at[s, blk], src_v)
        pltpu.sync_copy(dst_hbm.at[s, blk], dst_v)
        pltpu.async_copy(hhb_hbm.at[src_v.at[0]], rbB0, sg0)
        pltpu.async_copy(hhb_hbm.at[src_v.at[1]], rbB1, sg1)

        def body(j, carry2):
            k0 = 2 * j
            pltpu.make_async_copy(hhb_hbm.at[src_v.at[0]], rbB0, sg0).wait()
            _decode(rbB0, rbF)
            pltpu.async_copy(hhb_hbm.at[src_v.at[k0 + 2]], rbB0, sg0)
            pltpu.sync_copy(rbF, acc_sh.at[dst_v.at[k0]], add=True)
            pltpu.make_async_copy(hhb_hbm.at[src_v.at[1]], rbB1, sg1).wait()
            _decode(rbB1, rbF)
            pltpu.async_copy(hhb_hbm.at[src_v.at[k0 + 3]], rbB1, sg1)
            pltpu.sync_copy(rbF, acc_sh.at[dst_v.at[k0 + 1]], add=True)
            return carry2

        lax.fori_loop(0, IB // 2 - 1, body, 0)
        pltpu.make_async_copy(hhb_hbm.at[src_v.at[0]], rbB0, sg0).wait()
        _decode(rbB0, rbF)
        pltpu.sync_copy(rbF, acc_sh.at[dst_v.at[IB - 2]], add=True)
        pltpu.make_async_copy(hhb_hbm.at[src_v.at[1]], rbB1, sg1).wait()
        _decode(rbB1, rbF)
        pltpu.sync_copy(rbF, acc_sh.at[dst_v.at[IB - 1]], add=True)
        return carry

    lax.fori_loop(0, nb, blk_body, 0)


def _scatter_body(hhb_hbm, srcA_hbm, dstA_hbm, srcB_hbm, dstB_hbm, out_hbm,
                  src_v, dst_v, rbB0, rbB1, rbF, acc_sh, sg0, sg1):
    c = lax.axis_index("c")
    s = lax.axis_index("s")

    def zb(i, carry):
        for j in range(D // 16):
            rbF[i, pl.ds(j * 16, 16)] = jnp.zeros((16,), jnp.float32)
        return carry

    lax.fori_loop(0, CHS, zb, 0)

    def zc(t, carry):
        pltpu.sync_copy(rbF, acc_sh.at[pl.ds(s * SACC + t * CHS, CHS)])
        return carry

    lax.fori_loop(0, SACC // CHS, zc, 0)
    pltpu.sync_copy(rbF.at[pl.ds(0, SACC % CHS)],
                    acc_sh.at[pl.ds(s * SACC + (SACC // CHS) * CHS,
                                    SACC % CHS)])
    plsc.subcore_barrier()

    @pl.when(c == 0)
    def _():
        _edge_loop(hhb_hbm, srcA_hbm, dstA_hbm, s, NBA,
                   src_v, dst_v, rbB0, rbB1, rbF, acc_sh, sg0, sg1)

    @pl.when(c == 1)
    def _():
        _edge_loop(hhb_hbm, srcB_hbm, dstB_hbm, s, NBB,
                   src_v, dst_v, rbB0, rbB1, rbF, acc_sh, sg0, sg1)

    plsc.subcore_barrier()
    pltpu.sync_copy(acc_sh.at[pl.ds(s * SACC, SACC)],
                    out_hbm.at[c, pl.ds(s * SACC, SACC)])


def _mm_body(x_ref, w_ref, c0_ref, c1_ref, o_ref):
    deg = (1 + c0_ref[...] + c1_ref[...]).astype(jnp.float32)
    dis = lax.rsqrt(deg)
    o_ref[...] = jnp.dot(x_ref[...], w_ref[...],
                         preferred_element_type=jnp.float32) * dis


def _epi_body(acc0_ref, acc1_ref, hh_ref, c0_ref, c1_ref, b_ref, o_ref):
    deg = (1 + c0_ref[...] + c1_ref[...]).astype(jnp.float32)
    dis = lax.rsqrt(deg)
    total = (acc0_ref[0] + acc1_ref[0] + hh_ref[...]) * dis + b_ref[...]
    o_ref[...] = jnp.maximum(total, 0.0)


def kernel(x, edge_index, W, b):
    src = edge_index[0].astype(jnp.int32)
    dst = edge_index[1].astype(jnp.int32)
    n_edges = src.shape[0]
    pad = P_EDGES - n_edges
    dst_p = jnp.concatenate(
        [dst, N_NODES + (jnp.arange(pad, dtype=jnp.int32) % (NPAD - N_NODES))])
    dst3 = dst_p.reshape(NW, K, CH)
    pad_s = P_EDGES_S - n_edges
    src_ps = jnp.concatenate(
        [src, jnp.full((pad_s,), N_NODES, jnp.int32)])
    dst_ps = jnp.concatenate(
        [dst, jnp.arange(pad_s, dtype=jnp.int32) % N_NODES])
    ea = NS * KA * CHS
    srcA = src_ps[:ea].reshape(NS, NBA, IB, CHS)
    dstA = dst_ps[:ea].reshape(NS, NBA, IB, CHS)
    srcB = src_ps[ea:].reshape(NS, NBB, IB, CHS)
    dstB = dst_ps[ea:].reshape(NS, NBB, IB, CHS)
    x_p = jnp.pad(x, ((0, NPAD - N_NODES), (0, 0)))

    mesh = plsc.VectorSubcoreMesh(core_axis_name="c", subcore_axis_name="s")

    hist = pl.kernel(
        _hist_body,
        out_type=jax.ShapeDtypeStruct((NC, NPAD), jnp.int32),
        mesh=mesh,
        scratch_types=[
            pltpu.VMEM((K, CH), jnp.int32),
            pltpu.VMEM((CH,), jnp.int32),
            pltpu.VMEM((STRIPE,), jnp.int32),
            pltpu.VMEM_SHARED((NPAD,), jnp.int32),
        ],
    )
    cnt = hist(dst3)
    c0 = cnt[0].reshape(NPAD, 1)
    c1 = cnt[1].reshape(NPAD, 1)

    BM = 1024
    grid = NPAD // BM
    hhat = pl.pallas_call(
        _mm_body,
        grid=(grid,),
        in_specs=[
            pl.BlockSpec((BM, D), lambda i: (i, 0)),
            pl.BlockSpec((D, D), lambda i: (0, 0)),
            pl.BlockSpec((BM, 1), lambda i: (i, 0)),
            pl.BlockSpec((BM, 1), lambda i: (i, 0)),
        ],
        out_specs=pl.BlockSpec((BM, D), lambda i: (i, 0)),
        out_shape=jax.ShapeDtypeStruct((NPAD, D), jnp.float32),
    )(x_p, W, c0, c1)

    u = jax.lax.bitcast_convert_type(hhat.astype(jnp.bfloat16), jnp.uint16)
    j = np.arange(D // 2)
    perm_lo = 32 * (j // 16) + (j % 16)
    lo = u[:, perm_lo].astype(jnp.uint32)
    hi = u[:, perm_lo + 16].astype(jnp.uint32)
    hhb = jax.lax.bitcast_convert_type(lo | (hi << 16), jnp.int32)

    scatter = pl.kernel(
        _scatter_body,
        out_type=jax.ShapeDtypeStruct((NC, NACC, D), jnp.float32),
        mesh=mesh,
        compiler_params=pltpu.CompilerParams(use_tc_tiling_on_sc=False),
        scratch_types=[
            pltpu.VMEM((IB, CHS), jnp.int32),
            pltpu.VMEM((IB, CHS), jnp.int32),
            pltpu.VMEM((CHS, D // 2), jnp.int32),
            pltpu.VMEM((CHS, D // 2), jnp.int32),
            pltpu.VMEM((CHS, D), jnp.float32),
            pltpu.VMEM_SHARED((NACC, D), jnp.float32),
            pltpu.SemaphoreType.DMA,
            pltpu.SemaphoreType.DMA,
        ],
    )
    acc = scatter(hhb, srcA, dstA, srcB, dstB)

    b2 = b.reshape(1, D)
    BE = 1000
    out = pl.pallas_call(
        _epi_body,
        grid=(N_NODES // BE,),
        in_specs=[
            pl.BlockSpec((1, BE, D), lambda i: (0, i, 0)),
            pl.BlockSpec((1, BE, D), lambda i: (1, i, 0)),
            pl.BlockSpec((BE, D), lambda i: (i, 0)),
            pl.BlockSpec((BE, 1), lambda i: (i, 0)),
            pl.BlockSpec((BE, 1), lambda i: (i, 0)),
            pl.BlockSpec((1, D), lambda i: (0, 0)),
        ],
        out_specs=pl.BlockSpec((BE, D), lambda i: (i, 0)),
        out_shape=jax.ShapeDtypeStruct((N_NODES, D), jnp.float32),
    )(acc, acc, hhat, c0, c1, b2)

    return out

# --- scband reference (transcript-rebuilt; emitter-appended) ---
"""Pipeline reference for scband-unet-graph-conv-54477365182644 (READ-ONLY COPY).

The authoritative reference and input builder live on the scoring server;
editing this copy changes nothing except your own understanding.
"""

import jax, jax.numpy as jnp
import numpy as np

N_NODES = 10000
N_EDGES = 320000
D_IN = 128
D_OUT = 128


def setup_inputs(seed: int = 0) -> dict:
    key = jax.random.key(seed)
    k1, k2, k3, k4 = jax.random.split(key, 4)
    x = jax.random.normal(k1, (N_NODES, D_IN), dtype=jnp.float32)
    edge_index = jax.random.randint(k2, (2, N_EDGES), 0, N_NODES, dtype=jnp.int64)
    # GCNConv linear weight (glorot) and bias (zeros in PyG default)
    limit = np.sqrt(6.0 / (D_IN + D_OUT))
    W = jax.random.uniform(k3, (D_IN, D_OUT), dtype=jnp.float32, minval=-limit, maxval=limit)
    b = jnp.zeros((D_OUT,), dtype=jnp.float32)
    return {"x": x, "edge_index": edge_index, "W": W, "b": b}


def reference(x, edge_index, W, b):
    N = x.shape[0]
    src = edge_index[0]
    dst = edge_index[1]
    # add self loops (PyG GCNConv default add_self_loops=True)
    loop = jnp.arange(N, dtype=src.dtype)
    src = jnp.concatenate([src, loop], axis=0)
    dst = jnp.concatenate([dst, loop], axis=0)
    # linear transform first
    h = x @ W
    # symmetric normalization: deg computed on dst (col) with edge_weight=1
    ones = jnp.ones(src.shape[0], dtype=jnp.float32)
    deg = jax.ops.segment_sum(ones, dst, num_segments=N)
    deg_inv_sqrt = jnp.where(deg > 0, jax.lax.rsqrt(jnp.maximum(deg, 1e-12)), 0.0)
    norm = deg_inv_sqrt[src] * deg_inv_sqrt[dst]
    # message passing: gather from src, scale, scatter-add to dst
    msgs = h[src] * norm[:, None]
    out = jax.ops.segment_sum(msgs, dst, num_segments=N)
    out = out + b
    # UNetGraphConv applies ReLU on top of GCNConv
    return jax.nn.relu(out)

if __name__ == "__main__":
    import jax
    _d = setup_inputs()
    print(jax.jit(kernel)(*tuple(_d.values())))

</pallas_src>

<mosaic_0001>
#map = affine_map<(d0, d1) -> (0, 0, 0)>
#map1 = affine_map<(d0, d1) -> (0, 0)>
module attributes {stable_mosaic.version = 14 : i64} {
  func.func @_hist_body(%arg0: i32, %arg1: i32, %arg2: memref<32x80x128xi32, #tpu.memory_space<hbm>>, %arg3: memref<2x10240xi32, #tpu.memory_space<hbm>>, %arg4: memref<80x128xi32, #tpu.memory_space<vmem>>, %arg5: memref<128xi32, #tpu.memory_space<vmem>>, %arg6: memref<640xi32, #tpu.memory_space<vmem>>, %arg7: memref<10240xi32, #tpu.memory_space<vmem_shared>>) attributes {dimension_semantics = [#tpu.dimension_semantics<core_parallel>, #tpu.dimension_semantics<subcore_parallel>], iteration_bounds = array<i64: 2, 16>, scalar_prefetch = 0 : i64, scratch_operands = 4 : i64, tpu.core_type = #tpu.core_type<sc_vector_subcore>, window_params = [{transform_indices = #map}, {transform_indices = #map1}]} {
    %mul3A = arith.constant 16 : i32
    %mul3A_0 = arith.muli %arg0, %mul3A : i32
    %add3A = arith.addi %mul3A_0, %arg1 : i32
    %broadcast_in_dim3A = arith.constant 1 : i32
    %broadcast_in_dim3A_1 = vector.broadcast %broadcast_in_dim3A : i32 to vector<16xi32>
    %swap3A = arith.constant 0 : index
    %swap3A_2 = tpu.vector_load %arg5[%swap3A] {strides = array<i32>} : memref<128xi32, #tpu.memory_space<vmem>>, vector<16xi32>,
    %swap3A_3 = vector.shape_cast %swap3A_2 : vector<16xi32> to vector<16xi32>
    %swap3A_4 = vector.shape_cast %broadcast_in_dim3A_1 : vector<16xi32> to vector<16xi32>
    tpu.vector_store %arg5[%swap3A], %swap3A_4 {strides = array<i32>} : memref<128xi32, #tpu.memory_space<vmem>>, vector<16xi32>,
    %broadcast_in_dim3A_5 = arith.constant 1 : i32
    %broadcast_in_dim3A_6 = vector.broadcast %broadcast_in_dim3A_5 : i32 to vector<16xi32>
    %swap3A_7 = arith.constant 16 : index
    %swap3A_8 = tpu.vector_load %arg5[%swap3A_7] {strides = array<i32>} : memref<128xi32, #tpu.memory_space<vmem>>, vector<16xi32>,
    %swap3A_9 = vector.shape_cast %swap3A_8 : vector<16xi32> to vector<16xi32>
    %swap3A_10 = vector.shape_cast %broadcast_in_dim3A_6 : vector<16xi32> to vector<16xi32>
    tpu.vector_store %arg5[%swap3A_7], %swap3A_10 {strides = array<i32>} : memref<128xi32, #tpu.memory_space<vmem>>, vector<16xi32>,
    %broadcast_in_dim3A_11 = arith.constant 1 : i32
    %broadcast_in_dim3A_12 = vector.broadcast %broadcast_in_dim3A_11 : i32 to vector<16xi32>
    %swap3A_13 = arith.constant 32 : index
    %swap3A_14 = tpu.vector_load %arg5[%swap3A_13] {strides = array<i32>} : memref<128xi32, #tpu.memory_space<vmem>>, vector<16xi32>,
    %swap3A_15 = vector.shape_cast %swap3A_14 : vector<16xi32> to vector<16xi32>
    %swap3A_16 = vector.shape_cast %broadcast_in_dim3A_12 : vector<16xi32> to vector<16xi32>
    tpu.vector_store %arg5[%swap3A_13], %swap3A_16 {strides = array<i32>} : memref<128xi32, #tpu.memory_space<vmem>>, vector<16xi32>,
    %broadcast_in_dim3A_17 = arith.constant 1 : i32
    %broadcast_in_dim3A_18 = vector.broadcast %broadcast_in_dim3A_17 : i32 to vector<16xi32>
    %swap3A_19 = arith.constant 48 : index
    %swap3A_20 = tpu.vector_load %arg5[%swap3A_19] {strides = array<i32>} : memref<128xi32, #tpu.memory_space<vmem>>, vector<16xi32>,
    %swap3A_21 = vector.shape_cast %swap3A_20 : vector<16xi32> to vector<16xi32>
    %swap3A_22 = vector.shape_cast %broadcast_in_dim3A_18 : vector<16xi32> to vector<16xi32>
    tpu.vector_store %arg5[%swap3A_19], %swap3A_22 {strides = array<i32>} : memref<128xi32, #tpu.memory_space<vmem>>, vector<16xi32>,
    %broadcast_in_dim3A_23 = arith.constant 1 : i32
    %broadcast_in_dim3A_24 = vector.broadcast %broadcast_in_dim3A_23 : i32 to vector<16xi32>
    %swap3A_25 = arith.constant 64 : index
    %swap3A_26 = tpu.vector_load %arg5[%swap3A_25] {strides = array<i32>} : memref<128xi32, #tpu.memory_space<vmem>>, vector<16xi32>,
    %swap3A_27 = vector.shape_cast %swap3A_26 : vector<16xi32> to vector<16xi32>
    %swap3A_28 = vector.shape_cast %broadcast_in_dim3A_24 : vector<16xi32> to vector<16xi32>
    tpu.vector_store %arg5[%swap3A_25], %swap3A_28 {strides = array<i32>} : memref<128xi32, #tpu.memory_space<vmem>>, vector<16xi32>,
    %broadcast_in_dim3A_29 = arith.constant 1 : i32
    %broadcast_in_dim3A_30 = vector.broadcast %broadcast_in_dim3A_29 : i32 to vector<16xi32>
    %swap3A_31 = arith.constant 80 : index
    %swap3A_32 = tpu.vector_load %arg5[%swap3A_31] {strides = array<i32>} : memref<128xi32, #tpu.memory_space<vmem>>, vector<16xi32>,
    %swap3A_33 = vector.shape_cast %swap3A_32 : vector<16xi32> to vector<16xi32>
    %swap3A_34 = vector.shape_cast %broadcast_in_dim3A_30 : vector<16xi32> to vector<16xi32>
    tpu.vector_store %arg5[%swap3A_31], %swap3A_34 {strides = array<i32>} : memref<128xi32, #tpu.memory_space<vmem>>, vector<16xi32>,
    %broadcast_in_dim3A_35 = arith.constant 1 : i32
    %broadcast_in_dim3A_36 = vector.broadcast %broadcast_in_dim3A_35 : i32 to vector<16xi32>
    %swap3A_37 = arith.constant 96 : index
    %swap3A_38 = tpu.vector_load %arg5[%swap3A_37] {strides = array<i32>} : memref<128xi32, #tpu.memory_space<vmem>>, vector<16xi32>,
    %swap3A_39 = vector.shape_cast %swap3A_38 : vector<16xi32> to vector<16xi32>
    %swap3A_40 = vector.shape_cast %broadcast_in_dim3A_36 : vector<16xi32> to vector<16xi32>
    tpu.vector_store %arg5[%swap3A_37], %swap3A_40 {strides = array<i32>} : memref<128xi32, #tpu.memory_space<vmem>>, vector<16xi32>,
    %broadcast_in_dim3A_41 = arith.constant 1 : i32
    %broadcast_in_dim3A_42 = vector.broadcast %broadcast_in_dim3A_41 : i32 to vector<16xi32>
    %swap3A_43 = arith.constant 112 : index
    %swap3A_44 = tpu.vector_load %arg5[%swap3A_43] {strides = array<i32>} : memref<128xi32, #tpu.memory_space<vmem>>, vector<16xi32>,
    %swap3A_45 = vector.shape_cast %swap3A_44 : vector<16xi32> to vector<16xi32>
    %swap3A_46 = vector.shape_cast %broadcast_in_dim3A_42 : vector<16xi32> to vector<16xi32>
    tpu.vector_store %arg5[%swap3A_43], %swap3A_46 {strides = array<i32>} : memref<128xi32, #tpu.memory_space<vmem>>, vector<16xi32>,
    %scan3A = arith.constant 0 : i32
    %scan3A_47 = arith.constant 0 : i32
    %scan3A_48 = arith.constant 40 : i32
    %scan3A_49 = arith.addi %scan3A_47, %scan3A_48 : i32
    %scan3A_50 = arith.constant 1 : i32
    scf.for %scan3A_65 = %scan3A_47 to %scan3A_49 step %scan3A_50  : i32 {
      %broadcast_in_dim3A_66 = arith.constant 0 : i32
      %broadcast_in_dim3A_67 = vector.broadcast %broadcast_in_dim3A_66 : i32 to vector<16xi32>
      %mul3A_68 = arith.constant 16 : i32
      %mul3A_69 = arith.muli %scan3A_65, %mul3A_68 : i32
      %swap3A_70 = arith.index_cast %mul3A_69 : i32 to index
      %swap3A_71 = tpu.vector_load %arg6[%swap3A_70] {strides = array<i32>} : memref<640xi32, #tpu.memory_space<vmem>>, vector<16xi32>,
      %swap3A_72 = vector.shape_cast %swap3A_71 : vector<16xi32> to vector<16xi32>
      %swap3A_73 = vector.shape_cast %broadcast_in_dim3A_67 : vector<16xi32> to vector<16xi32>
      tpu.vector_store %arg6[%swap3A_70], %swap3A_73 {strides = array<i32>} : memref<640xi32, #tpu.memory_space<vmem>>, vector<16xi32>,
    }
    %scan3A_51 = arith.constant 40 : i32
    %mul3A_52 = arith.constant 640 : i32
    %mul3A_53 = arith.muli %arg1, %mul3A_52 : i32
    "tpu.region"() ({
      %run_scoped3A = tpu.sem_alloc : memref<!tpu.dma_semaphore, #tpu.memory_space<semaphore_mem>>
      %dma_start3A = tpu.memref_slice %arg7[%mul3A_53] : memref<10240xi32, #tpu.memory_space<vmem_shared>> -> memref<640xi32, #tpu.memory_space<vmem_shared>>
      %dma_start3A_65 = tpu.memref_slice %arg7[%mul3A_53] : memref<10240xi32, #tpu.memory_space<vmem_shared>> -> memref<640xi32, #tpu.memory_space<vmem_shared>>
      tpu.enqueue_dma source(%arg6 : memref<640xi32, #tpu.memory_space<vmem>>) target(%dma_start3A_65 : memref<640xi32, #tpu.memory_space<vmem_shared>>) target_semaphore(%run_scoped3A : memref<!tpu.dma_semaphore, #tpu.memory_space<semaphore_mem>>)
      %dma_wait3A = tpu.memref_slice %arg7[%mul3A_53] : memref<10240xi32, #tpu.memory_space<vmem_shared>> -> memref<640xi32, #tpu.memory_space<vmem_shared>>
      %dma_wait3A_66 = tpu.memref_slice %arg7[%mul3A_53] : memref<10240xi32, #tpu.memory_space<vmem_shared>> -> memref<640xi32, #tpu.memory_space<vmem_shared>>
      tpu.wait_dma2 semaphore(%run_scoped3A : memref<!tpu.dma_semaphore, #tpu.memory_space<semaphore_mem>>) src(%arg6 : memref<640xi32, #tpu.memory_space<vmem>>) dst(%dma_wait3A_66 : memref<640xi32, #tpu.memory_space<vmem_shared>>)
      tpu.yield
    }) : () -> ()
    "tpu.region"() ({
      %run_scoped3A = tpu.sem_alloc : memref<!tpu.dma_semaphore, #tpu.memory_space<semaphore_mem>>
      %dma_start3A = arith.constant 0 : i32
      %dma_start3A_65 = arith.constant 0 : i32
      %dma_start3A_66 = tpu.memref_slice %arg2[%add3A, %dma_start3A, %dma_start3A_65] : memref<32x80x128xi32, #tpu.memory_space<hbm>> -> memref<1x80x128xi32, #tpu.memory_space<hbm>>
      %dma_start3A_67 = tpu.memref_squeeze %dma_start3A_66 : memref<1x80x128xi32, #tpu.memory_space<hbm>> -> memref<80x128xi32, #tpu.memory_space<hbm>>
      %dma_start3A_68 = arith.constant 0 : i32
      %dma_start3A_69 = arith.constant 0 : i32
      %dma_start3A_70 = tpu.memref_slice %arg2[%add3A, %dma_start3A_68, %dma_start3A_69] : memref<32x80x128xi32, #tpu.memory_space<hbm>> -> memref<1x80x128xi32, #tpu.memory_space<hbm>>
      %dma_start3A_71 = tpu.memref_squeeze %dma_start3A_70 : memref<1x80x128xi32, #tpu.memory_space<hbm>> -> memref<80x128xi32, #tpu.memory_space<hbm>>
      tpu.enqueue_dma source(%dma_start3A_71 : memref<80x128xi32, #tpu.memory_space<hbm>>) target(%arg4 : memref<80x128xi32, #tpu.memory_space<vmem>>) target_semaphore(%run_scoped3A : memref<!tpu.dma_semaphore, #tpu.memory_space<semaphore_mem>>)
      %dma_wait3A = arith.constant 0 : i32
      %dma_wait3A_72 = arith.constant 0 : i32
      %dma_wait3A_73 = tpu.memref_slice %arg2[%add3A, %dma_wait3A, %dma_wait3A_72] : memref<32x80x128xi32, #tpu.memory_space<hbm>> -> memref<1x80x128xi32, #tpu.memory_space<hbm>>
      %dma_wait3A_74 = tpu.memref_squeeze %dma_wait3A_73 : memref<1x80x128xi32, #tpu.memory_space<hbm>> -> memref<80x128xi32, #tpu.memory_space<hbm>>
      %dma_wait3A_75 = arith.constant 0 : i32
      %dma_wait3A_76 = arith.constant 0 : i32
      %dma_wait3A_77 = tpu.memref_slice %arg2[%add3A, %dma_wait3A_75, %dma_wait3A_76] : memref<32x80x128xi32, #tpu.memory_space<hbm>> -> memref<1x80x128xi32, #tpu.memory_space<hbm>>
      %dma_wait3A_78 = tpu.memref_squeeze %dma_wait3A_77 : memref<1x80x128xi32, #tpu.memory_space<hbm>> -> memref<80x128xi32, #tpu.memory_space<hbm>>
      tpu.wait_dma2 semaphore(%run_scoped3A : memref<!tpu.dma_semaphore, #tpu.memory_space<semaphore_mem>>) src(%dma_wait3A_78 : memref<80x128xi32, #tpu.memory_space<hbm>>) dst(%arg4 : memref<80x128xi32, #tpu.memory_space<vmem>>)
      tpu.yield
    }) : () -> ()
    %barrier3A = arith.constant 0 : index
    tpu.barrier barrier_id(%barrier3A)
    %scan3A_54 = arith.constant 0 : i32
    %scan3A_55 = arith.constant 0 : i32
    %scan3A_56 = arith.constant 80 : i32
    %scan3A_57 = arith.addi %scan3A_55, %scan3A_56 : i32
    %scan3A_58 = arith.constant 1 : i32
    scf.for %scan3A_65 = %scan3A_55 to %scan3A_57 step %scan3A_58  : i32 {
      "tpu.region"() ({
        %run_scoped3A = tpu.sem_alloc : memref<!tpu.dma_semaphore, #tpu.memory_space<semaphore_mem>>
        %dma_start3A = arith.constant 0 : i32
        %dma_start3A_66 = tpu.memref_slice %arg4[%scan3A_65, %dma_start3A] : memref<80x128xi32, #tpu.memory_space<vmem>> -> memref<1x128xi32, #tpu.memory_space<vmem>>
        %dma_start3A_67 = tpu.memref_squeeze %dma_start3A_66 : memref<1x128xi32, #tpu.memory_space<vmem>> -> memref<128xi32, #tpu.memory_space<vmem>>
        %dma_start3A_68 = arith.constant 0 : i32
        %dma_start3A_69 = tpu.memref_slice %arg7[%dma_start3A_68] : memref<10240xi32, #tpu.memory_space<vmem_shared>> -> memref<10240xi32, #tpu.memory_space<vmem_shared>>
        tpu.enqueue_indirect_dma source(%arg5 : memref<128xi32, #tpu.memory_space<vmem>>) target(%dma_start3A_69 : memref<10240xi32, #tpu.memory_space<vmem_shared>>) offsets(%dma_start3A_67 : memref<128xi32, #tpu.memory_space<vmem>>) semaphore(%run_scoped3A : memref<!tpu.dma_semaphore, #tpu.memory_space<semaphore_mem>>) {add = true}
        %dma_wait3A = arith.constant 0 : i32
        %dma_wait3A_70 = tpu.memref_slice %arg4[%scan3A_65, %dma_wait3A] : memref<80x128xi32, #tpu.memory_space<vmem>> -> memref<1x128xi32, #tpu.memory_space<vmem>>
        %dma_wait3A_71 = tpu.memref_squeeze %dma_wait3A_70 : memref<1x128xi32, #tpu.memory_space<vmem>> -> memref<128xi32, #tpu.memory_space<vmem>>
        %dma_wait3A_72 = arith.constant 0 : i32
        %dma_wait3A_73 = tpu.memref_slice %arg7[%dma_wait3A_72] : memref<10240xi32, #tpu.memory_space<vmem_shared>> -> memref<10240xi32, #tpu.memory_space<vmem_shared>>
        tpu.wait_indirect_dma semaphore(%run_scoped3A : memref<!tpu.dma_semaphore, #tpu.memory_space<semaphore_mem>>) src(%arg5 : memref<128xi32, #tpu.memory_space<vmem>>) dst(%dma_wait3A_73 : memref<10240xi32, #tpu.memory_space<vmem_shared>>)
        tpu.yield
      }) : () -> ()
    }
    %scan3A_59 = arith.constant 80 : i32
    %barrier3A_60 = arith.constant 0 : index
    tpu.barrier barrier_id(%barrier3A_60)
    %mul3A_61 = arith.constant 640 : i32
    %mul3A_62 = arith.muli %arg1, %mul3A_61 : i32
    %mul3A_63 = arith.constant 640 : i32
    %mul3A_64 = arith.muli %arg1, %mul3A_63 : i32
    "tpu.region"() ({
      %run_scoped3A = tpu.sem_alloc : memref<!tpu.dma_semaphore, #tpu.memory_space<semaphore_mem>>
      %dma_start3A = tpu.memref_slice %arg3[%arg0, %mul3A_64] : memref<2x10240xi32, #tpu.memory_space<hbm>> -> memref<1x640xi32, #tpu.memory_space<hbm>>
      %dma_start3A_65 = tpu.memref_squeeze %dma_start3A : memref<1x640xi32, #tpu.memory_space<hbm>> -> memref<640xi32, #tpu.memory_space<hbm>>
      %dma_start3A_66 = tpu.memref_slice %arg7[%mul3A_62] : memref<10240xi32, #tpu.memory_space<vmem_shared>> -> memref<640xi32, #tpu.memory_space<vmem_shared>>
      tpu.enqueue_dma source(%dma_start3A_66 : memref<640xi32, #tpu.memory_space<vmem_shared>>) target(%dma_start3A_65 : memref<640xi32, #tpu.memory_space<hbm>>) target_semaphore(%run_scoped3A : memref<!tpu.dma_semaphore, #tpu.memory_space<semaphore_mem>>)
      %dma_wait3A = tpu.memref_slice %arg3[%arg0, %mul3A_64] : memref<2x10240xi32, #tpu.memory_space<hbm>> -> memref<1x640xi32, #tpu.memory_space<hbm>>
      %dma_wait3A_67 = tpu.memref_squeeze %dma_wait3A : memref<1x640xi32, #tpu.memory_space<hbm>> -> memref<640xi32, #tpu.memory_space<hbm>>
      %dma_wait3A_68 = tpu.memref_slice %arg7[%mul3A_62] : memref<10240xi32, #tpu.memory_space<vmem_shared>> -> memref<640xi32, #tpu.memory_space<vmem_shared>>
      tpu.wait_dma2 semaphore(%run_scoped3A : memref<!tpu.dma_semaphore, #tpu.memory_space<semaphore_mem>>) src(%dma_wait3A_68 : memref<640xi32, #tpu.memory_space<vmem_shared>>) dst(%dma_wait3A_67 : memref<640xi32, #tpu.memory_space<hbm>>)
      tpu.yield
    }) : () -> ()
    return
  }
}

#map = affine_map<(d0, d1) -> (0, 0)>
#map1 = affine_map<(d0, d1) -> (0, 0, 0, 0)>
#map2 = affine_map<(d0, d1) -> (0, 0, 0)>
module attributes {stable_mosaic.version = 14 : i64} {
  func.func @_scatter_body(%arg0: i32, %arg1: i32, %arg2: memref<10240x64xi32, #tpu.memory_space<hbm>>, %arg3: memref<16x11x8x128xi32, #tpu.memory_space<hbm>>, %arg4: memref<16x11x8x128xi32, #tpu.memory_space<hbm>>, %arg5: memref<16x9x8x128xi32, #tpu.memory_space<hbm>>, %arg6: memref<16x9x8x128xi32, #tpu.memory_space<hbm>>, %arg7: memref<2x10000x128xf32, #tpu.memory_space<hbm>>, %arg8: memref<8x128xi32, #tpu.memory_space<vmem>>, %arg9: memref<8x128xi32, #tpu.memory_space<vmem>>, %arg10: memref<128x64xi32, #tpu.memory_space<vmem>>, %arg11: memref<128x64xi32, #tpu.memory_space<vmem>>, %arg12: memref<128x128xf32, #tpu.memory_space<vmem>>, %arg13: memref<10000x128xf32, #tpu.memory_space<vmem_shared>>, %arg14: memref<!tpu.dma_semaphore, #tpu.memory_space<semaphore_mem>>, %arg15: memref<!tpu.dma_semaphore, #tpu.memory_space<semaphore_mem>>) attributes {dimension_semantics = [#tpu.dimension_semantics<core_parallel>, #tpu.dimension_semantics<subcore_parallel>], iteration_bounds = array<i64: 2, 16>, scalar_prefetch = 0 : i64, scratch_operands = 8 : i64, tpu.core_type = #tpu.core_type<sc_vector_subcore>, window_params = [{transform_indices = #map}, {transform_indices = #map1}, {transform_indices = #map1}, {transform_indices = #map1}, {transform_indices = #map1}, {transform_indices = #map2}]} {
    %scan3A = arith.constant 0 : i32
    %scan3A_0 = arith.constant 0 : i32
    %scan3A_1 = arith.constant 128 : i32
    %scan3A_2 = arith.addi %scan3A_0, %scan3A_1 : i32
    %scan3A_3 = arith.constant 1 : i32
    scf.for %scan3A_25 = %scan3A_0 to %scan3A_2 step %scan3A_3  : i32 {
      %broadcast_in_dim3A = arith.constant 0.000000e+00 : f32
      %broadcast_in_dim3A_26 = vector.broadcast %broadcast_in_dim3A : f32 to vector<16xf32>
      %swap3A = arith.index_cast %scan3A_25 : i32 to index
      %swap3A_27 = arith.constant 0 : index
      %swap3A_28 = tpu.vector_load %arg12[%swap3A, %swap3A_27] {strides = array<i32>} : memref<128x128xf32, #tpu.memory_space<vmem>>, vector<1x16xf32>,
      %swap3A_29 = vector.shape_cast %swap3A_28 : vector<1x16xf32> to vector<16xf32>
      %swap3A_30 = vector.shape_cast %broadcast_in_dim3A_26 : vector<16xf32> to vector<1x16xf32>
      tpu.vector_store %arg12[%swap3A, %swap3A_27], %swap3A_30 {strides = array<i32>} : memref<128x128xf32, #tpu.memory_space<vmem>>, vector<1x16xf32>,
      %broadcast_in_dim3A_31 = arith.constant 0.000000e+00 : f32
      %broadcast_in_dim3A_32 = vector.broadcast %broadcast_in_dim3A_31 : f32 to vector<16xf32>
      %swap3A_33 = arith.index_cast %scan3A_25 : i32 to index
      %swap3A_34 = arith.constant 16 : index
      %swap3A_35 = tpu.vector_load %arg12[%swap3A_33, %swap3A_34] {strides = array<i32>} : memref<128x128xf32, #tpu.memory_space<vmem>>, vector<1x16xf32>,
      %swap3A_36 = vector.shape_cast %swap3A_35 : vector<1x16xf32> to vector<16xf32>
      %swap3A_37 = vector.shape_cast %broadcast_in_dim3A_32 : vector<16xf32> to vector<1x16xf32>
      tpu.vector_store %arg12[%swap3A_33, %swap3A_34], %swap3A_37 {strides = array<i32>} : memref<128x128xf32, #tpu.memory_space<vmem>>, vector<1x16xf32>,
      %broadcast_in_dim3A_38 = arith.constant 0.000000e+00 : f32
      %broadcast_in_dim3A_39 = vector.broadcast %broadcast_in_dim3A_38 : f32 to vector<16xf32>
      %swap3A_40 = arith.index_cast %scan3A_25 : i32 to index
      %swap3A_41 = arith.constant 32 : index
      %swap3A_42 = tpu.vector_load %arg12[%swap3A_40, %swap3A_41] {strides = array<i32>} : memref<128x128xf32, #tpu.memory_space<vmem>>, vector<1x16xf32>,
      %swap3A_43 = vector.shape_cast %swap3A_42 : vector<1x16xf32> to vector<16xf32>
      %swap3A_44 = vector.shape_cast %broadcast_in_dim3A_39 : vector<16xf32> to vector<1x16xf32>
      tpu.vector_store %arg12[%swap3A_40, %swap3A_41], %swap3A_44 {strides = array<i32>} : memref<128x128xf32, #tpu.memory_space<vmem>>, vector<1x16xf32>,
      %broadcast_in_dim3A_45 = arith.constant 0.000000e+00 : f32
      %broadcast_in_dim3A_46 = vector.broadcast %broadcast_in_dim3A_45 : f32 to vector<16xf32>
      %swap3A_47 = arith.index_cast %scan3A_25 : i32 to index
      %swap3A_48 = arith.constant 48 : index
      %swap3A_49 = tpu.vector_load %arg12[%swap3A_47, %swap3A_48] {strides = array<i32>} : memref<128x128xf32, #tpu.memory_space<vmem>>, vector<1x16xf32>,
      %swap3A_50 = vector.shape_cast %swap3A_49 : vector<1x16xf32> to vector<16xf32>
      %swap3A_51 = vector.shape_cast %broadcast_in_dim3A_46 : vector<16xf32> to vector<1x16xf32>
      tpu.vector_store %arg12[%swap3A_47, %swap3A_48], %swap3A_51 {strides = array<i32>} : memref<128x128xf32, #tpu.memory_space<vmem>>, vector<1x16xf32>,
      %broadcast_in_dim3A_52 = arith.constant 0.000000e+00 : f32
      %broadcast_in_dim3A_53 = vector.broadcast %broadcast_in_dim3A_52 : f32 to vector<16xf32>
      %swap3A_54 = arith.index_cast %scan3A_25 : i32 to index
      %swap3A_55 = arith.constant 64 : index
      %swap3A_56 = tpu.vector_load %arg12[%swap3A_54, %swap3A_55] {strides = array<i32>} : memref<128x128xf32, #tpu.memory_space<vmem>>, vector<1x16xf32>,
      %swap3A_57 = vector.shape_cast %swap3A_56 : vector<1x16xf32> to vector<16xf32>
      %swap3A_58 = vector.shape_cast %broadcast_in_dim3A_53 : vector<16xf32> to vector<1x16xf32>
      tpu.vector_store %arg12[%swap3A_54, %swap3A_55], %swap3A_58 {strides = array<i32>} : memref<128x128xf32, #tpu.memory_space<vmem>>, vector<1x16xf32>,
      %broadcast_in_dim3A_59 = arith.constant 0.000000e+00 : f32
      %broadcast_in_dim3A_60 = vector.broadcast %broadcast_in_dim3A_59 : f32 to vector<16xf32>
      %swap3A_61 = arith.index_cast %scan3A_25 : i32 to index
      %swap3A_62 = arith.constant 80 : index
      %swap3A_63 = tpu.vector_load %arg12[%swap3A_61, %swap3A_62] {strides = array<i32>} : memref<128x128xf32, #tpu.memory_space<vmem>>, vector<1x16xf32>,
      %swap3A_64 = vector.shape_cast %swap3A_63 : vector<1x16xf32> to vector<16xf32>
      %swap3A_65 = vector.shape_cast %broadcast_in_dim3A_60 : vector<16xf32> to vector<1x16xf32>
      tpu.vector_store %arg12[%swap3A_61, %swap3A_62], %swap3A_65 {strides = array<i32>} : memref<128x128xf32, #tpu.memory_space<vmem>>, vector<1x16xf32>,
      %broadcast_in_dim3A_66 = arith.constant 0.000000e+00 : f32
      %broadcast_in_dim3A_67 = vector.broadcast %broadcast_in_dim3A_66 : f32 to vector<16xf32>
      %swap3A_68 = arith.index_cast %scan3A_25 : i32 to index
      %swap3A_69 = arith.constant 96 : index
      %swap3A_70 = tpu.vector_load %arg12[%swap3A_68, %swap3A_69] {strides = array<i32>} : memref<128x128xf32, #tpu.memory_space<vmem>>, vector<1x16xf32>,
      %swap3A_71 = vector.shape_cast %swap3A_70 : vector<1x16xf32> to vector<16xf32>
      %swap3A_72 = vector.shape_cast %broadcast_in_dim3A_67 : vector<16xf32> to vector<1x16xf32>
      tpu.vector_store %arg12[%swap3A_68, %swap3A_69], %swap3A_72 {strides = array<i32>} : memref<128x128xf32, #tpu.memory_space<vmem>>, vector<1x16xf32>,
      %broadcast_in_dim3A_73 = arith.constant 0.000000e+00 : f32
      %broadcast_in_dim3A_74 = vector.broadcast %broadcast_in_dim3A_73 : f32 to vector<16xf32>
      %swap3A_75 = arith.index_cast %scan3A_25 : i32 to index
      %swap3A_76 = arith.constant 112 : index
      %swap3A_77 = tpu.vector_load %arg12[%swap3A_75, %swap3A_76] {strides = array<i32>} : memref<128x128xf32, #tpu.memory_space<vmem>>, vector<1x16xf32>,
      %swap3A_78 = vector.shape_cast %swap3A_77 : vector<1x16xf32> to vector<16xf32>
      %swap3A_79 = vector.shape_cast %broadcast_in_dim3A_74 : vector<16xf32> to vector<1x16xf32>
      tpu.vector_store %arg12[%swap3A_75, %swap3A_76], %swap3A_79 {strides = array<i32>} : memref<128x128xf32, #tpu.memory_space<vmem>>, vector<1x16xf32>,
    }
    %scan3A_4 = arith.constant 128 : i32
    %scan3A_5 = arith.constant 0 : i32
    %scan3A_6 = arith.constant 0 : i32
    %scan3A_7 = arith.constant 4 : i32
    %scan3A_8 = arith.addi %scan3A_6, %scan3A_7 : i32
    %scan3A_9 = arith.constant 1 : i32
    scf.for %scan3A_25 = %scan3A_6 to %scan3A_8 step %scan3A_9  : i32 {
      %mul3A_26 = arith.constant 625 : i32
      %mul3A_27 = arith.muli %arg1, %mul3A_26 : i32
      %mul3A_28 = arith.constant 128 : i32
      %mul3A_29 = arith.muli %scan3A_25, %mul3A_28 : i32
      %add3A_30 = arith.addi %mul3A_27, %mul3A_29 : i32
      "tpu.region"() ({
        %run_scoped3A = tpu.sem_alloc : memref<!tpu.dma_semaphore, #tpu.memory_space<semaphore_mem>>
        %dma_start3A = arith.constant 0 : i32
        %dma_start3A_31 = tpu.memref_slice %arg13[%add3A_30, %dma_start3A] : memref<10000x128xf32, #tpu.memory_space<vmem_shared>> -> memref<128x128xf32, #tpu.memory_space<vmem_shared>>
        %dma_start3A_32 = arith.constant 0 : i32
        %dma_start3A_33 = tpu.memref_slice %arg13[%add3A_30, %dma_start3A_32] : memref<10000x128xf32, #tpu.memory_space<vmem_shared>> -> memref<128x128xf32, #tpu.memory_space<vmem_shared>>
        tpu.enqueue_dma source(%arg12 : memref<128x128xf32, #tpu.memory_space<vmem>>) target(%dma_start3A_33 : memref<128x128xf32, #tpu.memory_space<vmem_shared>>) target_semaphore(%run_scoped3A : memref<!tpu.dma_semaphore, #tpu.memory_space<semaphore_mem>>)
        %dma_wait3A = arith.constant 0 : i32
        %dma_wait3A_34 = tpu.memref_slice %arg13[%add3A_30, %dma_wait3A] : memref<10000x128xf32, #tpu.memory_space<vmem_shared>> -> memref<128x128xf32, #tpu.memory_space<vmem_shared>>
        %dma_wait3A_35 = arith.constant 0 : i32
        %dma_wait3A_36 = tpu.memref_slice %arg13[%add3A_30, %dma_wait3A_35] : memref<10000x128xf32, #tpu.memory_space<vmem_shared>> -> memref<128x128xf32, #tpu.memory_space<vmem_shared>>
        tpu.wait_dma2 semaphore(%run_scoped3A : memref<!tpu.dma_semaphore, #tpu.memory_space<semaphore_mem>>) src(%arg12 : memref<128x128xf32, #tpu.memory_space<vmem>>) dst(%dma_wait3A_36 : memref<128x128xf32, #tpu.memory_space<vmem_shared>>)
        tpu.yield
      }) : () -> ()
    }
    %scan3A_10 = arith.constant 4 : i32
    %mul3A = arith.constant 625 : i32
    %mul3A_11 = arith.muli %arg1, %mul3A : i32
    %add3A = arith.constant 512 : i32
    %add3A_12 = arith.addi %mul3A_11, %add3A : i32
    "tpu.region"() ({
      %run_scoped3A = tpu.sem_alloc : memref<!tpu.dma_semaphore, #tpu.memory_space<semaphore_mem>>
      %dma_start3A = arith.constant 0 : i32
      %dma_start3A_25 = arith.constant 0 : i32
      %dma_start3A_26 = tpu.memref_slice %arg12[%dma_start3A, %dma_start3A_25] : memref<128x128xf32, #tpu.memory_space<vmem>> -> memref<113x128xf32, #tpu.memory_space<vmem>>
      %dma_start3A_27 = arith.constant 0 : i32
      %dma_start3A_28 = tpu.memref_slice %arg13[%add3A_12, %dma_start3A_27] : memref<10000x128xf32, #tpu.memory_space<vmem_shared>> -> memref<113x128xf32, #tpu.memory_space<vmem_shared>>
      %dma_start3A_29 = arith.constant 0 : i32
      %dma_start3A_30 = tpu.memref_slice %arg13[%add3A_12, %dma_start3A_29] : memref<10000x128xf32, #tpu.memory_space<vmem_shared>> -> memref<113x128xf32, #tpu.memory_space<vmem_shared>>
      %dma_start3A_31 = arith.constant 0 : i32
      %dma_start3A_32 = arith.constant 0 : i32
      %dma_start3A_33 = tpu.memref_slice %arg12[%dma_start3A_31, %dma_start3A_32] : memref<128x128xf32, #tpu.memory_space<vmem>> -> memref<113x128xf32, #tpu.memory_space<vmem>>
      tpu.enqueue_dma source(%dma_start3A_33 : memref<113x128xf32, #tpu.memory_space<vmem>>) target(%dma_start3A_30 : memref<113x128xf32, #tpu.memory_space<vmem_shared>>) target_semaphore(%run_scoped3A : memref<!tpu.dma_semaphore, #tpu.memory_space<semaphore_mem>>)
      %dma_wait3A = arith.constant 0 : i32
      %dma_wait3A_34 = arith.constant 0 : i32
      %dma_wait3A_35 = tpu.memref_slice %arg12[%dma_wait3A, %dma_wait3A_34] : memref<128x128xf32, #tpu.memory_space<vmem>> -> memref<113x128xf32, #tpu.memory_space<vmem>>
      %dma_wait3A_36 = arith.constant 0 : i32
      %dma_wait3A_37 = tpu.memref_slice %arg13[%add3A_12, %dma_wait3A_36] : memref<10000x128xf32, #tpu.memory_space<vmem_shared>> -> memref<113x128xf32, #tpu.memory_space<vmem_shared>>
      %dma_wait3A_38 = arith.constant 0 : i32
      %dma_wait3A_39 = tpu.memref_slice %arg13[%add3A_12, %dma_wait3A_38] : memref<10000x128xf32, #tpu.memory_space<vmem_shared>> -> memref<113x128xf32, #tpu.memory_space<vmem_shared>>
      %dma_wait3A_40 = arith.constant 0 : i32
      %dma_wait3A_41 = arith.constant 0 : i32
      %dma_wait3A_42 = tpu.memref_slice %arg12[%dma_wait3A_40, %dma_wait3A_41] : memref<128x128xf32, #tpu.memory_space<vmem>> -> memref<113x128xf32, #tpu.memory_space<vmem>>
      tpu.wait_dma2 semaphore(%run_scoped3A : memref<!tpu.dma_semaphore, #tpu.memory_space<semaphore_mem>>) src(%dma_wait3A_42 : memref<113x128xf32, #tpu.memory_space<vmem>>) dst(%dma_wait3A_39 : memref<113x128xf32, #tpu.memory_space<vmem_shared>>)
      tpu.yield
    }) : () -> ()
    %barrier3A = arith.constant 0 : index
    tpu.barrier barrier_id(%barrier3A)
    %eq3A = arith.constant 0 : i32
    %eq3A_13 = arith.cmpi eq, %arg0, %eq3A : i32
    %convert_element_type3A = arith.extui %eq3A_13 : i1 to i32
    %cond3A = arith.constant 0 : i32
    %cond3A_14 = arith.cmpi ne, %convert_element_type3A, %cond3A : i32
    scf.if %cond3A_14 {
      %scan3A_25 = arith.constant 0 : i32
      %scan3A_26 = arith.constant 0 : i32
      %scan3A_27 = arith.constant 11 : i32
      %scan3A_28 = arith.addi %scan3A_26, %scan3A_27 : i32
      %scan3A_29 = arith.constant 1 : i32
      scf.for %scan3A_31 = %scan3A_26 to %scan3A_28 step %scan3A_29  : i32 {
        "tpu.region"() ({
          %run_scoped3A_84 = tpu.sem_alloc : memref<!tpu.dma_semaphore, #tpu.memory_space<semaphore_mem>>
          %dma_start3A_85 = arith.constant 0 : i32
          %dma_start3A_86 = arith.constant 0 : i32
          %dma_start3A_87 = tpu.memref_slice %arg3[%arg1, %scan3A_31, %dma_start3A_85, %dma_start3A_86] : memref<16x11x8x128xi32, #tpu.memory_space<hbm>> -> memref<1x1x8x128xi32, #tpu.memory_space<hbm>>
          %dma_start3A_88 = tpu.memref_squeeze %dma_start3A_87 : memref<1x1x8x128xi32, #tpu.memory_space<hbm>> -> memref<8x128xi32, #tpu.memory_space<hbm>>
          %dma_start3A_89 = arith.constant 0 : i32
          %dma_start3A_90 = arith.constant 0 : i32
          %dma_start3A_91 = tpu.memref_slice %arg3[%arg1, %scan3A_31, %dma_start3A_89, %dma_start3A_90] : memref<16x11x8x128xi32, #tpu.memory_space<hbm>> -> memref<1x1x8x128xi32, #tpu.memory_space<hbm>>
          %dma_start3A_92 = tpu.memref_squeeze %dma_start3A_91 : memref<1x1x8x128xi32, #tpu.memory_space<hbm>> -> memref<8x128xi32, #tpu.memory_space<hbm>>
          tpu.enqueue_dma source(%dma_start3A_92 : memref<8x128xi32, #tpu.memory_space<hbm>>) target(%arg8 : memref<8x128xi32, #tpu.memory_space<vmem>>) target_semaphore(%run_scoped3A_84 : memref<!tpu.dma_semaphore, #tpu.memory_space<semaphore_mem>>)
          %dma_wait3A_93 = arith.constant 0 : i32
          %dma_wait3A_94 = arith.constant 0 : i32
          %dma_wait3A_95 = tpu.memref_slice %arg3[%arg1, %scan3A_31, %dma_wait3A_93, %dma_wait3A_94] : memref<16x11x8x128xi32, #tpu.memory_space<hbm>> -> memref<1x1x8x128xi32, #tpu.memory_space<hbm>>
          %dma_wait3A_96 = tpu.memref_squeeze %dma_wait3A_95 : memref<1x1x8x128xi32, #tpu.memory_space<hbm>> -> memref<8x128xi32, #tpu.memory_space<hbm>>
          %dma_wait3A_97 = arith.constant 0 : i32
          %dma_wait3A_98 = arith.constant 0 : i32
          %dma_wait3A_99 = tpu.memref_slice %arg3[%arg1, %scan3A_31, %dma_wait3A_97, %dma_wait3A_98] : memref<16x11x8x128xi32, #tpu.memory_space<hbm>> -> memref<1x1x8x128xi32, #tpu.memory_space<hbm>>
          %dma_wait3A_100 = tpu.memref_squeeze %dma_wait3A_99 : memref<1x1x8x128xi32, #tpu.memory_space<hbm>> -> memref<8x128xi32, #tpu.memory_space<hbm>>
          tpu.wait_dma2 semaphore(%run_scoped3A_84 : memref<!tpu.dma_semaphore, #tpu.memory_space<semaphore_mem>>) src(%dma_wait3A_100 : memref<8x128xi32, #tpu.memory_space<hbm>>) dst(%arg8 : memref<8x128xi32, #tpu.memory_space<vmem>>)
          tpu.yield
        }) : () -> ()
        "tpu.region"() ({
          %run_scoped3A_84 = tpu.sem_alloc : memref<!tpu.dma_semaphore, #tpu.memory_space<semaphore_mem>>
          %dma_start3A_85 = arith.constant 0 : i32
          %dma_start3A_86 = arith.constant 0 : i32
          %dma_start3A_87 = tpu.memref_slice %arg4[%arg1, %scan3A_31, %dma_start3A_85, %dma_start3A_86] : memref<16x11x8x128xi32, #tpu.memory_space<hbm>> -> memref<1x1x8x128xi32, #tpu.memory_space<hbm>>
          %dma_start3A_88 = tpu.memref_squeeze %dma_start3A_87 : memref<1x1x8x128xi32, #tpu.memory_space<hbm>> -> memref<8x128xi32, #tpu.memory_space<hbm>>
          %dma_start3A_89 = arith.constant 0 : i32
          %dma_start3A_90 = arith.constant 0 : i32
          %dma_start3A_91 = tpu.memref_slice %arg4[%arg1, %scan3A_31, %dma_start3A_89, %dma_start3A_90] : memref<16x11x8x128xi32, #tpu.memory_space<hbm>> -> memref<1x1x8x128xi32, #tpu.memory_space<hbm>>
          %dma_start3A_92 = tpu.memref_squeeze %dma_start3A_91 : memref<1x1x8x128xi32, #tpu.memory_space<hbm>> -> memref<8x128xi32, #tpu.memory_space<hbm>>
          tpu.enqueue_dma source(%dma_start3A_92 : memref<8x128xi32, #tpu.memory_space<hbm>>) target(%arg9 : memref<8x128xi32, #tpu.memory_space<vmem>>) target_semaphore(%run_scoped3A_84 : memref<!tpu.dma_semaphore, #tpu.memory_space<semaphore_mem>>)
          %dma_wait3A_93 = arith.constant 0 : i32
          %dma_wait3A_94 = arith.constant 0 : i32
          %dma_wait3A_95 = tpu.memref_slice %arg4[%arg1, %scan3A_31, %dma_wait3A_93, %dma_wait3A_94] : memref<16x11x8x128xi32, #tpu.memory_space<hbm>> -> memref<1x1x8x128xi32, #tpu.memory_space<hbm>>
          %dma_wait3A_96 = tpu.memref_squeeze %dma_wait3A_95 : memref<1x1x8x128xi32, #tpu.memory_space<hbm>> -> memref<8x128xi32, #tpu.memory_space<hbm>>
          %dma_wait3A_97 = arith.constant 0 : i32
          %dma_wait3A_98 = arith.constant 0 : i32
          %dma_wait3A_99 = tpu.memref_slice %arg4[%arg1, %scan3A_31, %dma_wait3A_97, %dma_wait3A_98] : memref<16x11x8x128xi32, #tpu.memory_space<hbm>> -> memref<1x1x8x128xi32, #tpu.memory_space<hbm>>
          %dma_wait3A_100 = tpu.memref_squeeze %dma_wait3A_99 : memref<1x1x8x128xi32, #tpu.memory_space<hbm>> -> memref<8x128xi32, #tpu.memory_space<hbm>>
          tpu.wait_dma2 semaphore(%run_scoped3A_84 : memref<!tpu.dma_semaphore, #tpu.memory_space<semaphore_mem>>) src(%dma_wait3A_100 : memref<8x128xi32, #tpu.memory_space<hbm>>) dst(%arg9 : memref<8x128xi32, #tpu.memory_space<vmem>>)
          tpu.yield
        }) : () -> ()
        %dma_start3A = arith.constant 0 : i32
        %dma_start3A_32 = arith.constant 0 : i32
        %dma_start3A_33 = tpu.memref_slice %arg8[%dma_start3A, %dma_start3A_32] : memref<8x128xi32, #tpu.memory_space<vmem>> -> memref<1x128xi32, #tpu.memory_space<vmem>>
        %dma_start3A_34 = tpu.memref_squeeze %dma_start3A_33 : memref<1x128xi32, #tpu.memory_space<vmem>> -> memref<128xi32, #tpu.memory_space<vmem>>
        %dma_start3A_35 = arith.constant 0 : i32
        %dma_start3A_36 = arith.constant 0 : i32
        %dma_start3A_37 = tpu.memref_slice %arg2[%dma_start3A_35, %dma_start3A_36] : memref<10240x64xi32, #tpu.memory_space<hbm>> -> memref<10240x64xi32, #tpu.memory_space<hbm>>
        tpu.enqueue_indirect_dma source(%dma_start3A_37 : memref<10240x64xi32, #tpu.memory_space<hbm>>) target(%arg10 : memref<128x64xi32, #tpu.memory_space<vmem>>) offsets(%dma_start3A_34 : memref<128xi32, #tpu.memory_space<vmem>>) semaphore(%arg14 : memref<!tpu.dma_semaphore, #tpu.memory_space<semaphore_mem>>)
        %dma_start3A_38 = arith.constant 1 : i32
        %dma_start3A_39 = arith.constant 0 : i32
        %dma_start3A_40 = tpu.memref_slice %arg8[%dma_start3A_38, %dma_start3A_39] : memref<8x128xi32, #tpu.memory_space<vmem>> -> memref<1x128xi32, #tpu.memory_space<vmem>>
        %dma_start3A_41 = tpu.memref_squeeze %dma_start3A_40 : memref<1x128xi32, #tpu.memory_space<vmem>> -> memref<128xi32, #tpu.memory_space<vmem>>
        %dma_start3A_42 = arith.constant 0 : i32
        %dma_start3A_43 = arith.constant 0 : i32
        %dma_start3A_44 = tpu.memref_slice %arg2[%dma_start3A_42, %dma_start3A_43] : memref<10240x64xi32, #tpu.memory_space<hbm>> -> memref<10240x64xi32, #tpu.memory_space<hbm>>
        tpu.enqueue_indirect_dma source(%dma_start3A_44 : memref<10240x64xi32, #tpu.memory_space<hbm>>) target(%arg11 : memref<128x64xi32, #tpu.memory_space<vmem>>) offsets(%dma_start3A_41 : memref<128xi32, #tpu.memory_space<vmem>>) semaphore(%arg15 : memref<!tpu.dma_semaphore, #tpu.memory_space<semaphore_mem>>)
        %scan3A_45 = arith.constant 0 : i32
        %scan3A_46 = arith.constant 0 : i32
        %scan3A_47 = arith.constant 3 : i32
        %scan3A_48 = arith.addi %scan3A_46, %scan3A_47 : i32
        %scan3A_49 = arith.constant 1 : i32
        scf.for %scan3A_84 = %scan3A_46 to %scan3A_48 step %scan3A_49  : i32 {
          %mul3A_85 = arith.constant 2 : i32
          %mul3A_86 = arith.muli %mul3A_85, %scan3A_84 : i32
          %dma_wait3A_87 = arith.constant 0 : i32
          %dma_wait3A_88 = arith.constant 0 : i32
          %dma_wait3A_89 = tpu.memref_slice %arg8[%dma_wait3A_87, %dma_wait3A_88] : memref<8x128xi32, #tpu.memory_space<vmem>> -> memref<1x128xi32, #tpu.memory_space<vmem>>
          %dma_wait3A_90 = tpu.memref_squeeze %dma_wait3A_89 : memref<1x128xi32, #tpu.memory_space<vmem>> -> memref<128xi32, #tpu.memory_space<vmem>>
          %dma_wait3A_91 = arith.constant 0 : i32
          %dma_wait3A_92 = arith.constant 0 : i32
          %dma_wait3A_93 = tpu.memref_slice %arg2[%dma_wait3A_91, %dma_wait3A_92] : memref<10240x64xi32, #tpu.memory_space<hbm>> -> memref<10240x64xi32, #tpu.memory_space<hbm>>
          tpu.wait_indirect_dma semaphore(%arg14 : memref<!tpu.dma_semaphore, #tpu.memory_space<semaphore_mem>>) src(%dma_wait3A_93 : memref<10240x64xi32, #tpu.memory_space<hbm>>) dst(%arg10 : memref<128x64xi32, #tpu.memory_space<vmem>>)
          %broadcast_in_dim3A_94 = arith.constant 16 : i32
          %broadcast_in_dim3A_95 = vector.broadcast %broadcast_in_dim3A_94 : i32 to vector<16xi32>
          %broadcast_in_dim3A_96 = arith.constant -65536 : i32
          %broadcast_in_dim3A_97 = vector.broadcast %broadcast_in_dim3A_96 : i32 to vector<16xi32>
          %scan3A_98 = arith.constant 0 : i32
          %scan3A_99 = arith.constant 0 : i32
          %scan3A_100 = arith.constant 128 : i32
          %scan3A_101 = arith.addi %scan3A_99, %scan3A_100 : i32
          %scan3A_102 = arith.constant 1 : i32
          scf.for %scan3A_139 = %scan3A_99 to %scan3A_101 step %scan3A_102  : i32 {
            %get3A = arith.index_cast %scan3A_139 : i32 to index
            %get3A_140 = arith.constant 0 : index
            %get3A_141 = tpu.vector_load %arg10[%get3A, %get3A_140] {strides = array<i32>} : memref<128x64xi32, #tpu.memory_space<vmem>>, vector<1x16xi32>,
            %get3A_142 = vector.shape_cast %get3A_141 : vector<1x16xi32> to vector<16xi32>
            %shift_left3A = arith.shli %get3A_142, %broadcast_in_dim3A_95 : vector<16xi32>
            %bitcast_convert_type3A = tpu.bitcast %shift_left3A : vector<16xi32> -> vector<16xf32>
            %swap3A = arith.index_cast %scan3A_139 : i32 to index
            %swap3A_143 = arith.constant 0 : index
            %swap3A_144 = tpu.vector_load %arg12[%swap3A, %swap3A_143] {strides = array<i32>} : memref<128x128xf32, #tpu.memory_space<vmem>>, vector<1x16xf32>,
            %swap3A_145 = vector.shape_cast %swap3A_144 : vector<1x16xf32> to vector<16xf32>
            %swap3A_146 = vector.shape_cast %bitcast_convert_type3A : vector<16xf32> to vector<1x16xf32>
            tpu.vector_store %arg12[%swap3A, %swap3A_143], %swap3A_146 {strides = array<i32>} : memref<128x128xf32, #tpu.memory_space<vmem>>, vector<1x16xf32>,
            %and3A = arith.andi %get3A_142, %broadcast_in_dim3A_97 : vector<16xi32>
            %bitcast_convert_type3A_147 = tpu.bitcast %and3A : vector<16xi32> -> vector<16xf32>
            %swap3A_148 = arith.index_cast %scan3A_139 : i32 to index
            %swap3A_149 = arith.constant 16 : index
            %swap3A_150 = tpu.vector_load %arg12[%swap3A_148, %swap3A_149] {strides = array<i32>} : memref<128x128xf32, #tpu.memory_space<vmem>>, vector<1x16xf32>,
            %swap3A_151 = vector.shape_cast %swap3A_150 : vector<1x16xf32> to vector<16xf32>
            %swap3A_152 = vector.shape_cast %bitcast_convert_type3A_147 : vector<16xf32> to vector<1x16xf32>
            tpu.vector_store %arg12[%swap3A_148, %swap3A_149], %swap3A_152 {strides = array<i32>} : memref<128x128xf32, #tpu.memory_space<vmem>>, vector<1x16xf32>,
            %get3A_153 = arith.index_cast %scan3A_139 : i32 to index
            %get3A_154 = arith.constant 16 : index
            %get3A_155 = tpu.vector_load %arg10[%get3A_153, %get3A_154] {strides = array<i32>} : memref<128x64xi32, #tpu.memory_space<vmem>>, vector<1x16xi32>,
            %get3A_156 = vector.shape_cast %get3A_155 : vector<1x16xi32> to vector<16xi32>
            %shift_left3A_157 = arith.shli %get3A_156, %broadcast_in_dim3A_95 : vector<16xi32>
            %bitcast_convert_type3A_158 = tpu.bitcast %shift_left3A_157 : vector<16xi32> -> vector<16xf32>
            %swap3A_159 = arith.index_cast %scan3A_139 : i32 to index
            %swap3A_160 = arith.constant 32 : index
            %swap3A_161 = tpu.vector_load %arg12[%swap3A_159, %swap3A_160] {strides = array<i32>} : memref<128x128xf32, #tpu.memory_space<vmem>>, vector<1x16xf32>,
            %swap3A_162 = vector.shape_cast %swap3A_161 : vector<1x16xf32> to vector<16xf32>
            %swap3A_163 = vector.shape_cast %bitcast_convert_type3A_158 : vector<16xf32> to vector<1x16xf32>
            tpu.vector_store %arg12[%swap3A_159, %swap3A_160], %swap3A_163 {strides = array<i32>} : memref<128x128xf32, #tpu.memory_space<vmem>>, vector<1x16xf32>,
            %and3A_164 = arith.andi %get3A_156, %broadcast_in_dim3A_97 : vector<16xi32>
            %bitcast_convert_type3A_165 = tpu.bitcast %and3A_164 : vector<16xi32> -> vector<16xf32>
            %swap3A_166 = arith.index_cast %scan3A_139 : i32 to index
            %swap3A_167 = arith.constant 48 : index
            %swap3A_168 = tpu.vector_load %arg12[%swap3A_166, %swap3A_167] {strides = array<i32>} : memref<128x128xf32, #tpu.memory_space<vmem>>, vector<1x16xf32>,
            %swap3A_169 = vector.shape_cast %swap3A_168 : vector<1x16xf32> to vector<16xf32>
            %swap3A_170 = vector.shape_cast %bitcast_convert_type3A_165 : vector<16xf32> to vector<1x16xf32>
            tpu.vector_store %arg12[%swap3A_166, %swap3A_167], %swap3A_170 {strides = array<i32>} : memref<128x128xf32, #tpu.memory_space<vmem>>, vector<1x16xf32>,
            %get3A_171 = arith.index_cast %scan3A_139 : i32 to index
            %get3A_172 = arith.constant 32 : index
            %get3A_173 = tpu.vector_load %arg10[%get3A_171, %get3A_172] {strides = array<i32>} : memref<128x64xi32, #tpu.memory_space<vmem>>, vector<1x16xi32>,
            %get3A_174 = vector.shape_cast %get3A_173 : vector<1x16xi32> to vector<16xi32>
            %shift_left3A_175 = arith.shli %get3A_174, %broadcast_in_dim3A_95 : vector<16xi32>
            %bitcast_convert_type3A_176 = tpu.bitcast %shift_left3A_175 : vector<16xi32> -> vector<16xf32>
            %swap3A_177 = arith.index_cast %scan3A_139 : i32 to index
            %swap3A_178 = arith.constant 64 : index
            %swap3A_179 = tpu.vector_load %arg12[%swap3A_177, %swap3A_178] {strides = array<i32>} : memref<128x128xf32, #tpu.memory_space<vmem>>, vector<1x16xf32>,
            %swap3A_180 = vector.shape_cast %swap3A_179 : vector<1x16xf32> to vector<16xf32>
            %swap3A_181 = vector.shape_cast %bitcast_convert_type3A_176 : vector<16xf32> to vector<1x16xf32>
            tpu.vector_store %arg12[%swap3A_177, %swap3A_178], %swap3A_181 {strides = array<i32>} : memref<128x128xf32, #tpu.memory_space<vmem>>, vector<1x16xf32>,
            %and3A_182 = arith.andi %get3A_174, %broadcast_in_dim3A_97 : vector<16xi32>
            %bitcast_convert_type3A_183 = tpu.bitcast %and3A_182 : vector<16xi32> -> vector<16xf32>
            %swap3A_184 = arith.index_cast %scan3A_139 : i32 to index
            %swap3A_185 = arith.constant 80 : index
            %swap3A_186 = tpu.vector_load %arg12[%swap3A_184, %swap3A_185] {strides = array<i32>} : memref<128x128xf32, #tpu.memory_space<vmem>>, vector<1x16xf32>,
            %swap3A_187 = vector.shape_cast %swap3A_186 : vector<1x16xf32> to vector<16xf32>
            %swap3A_188 = vector.shape_cast %bitcast_convert_type3A_183 : vector<16xf32> to vector<1x16xf32>
            tpu.vector_store %arg12[%swap3A_184, %swap3A_185], %swap3A_188 {strides = array<i32>} : memref<128x128xf32, #tpu.memory_space<vmem>>, vector<1x16xf32>,
            %get3A_189 = arith.index_cast %scan3A_139 : i32 to index
            %get3A_190 = arith.constant 48 : index
            %get3A_191 = tpu.vector_load %arg10[%get3A_189, %get3A_190] {strides = array<i32>} : memref<128x64xi32, #tpu.memory_space<vmem>>, vector<1x16xi32>,
            %get3A_192 = vector.shape_cast %get3A_191 : vector<1x16xi32> to vector<16xi32>
            %shift_left3A_193 = arith.shli %get3A_192, %broadcast_in_dim3A_95 : vector<16xi32>
            %bitcast_convert_type3A_194 = tpu.bitcast %shift_left3A_193 : vector<16xi32> -> vector<16xf32>
            %swap3A_195 = arith.index_cast %scan3A_139 : i32 to index
            %swap3A_196 = arith.constant 96 : index
            %swap3A_197 = tpu.vector_load %arg12[%swap3A_195, %swap3A_196] {strides = array<i32>} : memref<128x128xf32, #tpu.memory_space<vmem>>, vector<1x16xf32>,
            %swap3A_198 = vector.shape_cast %swap3A_197 : vector<1x16xf32> to vector<16xf32>
            %swap3A_199 = vector.shape_cast %bitcast_convert_type3A_194 : vector<16xf32> to vector<1x16xf32>
            tpu.vector_store %arg12[%swap3A_195, %swap3A_196], %swap3A_199 {strides = array<i32>} : memref<128x128xf32, #tpu.memory_space<vmem>>, vector<1x16xf32>,
            %and3A_200 = arith.andi %get3A_192, %broadcast_in_dim3A_97 : vector<16xi32>
            %bitcast_convert_type3A_201 = tpu.bitcast %and3A_200 : vector<16xi32> -> vector<16xf32>
            %swap3A_202 = arith.index_cast %scan3A_139 : i32 to index
            %swap3A_203 = arith.constant 112 : index
            %swap3A_204 = tpu.vector_load %arg12[%swap3A_202, %swap3A_203] {strides = array<i32>} : memref<128x128xf32, #tpu.memory_space<vmem>>, vector<1x16xf32>,
            %swap3A_205 = vector.shape_cast %swap3A_204 : vector<1x16xf32> to vector<16xf32>
            %swap3A_206 = vector.shape_cast %bitcast_convert_type3A_201 : vector<16xf32> to vector<1x16xf32>
            tpu.vector_store %arg12[%swap3A_202, %swap3A_203], %swap3A_206 {strides = array<i32>} : memref<128x128xf32, #tpu.memory_space<vmem>>, vector<1x16xf32>,
          }
          %scan3A_103 = arith.constant 128 : i32
          %add3A_104 = arith.constant 2 : i32
          %add3A_105 = arith.addi %mul3A_86, %add3A_104 : i32
          %dma_start3A_106 = arith.constant 0 : i32
          %dma_start3A_107 = tpu.memref_slice %arg8[%add3A_105, %dma_start3A_106] : memref<8x128xi32, #tpu.memory_space<vmem>> -> memref<1x128xi32, #tpu.memory_space<vmem>>
          %dma_start3A_108 = tpu.memref_squeeze %dma_start3A_107 : memref<1x128xi32, #tpu.memory_space<vmem>> -> memref<128xi32, #tpu.memory_space<vmem>>
          %dma_start3A_109 = arith.constant 0 : i32
          %dma_start3A_110 = arith.constant 0 : i32
          %dma_start3A_111 = tpu.memref_slice %arg2[%dma_start3A_109, %dma_start3A_110] : memref<10240x64xi32, #tpu.memory_space<hbm>> -> memref<10240x64xi32, #tpu.memory_space<hbm>>
          tpu.enqueue_indirect_dma source(%dma_start3A_111 : memref<10240x64xi32, #tpu.memory_space<hbm>>) target(%arg10 : memref<128x64xi32, #tpu.memory_space<vmem>>) offsets(%dma_start3A_108 : memref<128xi32, #tpu.memory_space<vmem>>) semaphore(%arg14 : memref<!tpu.dma_semaphore, #tpu.memory_space<semaphore_mem>>)
          "tpu.region"() ({
            %run_scoped3A_139 = tpu.sem_alloc : memref<!tpu.dma_semaphore, #tpu.memory_space<semaphore_mem>>
            %dma_start3A_140 = arith.constant 0 : i32
            %dma_start3A_141 = tpu.memref_slice %arg9[%mul3A_86, %dma_start3A_140] : memref<8x128xi32, #tpu.memory_space<vmem>> -> memref<1x128xi32, #tpu.memory_space<vmem>>
            %dma_start3A_142 = tpu.memref_squeeze %dma_start3A_141 : memref<1x128xi32, #tpu.memory_space<vmem>> -> memref<128xi32, #tpu.memory_space<vmem>>
            %dma_start3A_143 = arith.constant 0 : i32
            %dma_start3A_144 = arith.constant 0 : i32
            %dma_start3A_145 = tpu.memref_slice %arg13[%dma_start3A_143, %dma_start3A_144] : memref<10000x128xf32, #tpu.memory_space<vmem_shared>> -> memref<10000x128xf32, #tpu.memory_space<vmem_shared>>
            tpu.enqueue_indirect_dma source(%arg12 : memref<128x128xf32, #tpu.memory_space<vmem>>) target(%dma_start3A_145 : memref<10000x128xf32, #tpu.memory_space<vmem_shared>>) offsets(%dma_start3A_142 : memref<128xi32, #tpu.memory_space<vmem>>) semaphore(%run_scoped3A_139 : memref<!tpu.dma_semaphore, #tpu.memory_space<semaphore_mem>>) {add = true}
            %dma_wait3A_146 = arith.constant 0 : i32
            %dma_wait3A_147 = tpu.memref_slice %arg9[%mul3A_86, %dma_wait3A_146] : memref<8x128xi32, #tpu.memory_space<vmem>> -> memref<1x128xi32, #tpu.memory_space<vmem>>
            %dma_wait3A_148 = tpu.memref_squeeze %dma_wait3A_147 : memref<1x128xi32, #tpu.memory_space<vmem>> -> memref<128xi32, #tpu.memory_space<vmem>>
            %dma_wait3A_149 = arith.constant 0 : i32
            %dma_wait3A_150 = arith.constant 0 : i32
            %dma_wait3A_151 = tpu.memref_slice %arg13[%dma_wait3A_149, %dma_wait3A_150] : memref<10000x128xf32, #tpu.memory_space<vmem_shared>> -> memref<10000x128xf32, #tpu.memory_space<vmem_shared>>
            tpu.wait_indirect_dma semaphore(%run_scoped3A_139 : memref<!tpu.dma_semaphore, #tpu.memory_space<semaphore_mem>>) src(%arg12 : memref<128x128xf32, #tpu.memory_space<vmem>>) dst(%dma_wait3A_151 : memref<10000x128xf32, #tpu.memory_space<vmem_shared>>)
            tpu.yield
          }) : () -> ()
          %dma_wait3A_112 = arith.constant 1 : i32
          %dma_wait3A_113 = arith.constant 0 : i32
          %dma_wait3A_114 = tpu.memref_slice %arg8[%dma_wait3A_112, %dma_wait3A_113] : memref<8x128xi32, #tpu.memory_space<vmem>> -> memref<1x128xi32, #tpu.memory_space<vmem>>
          %dma_wait3A_115 = tpu.memref_squeeze %dma_wait3A_114 : memref<1x128xi32, #tpu.memory_space<vmem>> -> memref<128xi32, #tpu.memory_space<vmem>>
          %dma_wait3A_116 = arith.constant 0 : i32
          %dma_wait3A_117 = arith.constant 0 : i32
          %dma_wait3A_118 = tpu.memref_slice %arg2[%dma_wait3A_116, %dma_wait3A_117] : memref<10240x64xi32, #tpu.memory_space<hbm>> -> memref<10240x64xi32, #tpu.memory_space<hbm>>
          tpu.wait_indirect_dma semaphore(%arg15 : memref<!tpu.dma_semaphore, #tpu.memory_space<semaphore_mem>>) src(%dma_wait3A_118 : memref<10240x64xi32, #tpu.memory_space<hbm>>) dst(%arg11 : memref<128x64xi32, #tpu.memory_space<vmem>>)
          %broadcast_in_dim3A_119 = arith.constant 16 : i32
          %broadcast_in_dim3A_120 = vector.broadcast %broadcast_in_dim3A_119 : i32 to vector<16xi32>
          %broadcast_in_dim3A_121 = arith.constant -65536 : i32
          %broadcast_in_dim3A_122 = vector.broadcast %broadcast_in_dim3A_121 : i32 to vector<16xi32>
          %scan3A_123 = arith.constant 0 : i32
          %scan3A_124 = arith.constant 0 : i32
          %scan3A_125 = arith.constant 128 : i32
          %scan3A_126 = arith.addi %scan3A_124, %scan3A_125 : i32
          %scan3A_127 = arith.constant 1 : i32
          scf.for %scan3A_139 = %scan3A_124 to %scan3A_126 step %scan3A_127  : i32 {
            %get3A = arith.index_cast %scan3A_139 : i32 to index
            %get3A_140 = arith.constant 0 : index
            %get3A_141 = tpu.vector_load %arg11[%get3A, %get3A_140] {strides = array<i32>} : memref<128x64xi32, #tpu.memory_space<vmem>>, vector<1x16xi32>,
            %get3A_142 = vector.shape_cast %get3A_141 : vector<1x16xi32> to vector<16xi32>
            %shift_left3A = arith.shli %get3A_142, %broadcast_in_dim3A_120 : vector<16xi32>
            %bitcast_convert_type3A = tpu.bitcast %shift_left3A : vector<16xi32> -> vector<16xf32>
            %swap3A = arith.index_cast %scan3A_139 : i32 to index
            %swap3A_143 = arith.constant 0 : index
            %swap3A_144 = tpu.vector_load %arg12[%swap3A, %swap3A_143] {strides = array<i32>} : memref<128x128xf32, #tpu.memory_space<vmem>>, vector<1x16xf32>,
            %swap3A_145 = vector.shape_cast %swap3A_144 : vector<1x16xf32> to vector<16xf32>
            %swap3A_146 = vector.shape_cast %bitcast_convert_type3A : vector<16xf32> to vector<1x16xf32>
            tpu.vector_store %arg12[%swap3A, %swap3A_143], %swap3A_146 {strides = array<i32>} : memref<128x128xf32, #tpu.memory_space<vmem>>, vector<1x16xf32>,
            %and3A = arith.andi %get3A_142, %broadcast_in_dim3A_122 : vector<16xi32>
            %bitcast_convert_type3A_147 = tpu.bitcast %and3A : vector<16xi32> -> vector<16xf32>
            %swap3A_148 = arith.index_cast %scan3A_139 : i32 to index
            %swap3A_149 = arith.constant 16 : index
            %swap3A_150 = tpu.vector_load %arg12[%swap3A_148, %swap3A_149] {strides = array<i32>} : memref<128x128xf32, #tpu.memory_space<vmem>>, vector<1x16xf32>,
            %swap3A_151 = vector.shape_cast %swap3A_150 : vector<1x16xf32> to vector<16xf32>
            %swap3A_152 = vector.shape_cast %bitcast_convert_type3A_147 : vector<16xf32> to vector<1x16xf32>
            tpu.vector_store %arg12[%swap3A_148, %swap3A_149], %swap3A_152 {strides = array<i32>} : memref<128x128xf32, #tpu.memory_space<vmem>>, vector<1x16xf32>,
            %get3A_153 = arith.index_cast %scan3A_139 : i32 to index
            %get3A_154 = arith.constant 16 : index
            %get3A_155 = tpu.vector_load %arg11[%get3A_153, %get3A_154] {strides = array<i32>} : memref<128x64xi32, #tpu.memory_space<vmem>>, vector<1x16xi32>,
            %get3A_156 = vector.shape_cast %get3A_155 : vector<1x16xi32> to vector<16xi32>
            %shift_left3A_157 = arith.shli %get3A_156, %broadcast_in_dim3A_120 : vector<16xi32>
            %bitcast_convert_type3A_158 = tpu.bitcast %shift_left3A_157 : vector<16xi32> -> vector<16xf32>
            %swap3A_159 = arith.index_cast %scan3A_139 : i32 to index
            %swap3A_160 = arith.constant 32 : index
            %swap3A_161 = tpu.vector_load %arg12[%swap3A_159, %swap3A_160] {strides = array<i32>} : memref<128x128xf32, #tpu.memory_space<vmem>>, vector<1x16xf32>,
            %swap3A_162 = vector.shape_cast %swap3A_161 : vector<1x16xf32> to vector<16xf32>
            %swap3A_163 = vector.shape_cast %bitcast_convert_type3A_158 : vector<16xf32> to vector<1x16xf32>
            tpu.vector_store %arg12[%swap3A_159, %swap3A_160], %swap3A_163 {strides = array<i32>} : memref<128x128xf32, #tpu.memory_space<vmem>>, vector<1x16xf32>,
            %and3A_164 = arith.andi %get3A_156, %broadcast_in_dim3A_122 : vector<16xi32>
            %bitcast_convert_type3A_165 = tpu.bitcast %and3A_164 : vector<16xi32> -> vector<16xf32>
            %swap3A_166 = arith.index_cast %scan3A_139 : i32 to index
            %swap3A_167 = arith.constant 48 : index
            %swap3A_168 = tpu.vector_load %arg12[%swap3A_166, %swap3A_167] {strides = array<i32>} : memref<128x128xf32, #tpu.memory_space<vmem>>, vector<1x16xf32>,
            %swap3A_169 = vector.shape_cast %swap3A_168 : vector<1x16xf32> to vector<16xf32>
            %swap3A_170 = vector.shape_cast %bitcast_convert_type3A_165 : vector<16xf32> to vector<1x16xf32>
            tpu.vector_store %arg12[%swap3A_166, %swap3A_167], %swap3A_170 {strides = array<i32>} : memref<128x128xf32, #tpu.memory_space<vmem>>, vector<1x16xf32>,
            %get3A_171 = arith.index_cast %scan3A_139 : i32 to index
            %get3A_172 = arith.constant 32 : index
            %get3A_173 = tpu.vector_load %arg11[%get3A_171, %get3A_172] {strides = array<i32>} : memref<128x64xi32, #tpu.memory_space<vmem>>, vector<1x16xi32>,
            %get3A_174 = vector.shape_cast %get3A_173 : vector<1x16xi32> to vector<16xi32>
            %shift_left3A_175 = arith.shli %get3A_174, %broadcast_in_dim3A_120 : vector<16xi32>
            %bitcast_convert_type3A_176 = tpu.bitcast %shift_left3A_175 : vector<16xi32> -> vector<16xf32>
            %swap3A_177 = arith.index_cast %scan3A_139 : i32 to index
            %swap3A_178 = arith.constant 64 : index
            %swap3A_179 = tpu.vector_load %arg12[%swap3A_177, %swap3A_178] {strides = array<i32>} : memref<128x128xf32, #tpu.memory_space<vmem>>, vector<1x16xf32>,
            %swap3A_180 = vector.shape_cast %swap3A_179 : vector<1x16xf32> to vector<16xf32>
            %swap3A_181 = vector.shape_cast %bitcast_convert_type3A_176 : vector<16xf32> to vector<1x16xf32>
            tpu.vector_store %arg12[%swap3A_177, %swap3A_178], %swap3A_181 {strides = array<i32>} : memref<128x128xf32, #tpu.memory_space<vmem>>, vector<1x16xf32>,
            %and3A_182 = arith.andi %get3A_174, %broadcast_in_dim3A_122 : vector<16xi32>
            %bitcast_convert_type3A_183 = tpu.bitcast %and3A_182 : vector<16xi32> -> vector<16xf32>
            %swap3A_184 = arith.index_cast %scan3A_139 : i32 to index
            %swap3A_185 = arith.constant 80 : index
            %swap3A_186 = tpu.vector_load %arg12[%swap3A_184, %swap3A_185] {strides = array<i32>} : memref<128x128xf32, #tpu.memory_space<vmem>>, vector<1x16xf32>,
            %swap3A_187 = vector.shape_cast %swap3A_186 : vector<1x16xf32> to vector<16xf32>
            %swap3A_188 = vector.shape_cast %bitcast_convert_type3A_183 : vector<16xf32> to vector<1x16xf32>
            tpu.vector_store %arg12[%swap3A_184, %swap3A_185], %swap3A_188 {strides = array<i32>} : memref<128x128xf32, #tpu.memory_space<vmem>>, vector<1x16xf32>,
            %get3A_189 = arith.index_cast %scan3A_139 : i32 to index
            %get3A_190 = arith.constant 48 : index
            %get3A_191 = tpu.vector_load %arg11[%get3A_189, %get3A_190] {strides = array<i32>} : memref<128x64xi32, #tpu.memory_space<vmem>>, vector<1x16xi32>,
            %get3A_192 = vector.shape_cast %get3A_191 : vector<1x16xi32> to vector<16xi32>
            %shift_left3A_193 = arith.shli %get3A_192, %broadcast_in_dim3A_120 : vector<16xi32>
            %bitcast_convert_type3A_194 = tpu.bitcast %shift_left3A_193 : vector<16xi32> -> vector<16xf32>
            %swap3A_195 = arith.index_cast %scan3A_139 : i32 to index
            %swap3A_196 = arith.constant 96 : index
            %swap3A_197 = tpu.vector_load %arg12[%swap3A_195, %swap3A_196] {strides = array<i32>} : memref<128x128xf32, #tpu.memory_space<vmem>>, vector<1x16xf32>,
            %swap3A_198 = vector.shape_cast %swap3A_197 : vector<1x16xf32> to vector<16xf32>
            %swap3A_199 = vector.shape_cast %bitcast_convert_type3A_194 : vector<16xf32> to vector<1x16xf32>
            tpu.vector_store %arg12[%swap3A_195, %swap3A_196], %swap3A_199 {strides = array<i32>} : memref<128x128xf32, #tpu.memory_space<vmem>>, vector<1x16xf32>,
            %and3A_200 = arith.andi %get3A_192, %broadcast_in_dim3A_122 : vector<16xi32>
            %bitcast_convert_type3A_201 = tpu.bitcast %and3A_200 : vector<16xi32> -> vector<16xf32>
            %swap3A_202 = arith.index_cast %scan3A_139 : i32 to index
            %swap3A_203 = arith.constant 112 : index
            %swap3A_204 = tpu.vector_load %arg12[%swap3A_202, %swap3A_203] {strides = array<i32>} : memref<128x128xf32, #tpu.memory_space<vmem>>, vector<1x16xf32>,
            %swap3A_205 = vector.shape_cast %swap3A_204 : vector<1x16xf32> to vector<16xf32>
            %swap3A_206 = vector.shape_cast %bitcast_convert_type3A_201 : vector<16xf32> to vector<1x16xf32>
            tpu.vector_store %arg12[%swap3A_202, %swap3A_203], %swap3A_206 {strides = array<i32>} : memref<128x128xf32, #tpu.memory_space<vmem>>, vector<1x16xf32>,
          }
          %scan3A_128 = arith.constant 128 : i32
          %add3A_129 = arith.constant 3 : i32
          %add3A_130 = arith.addi %mul3A_86, %add3A_129 : i32
          %dma_start3A_131 = arith.constant 0 : i32
          %dma_start3A_132 = tpu.memref_slice %arg8[%add3A_130, %dma_start3A_131] : memref<8x128xi32, #tpu.memory_space<vmem>> -> memref<1x128xi32, #tpu.memory_space<vmem>>
          %dma_start3A_133 = tpu.memref_squeeze %dma_start3A_132 : memref<1x128xi32, #tpu.memory_space<vmem>> -> memref<128xi32, #tpu.memory_space<vmem>>
          %dma_start3A_134 = arith.constant 0 : i32
          %dma_start3A_135 = arith.constant 0 : i32
          %dma_start3A_136 = tpu.memref_slice %arg2[%dma_start3A_134, %dma_start3A_135] : memref<10240x64xi32, #tpu.memory_space<hbm>> -> memref<10240x64xi32, #tpu.memory_space<hbm>>
          tpu.enqueue_indirect_dma source(%dma_start3A_136 : memref<10240x64xi32, #tpu.memory_space<hbm>>) target(%arg11 : memref<128x64xi32, #tpu.memory_space<vmem>>) offsets(%dma_start3A_133 : memref<128xi32, #tpu.memory_space<vmem>>) semaphore(%arg15 : memref<!tpu.dma_semaphore, #tpu.memory_space<semaphore_mem>>)
          %add3A_137 = arith.constant 1 : i32
          %add3A_138 = arith.addi %mul3A_86, %add3A_137 : i32
          "tpu.region"() ({
            %run_scoped3A_139 = tpu.sem_alloc : memref<!tpu.dma_semaphore, #tpu.memory_space<semaphore_mem>>
            %dma_start3A_140 = arith.constant 0 : i32
            %dma_start3A_141 = tpu.memref_slice %arg9[%add3A_138, %dma_start3A_140] : memref<8x128xi32, #tpu.memory_space<vmem>> -> memref<1x128xi32, #tpu.memory_space<vmem>>
            %dma_start3A_142 = tpu.memref_squeeze %dma_start3A_141 : memref<1x128xi32, #tpu.memory_space<vmem>> -> memref<128xi32, #tpu.memory_space<vmem>>
            %dma_start3A_143 = arith.constant 0 : i32
            %dma_start3A_144 = arith.constant 0 : i32
            %dma_start3A_145 = tpu.memref_slice %arg13[%dma_start3A_143, %dma_start3A_144] : memref<10000x128xf32, #tpu.memory_space<vmem_shared>> -> memref<10000x128xf32, #tpu.memory_space<vmem_shared>>
            tpu.enqueue_indirect_dma source(%arg12 : memref<128x128xf32, #tpu.memory_space<vmem>>) target(%dma_start3A_145 : memref<10000x128xf32, #tpu.memory_space<vmem_shared>>) offsets(%dma_start3A_142 : memref<128xi32, #tpu.memory_space<vmem>>) semaphore(%run_scoped3A_139 : memref<!tpu.dma_semaphore, #tpu.memory_space<semaphore_mem>>) {add = true}
            %dma_wait3A_146 = arith.constant 0 : i32
            %dma_wait3A_147 = tpu.memref_slice %arg9[%add3A_138, %dma_wait3A_146] : memref<8x128xi32, #tpu.memory_space<vmem>> -> memref<1x128xi32, #tpu.memory_space<vmem>>
            %dma_wait3A_148 = tpu.memref_squeeze %dma_wait3A_147 : memref<1x128xi32, #tpu.memory_space<vmem>> -> memref<128xi32, #tpu.memory_space<vmem>>
            %dma_wait3A_149 = arith.constant 0 : i32
            %dma_wait3A_150 = arith.constant 0 : i32
            %dma_wait3A_151 = tpu.memref_slice %arg13[%dma_wait3A_149, %dma_wait3A_150] : memref<10000x128xf32, #tpu.memory_space<vmem_shared>> -> memref<10000x128xf32, #tpu.memory_space<vmem_shared>>
            tpu.wait_indirect_dma semaphore(%run_scoped3A_139 : memref<!tpu.dma_semaphore, #tpu.memory_space<semaphore_mem>>) src(%arg12 : memref<128x128xf32, #tpu.memory_space<vmem>>) dst(%dma_wait3A_151 : memref<10000x128xf32, #tpu.memory_space<vmem_shared>>)
            tpu.yield
          }) : () -> ()
        }
        %scan3A_50 = arith.constant 3 : i32
        %dma_wait3A = arith.constant 0 : i32
        %dma_wait3A_51 = arith.constant 0 : i32
        %dma_wait3A_52 = tpu.memref_slice %arg8[%dma_wait3A, %dma_wait3A_51] : memref<8x128xi32, #tpu.memory_space<vmem>> -> memref<1x128xi32, #tpu.memory_space<vmem>>
        %dma_wait3A_53 = tpu.memref_squeeze %dma_wait3A_52 : memref<1x128xi32, #tpu.memory_space<vmem>> -> memref<128xi32, #tpu.memory_space<vmem>>
        %dma_wait3A_54 = arith.constant 0 : i32
        %dma_wait3A_55 = arith.constant 0 : i32
        %dma_wait3A_56 = tpu.memref_slice %arg2[%dma_wait3A_54, %dma_wait3A_55] : memref<10240x64xi32, #tpu.memory_space<hbm>> -> memref<10240x64xi32, #tpu.memory_space<hbm>>
        tpu.wait_indirect_dma semaphore(%arg14 : memref<!tpu.dma_semaphore, #tpu.memory_space<semaphore_mem>>) src(%dma_wait3A_56 : memref<10240x64xi32, #tpu.memory_space<hbm>>) dst(%arg10 : memref<128x64xi32, #tpu.memory_space<vmem>>)
        %broadcast_in_dim3A = arith.constant 16 : i32
        %broadcast_in_dim3A_57 = vector.broadcast %broadcast_in_dim3A : i32 to vector<16xi32>
        %broadcast_in_dim3A_58 = arith.constant -65536 : i32
        %broadcast_in_dim3A_59 = vector.broadcast %broadcast_in_dim3A_58 : i32 to vector<16xi32>
        %scan3A_60 = arith.constant 0 : i32
        %scan3A_61 = arith.constant 0 : i32
        %scan3A_62 = arith.constant 128 : i32
        %scan3A_63 = arith.addi %scan3A_61, %scan3A_62 : i32
        %scan3A_64 = arith.constant 1 : i32
        scf.for %scan3A_84 = %scan3A_61 to %scan3A_63 step %scan3A_64  : i32 {
          %get3A = arith.index_cast %scan3A_84 : i32 to index
          %get3A_85 = arith.constant 0 : index
          %get3A_86 = tpu.vector_load %arg10[%get3A, %get3A_85] {strides = array<i32>} : memref<128x64xi32, #tpu.memory_space<vmem>>, vector<1x16xi32>,
          %get3A_87 = vector.shape_cast %get3A_86 : vector<1x16xi32> to vector<16xi32>
          %shift_left3A = arith.shli %get3A_87, %broadcast_in_dim3A_57 : vector<16xi32>
          %bitcast_convert_type3A = tpu.bitcast %shift_left3A : vector<16xi32> -> vector<16xf32>
          %swap3A = arith.index_cast %scan3A_84 : i32 to index
          %swap3A_88 = arith.constant 0 : index
          %swap3A_89 = tpu.vector_load %arg12[%swap3A, %swap3A_88] {strides = array<i32>} : memref<128x128xf32, #tpu.memory_space<vmem>>, vector<1x16xf32>,
          %swap3A_90 = vector.shape_cast %swap3A_89 : vector<1x16xf32> to vector<16xf32>
          %swap3A_91 = vector.shape_cast %bitcast_convert_type3A : vector<16xf32> to vector<1x16xf32>
          tpu.vector_store %arg12[%swap3A, %swap3A_88], %swap3A_91 {strides = array<i32>} : memref<128x128xf32, #tpu.memory_space<vmem>>, vector<1x16xf32>,
          %and3A = arith.andi %get3A_87, %broadcast_in_dim3A_59 : vector<16xi32>
          %bitcast_convert_type3A_92 = tpu.bitcast %and3A : vector<16xi32> -> vector<16xf32>
          %swap3A_93 = arith.index_cast %scan3A_84 : i32 to index
          %swap3A_94 = arith.constant 16 : index
          %swap3A_95 = tpu.vector_load %arg12[%swap3A_93, %swap3A_94] {strides = array<i32>} : memref<128x128xf32, #tpu.memory_space<vmem>>, vector<1x16xf32>,
          %swap3A_96 = vector.shape_cast %swap3A_95 : vector<1x16xf32> to vector<16xf32>
          %swap3A_97 = vector.shape_cast %bitcast_convert_type3A_92 : vector<16xf32> to vector<1x16xf32>
          tpu.vector_store %arg12[%swap3A_93, %swap3A_94], %swap3A_97 {strides = array<i32>} : memref<128x128xf32, #tpu.memory_space<vmem>>, vector<1x16xf32>,
          %get3A_98 = arith.index_cast %scan3A_84 : i32 to index
          %get3A_99 = arith.constant 16 : index
          %get3A_100 = tpu.vector_load %arg10[%get3A_98, %get3A_99] {strides = array<i32>} : memref<128x64xi32, #tpu.memory_space<vmem>>, vector<1x16xi32>,
          %get3A_101 = vector.shape_cast %get3A_100 : vector<1x16xi32> to vector<16xi32>
          %shift_left3A_102 = arith.shli %get3A_101, %broadcast_in_dim3A_57 : vector<16xi32>
          %bitcast_convert_type3A_103 = tpu.bitcast %shift_left3A_102 : vector<16xi32> -> vector<16xf32>
          %swap3A_104 = arith.index_cast %scan3A_84 : i32 to index
          %swap3A_105 = arith.constant 32 : index
          %swap3A_106 = tpu.vector_load %arg12[%swap3A_104, %swap3A_105] {strides = array<i32>} : memref<128x128xf32, #tpu.memory_space<vmem>>, vector<1x16xf32>,
          %swap3A_107 = vector.shape_cast %swap3A_106 : vector<1x16xf32> to vector<16xf32>
          %swap3A_108 = vector.shape_cast %bitcast_convert_type3A_103 : vector<16xf32> to vector<1x16xf32>
          tpu.vector_store %arg12[%swap3A_104, %swap3A_105], %swap3A_108 {strides = array<i32>} : memref<128x128xf32, #tpu.memory_space<vmem>>, vector<1x16xf32>,
          %and3A_109 = arith.andi %get3A_101, %broadcast_in_dim3A_59 : vector<16xi32>
          %bitcast_convert_type3A_110 = tpu.bitcast %and3A_109 : vector<16xi32> -> vector<16xf32>
          %swap3A_111 = arith.index_cast %scan3A_84 : i32 to index
          %swap3A_112 = arith.constant 48 : index
          %swap3A_113 = tpu.vector_load %arg12[%swap3A_111, %swap3A_112] {strides = array<i32>} : memref<128x128xf32, #tpu.memory_space<vmem>>, vector<1x16xf32>,
          %swap3A_114 = vector.shape_cast %swap3A_113 : vector<1x16xf32> to vector<16xf32>
          %swap3A_115 = vector.shape_cast %bitcast_convert_type3A_110 : vector<16xf32> to vector<1x16xf32>
          tpu.vector_store %arg12[%swap3A_111, %swap3A_112], %swap3A_115 {strides = array<i32>} : memref<128x128xf32, #tpu.memory_space<vmem>>, vector<1x16xf32>,
          %get3A_116 = arith.index_cast %scan3A_84 : i32 to index
          %get3A_117 = arith.constant 32 : index
          %get3A_118 = tpu.vector_load %arg10[%get3A_116, %get3A_117] {strides = array<i32>} : memref<128x64xi32, #tpu.memory_space<vmem>>, vector<1x16xi32>,
          %get3A_119 = vector.shape_cast %get3A_118 : vector<1x16xi32> to vector<16xi32>
          %shift_left3A_120 = arith.shli %get3A_119, %broadcast_in_dim3A_57 : vector<16xi32>
          %bitcast_convert_type3A_121 = tpu.bitcast %shift_left3A_120 : vector<16xi32> -> vector<16xf32>
          %swap3A_122 = arith.index_cast %scan3A_84 : i32 to index
          %swap3A_123 = arith.constant 64 : index
          %swap3A_124 = tpu.vector_load %arg12[%swap3A_122, %swap3A_123] {strides = array<i32>} : memref<128x128xf32, #tpu.memory_space<vmem>>, vector<1x16xf32>,
          %swap3A_125 = vector.shape_cast %swap3A_124 : vector<1x16xf32> to vector<16xf32>
          %swap3A_126 = vector.shape_cast %bitcast_convert_type3A_121 : vector<16xf32> to vector<1x16xf32>
          tpu.vector_store %arg12[%swap3A_122, %swap3A_123], %swap3A_126 {strides = array<i32>} : memref<128x128xf32, #tpu.memory_space<vmem>>, vector<1x16xf32>,
          %and3A_127 = arith.andi %get3A_119, %broadcast_in_dim3A_59 : vector<16xi32>
          %bitcast_convert_type3A_128 = tpu.bitcast %and3A_127 : vector<16xi32> -> vector<16xf32>
          %swap3A_129 = arith.index_cast %scan3A_84 : i32 to index
          %swap3A_130 = arith.constant 80 : index
          %swap3A_131 = tpu.vector_load %arg12[%swap3A_129, %swap3A_130] {strides = array<i32>} : memref<128x128xf32, #tpu.memory_space<vmem>>, vector<1x16xf32>,
          %swap3A_132 = vector.shape_cast %swap3A_131 : vector<1x16xf32> to vector<16xf32>
          %swap3A_133 = vector.shape_cast %bitcast_convert_type3A_128 : vector<16xf32> to vector<1x16xf32>
          tpu.vector_store %arg12[%swap3A_129, %swap3A_130], %swap3A_133 {strides = array<i32>} : memref<128x128xf32, #tpu.memory_space<vmem>>, vector<1x16xf32>,
          %get3A_134 = arith.index_cast %scan3A_84 : i32 to index
          %get3A_135 = arith.constant 48 : index
          %get3A_136 = tpu.vector_load %arg10[%get3A_134, %get3A_135] {strides = array<i32>} : memref<128x64xi32, #tpu.memory_space<vmem>>, vector<1x16xi32>,
          %get3A_137 = vector.shape_cast %get3A_136 : vector<1x16xi32> to vector<16xi32>
          %shift_left3A_138 = arith.shli %get3A_137, %broadcast_in_dim3A_57 : vector<16xi32>
          %bitcast_convert_type3A_139 = tpu.bitcast %shift_left3A_138 : vector<16xi32> -> vector<16xf32>
          %swap3A_140 = arith.index_cast %scan3A_84 : i32 to index
          %swap3A_141 = arith.constant 96 : index
          %swap3A_142 = tpu.vector_load %arg12[%swap3A_140, %swap3A_141] {strides = array<i32>} : memref<128x128xf32, #tpu.memory_space<vmem>>, vector<1x16xf32>,
          %swap3A_143 = vector.shape_cast %swap3A_142 : vector<1x16xf32> to vector<16xf32>
          %swap3A_144 = vector.shape_cast %bitcast_convert_type3A_139 : vector<16xf32> to vector<1x16xf32>
          tpu.vector_store %arg12[%swap3A_140, %swap3A_141], %swap3A_144 {strides = array<i32>} : memref<128x128xf32, #tpu.memory_space<vmem>>, vector<1x16xf32>,
          %and3A_145 = arith.andi %get3A_137, %broadcast_in_dim3A_59 : vector<16xi32>
          %bitcast_convert_type3A_146 = tpu.bitcast %and3A_145 : vector<16xi32> -> vector<16xf32>
          %swap3A_147 = arith.index_cast %scan3A_84 : i32 to index
          %swap3A_148 = arith.constant 112 : index
          %swap3A_149 = tpu.vector_load %arg12[%swap3A_147, %swap3A_148] {strides = array<i32>} : memref<128x128xf32, #tpu.memory_space<vmem>>, vector<1x16xf32>,
          %swap3A_150 = vector.shape_cast %swap3A_149 : vector<1x16xf32> to vector<16xf32>
          %swap3A_151 = vector.shape_cast %bitcast_convert_type3A_146 : vector<16xf32> to vector<1x16xf32>
          tpu.vector_store %arg12[%swap3A_147, %swap3A_148], %swap3A_151 {strides = array<i32>} : memref<128x128xf32, #tpu.memory_space<vmem>>, vector<1x16xf32>,
        }
        %scan3A_65 = arith.constant 128 : i32
        %run_scoped3A = arith.constant 6 : i32
        "tpu.region"() ({
          %run_scoped3A_84 = tpu.sem_alloc : memref<!tpu.dma_semaphore, #tpu.memory_space<semaphore_mem>>
          %dma_start3A_85 = arith.constant 0 : i32
          %dma_start3A_86 = tpu.memref_slice %arg9[%run_scoped3A, %dma_start3A_85] : memref<8x128xi32, #tpu.memory_space<vmem>> -> memref<1x128xi32, #tpu.memory_space<vmem>>
          %dma_start3A_87 = tpu.memref_squeeze %dma_start3A_86 : memref<1x128xi32, #tpu.memory_space<vmem>> -> memref<128xi32, #tpu.memory_space<vmem>>
          %dma_start3A_88 = arith.constant 0 : i32
          %dma_start3A_89 = arith.constant 0 : i32
          %dma_start3A_90 = tpu.memref_slice %arg13[%dma_start3A_88, %dma_start3A_89] : memref<10000x128xf32, #tpu.memory_space<vmem_shared>> -> memref<10000x128xf32, #tpu.memory_space<vmem_shared>>
          tpu.enqueue_indirect_dma source(%arg12 : memref<128x128xf32, #tpu.memory_space<vmem>>) target(%dma_start3A_90 : memref<10000x128xf32, #tpu.memory_space<vmem_shared>>) offsets(%dma_start3A_87 : memref<128xi32, #tpu.memory_space<vmem>>) semaphore(%run_scoped3A_84 : memref<!tpu.dma_semaphore, #tpu.memory_space<semaphore_mem>>) {add = true}
          %dma_wait3A_91 = arith.constant 0 : i32
          %dma_wait3A_92 = tpu.memref_slice %arg9[%run_scoped3A, %dma_wait3A_91] : memref<8x128xi32, #tpu.memory_space<vmem>> -> memref<1x128xi32, #tpu.memory_space<vmem>>
          %dma_wait3A_93 = tpu.memref_squeeze %dma_wait3A_92 : memref<1x128xi32, #tpu.memory_space<vmem>> -> memref<128xi32, #tpu.memory_space<vmem>>
          %dma_wait3A_94 = arith.constant 0 : i32
          %dma_wait3A_95 = arith.constant 0 : i32
          %dma_wait3A_96 = tpu.memref_slice %arg13[%dma_wait3A_94, %dma_wait3A_95] : memref<10000x128xf32, #tpu.memory_space<vmem_shared>> -> memref<10000x128xf32, #tpu.memory_space<vmem_shared>>
          tpu.wait_indirect_dma semaphore(%run_scoped3A_84 : memref<!tpu.dma_semaphore, #tpu.memory_space<semaphore_mem>>) src(%arg12 : memref<128x128xf32, #tpu.memory_space<vmem>>) dst(%dma_wait3A_96 : memref<10000x128xf32, #tpu.memory_space<vmem_shared>>)
          tpu.yield
        }) : () -> ()
        %dma_wait3A_66 = arith.constant 1 : i32
        %dma_wait3A_67 = arith.constant 0 : i32
        %dma_wait3A_68 = tpu.memref_slice %arg8[%dma_wait3A_66, %dma_wait3A_67] : memref<8x128xi32, #tpu.memory_space<vmem>> -> memref<1x128xi32, #tpu.memory_space<vmem>>
        %dma_wait3A_69 = tpu.memref_squeeze %dma_wait3A_68 : memref<1x128xi32, #tpu.memory_space<vmem>> -> memref<128xi32, #tpu.memory_space<vmem>>
        %dma_wait3A_70 = arith.constant 0 : i32
        %dma_wait3A_71 = arith.constant 0 : i32
        %dma_wait3A_72 = tpu.memref_slice %arg2[%dma_wait3A_70, %dma_wait3A_71] : memref<10240x64xi32, #tpu.memory_space<hbm>> -> memref<10240x64xi32, #tpu.memory_space<hbm>>
        tpu.wait_indirect_dma semaphore(%arg15 : memref<!tpu.dma_semaphore, #tpu.memory_space<semaphore_mem>>) src(%dma_wait3A_72 : memref<10240x64xi32, #tpu.memory_space<hbm>>) dst(%arg11 : memref<128x64xi32, #tpu.memory_space<vmem>>)
        %broadcast_in_dim3A_73 = arith.constant 16 : i32
        %broadcast_in_dim3A_74 = vector.broadcast %broadcast_in_dim3A_73 : i32 to vector<16xi32>
        %broadcast_in_dim3A_75 = arith.constant -65536 : i32
        %broadcast_in_dim3A_76 = vector.broadcast %broadcast_in_dim3A_75 : i32 to vector<16xi32>
        %scan3A_77 = arith.constant 0 : i32
        %scan3A_78 = arith.constant 0 : i32
        %scan3A_79 = arith.constant 128 : i32
        %scan3A_80 = arith.addi %scan3A_78, %scan3A_79 : i32
        %scan3A_81 = arith.constant 1 : i32
        scf.for %scan3A_84 = %scan3A_78 to %scan3A_80 step %scan3A_81  : i32 {
          %get3A = arith.index_cast %scan3A_84 : i32 to index
          %get3A_85 = arith.constant 0 : index
          %get3A_86 = tpu.vector_load %arg11[%get3A, %get3A_85] {strides = array<i32>} : memref<128x64xi32, #tpu.memory_space<vmem>>, vector<1x16xi32>,
          %get3A_87 = vector.shape_cast %get3A_86 : vector<1x16xi32> to vector<16xi32>
          %shift_left3A = arith.shli %get3A_87, %broadcast_in_dim3A_74 : vector<16xi32>
          %bitcast_convert_type3A = tpu.bitcast %shift_left3A : vector<16xi32> -> vector<16xf32>
          %swap3A = arith.index_cast %scan3A_84 : i32 to index
          %swap3A_88 = arith.constant 0 : index
          %swap3A_89 = tpu.vector_load %arg12[%swap3A, %swap3A_88] {strides = array<i32>} : memref<128x128xf32, #tpu.memory_space<vmem>>, vector<1x16xf32>,
          %swap3A_90 = vector.shape_cast %swap3A_89 : vector<1x16xf32> to vector<16xf32>
          %swap3A_91 = vector.shape_cast %bitcast_convert_type3A : vector<16xf32> to vector<1x16xf32>
          tpu.vector_store %arg12[%swap3A, %swap3A_88], %swap3A_91 {strides = array<i32>} : memref<128x128xf32, #tpu.memory_space<vmem>>, vector<1x16xf32>,
          %and3A = arith.andi %get3A_87, %broadcast_in_dim3A_76 : vector<16xi32>
          %bitcast_convert_type3A_92 = tpu.bitcast %and3A : vector<16xi32> -> vector<16xf32>
          %swap3A_93 = arith.index_cast %scan3A_84 : i32 to index
          %swap3A_94 = arith.constant 16 : index
          %swap3A_95 = tpu.vector_load %arg12[%swap3A_93, %swap3A_94] {strides = array<i32>} : memref<128x128xf32, #tpu.memory_space<vmem>>, vector<1x16xf32>,
          %swap3A_96 = vector.shape_cast %swap3A_95 : vector<1x16xf32> to vector<16xf32>
          %swap3A_97 = vector.shape_cast %bitcast_convert_type3A_92 : vector<16xf32> to vector<1x16xf32>
          tpu.vector_store %arg12[%swap3A_93, %swap3A_94], %swap3A_97 {strides = array<i32>} : memref<128x128xf32, #tpu.memory_space<vmem>>, vector<1x16xf32>,
          %get3A_98 = arith.index_cast %scan3A_84 : i32 to index
          %get3A_99 = arith.constant 16 : index
          %get3A_100 = tpu.vector_load %arg11[%get3A_98, %get3A_99] {strides = array<i32>} : memref<128x64xi32, #tpu.memory_space<vmem>>, vector<1x16xi32>,
          %get3A_101 = vector.shape_cast %get3A_100 : vector<1x16xi32> to vector<16xi32>
          %shift_left3A_102 = arith.shli %get3A_101, %broadcast_in_dim3A_74 : vector<16xi32>
          %bitcast_convert_type3A_103 = tpu.bitcast %shift_left3A_102 : vector<16xi32> -> vector<16xf32>
          %swap3A_104 = arith.index_cast %scan3A_84 : i32 to index
          %swap3A_105 = arith.constant 32 : index
          %swap3A_106 = tpu.vector_load %arg12[%swap3A_104, %swap3A_105] {strides = array<i32>} : memref<128x128xf32, #tpu.memory_space<vmem>>, vector<1x16xf32>,
          %swap3A_107 = vector.shape_cast %swap3A_106 : vector<1x16xf32> to vector<16xf32>
          %swap3A_108 = vector.shape_cast %bitcast_convert_type3A_103 : vector<16xf32> to vector<1x16xf32>
          tpu.vector_store %arg12[%swap3A_104, %swap3A_105], %swap3A_108 {strides = array<i32>} : memref<128x128xf32, #tpu.memory_space<vmem>>, vector<1x16xf32>,
          %and3A_109 = arith.andi %get3A_101, %broadcast_in_dim3A_76 : vector<16xi32>
          %bitcast_convert_type3A_110 = tpu.bitcast %and3A_109 : vector<16xi32> -> vector<16xf32>
          %swap3A_111 = arith.index_cast %scan3A_84 : i32 to index
          %swap3A_112 = arith.constant 48 : index
          %swap3A_113 = tpu.vector_load %arg12[%swap3A_111, %swap3A_112] {strides = array<i32>} : memref<128x128xf32, #tpu.memory_space<vmem>>, vector<1x16xf32>,
          %swap3A_114 = vector.shape_cast %swap3A_113 : vector<1x16xf32> to vector<16xf32>
          %swap3A_115 = vector.shape_cast %bitcast_convert_type3A_110 : vector<16xf32> to vector<1x16xf32>
          tpu.vector_store %arg12[%swap3A_111, %swap3A_112], %swap3A_115 {strides = array<i32>} : memref<128x128xf32, #tpu.memory_space<vmem>>, vector<1x16xf32>,
          %get3A_116 = arith.index_cast %scan3A_84 : i32 to index
          %get3A_117 = arith.constant 32 : index
          %get3A_118 = tpu.vector_load %arg11[%get3A_116, %get3A_117] {strides = array<i32>} : memref<128x64xi32, #tpu.memory_space<vmem>>, vector<1x16xi32>,
          %get3A_119 = vector.shape_cast %get3A_118 : vector<1x16xi32> to vector<16xi32>
          %shift_left3A_120 = arith.shli %get3A_119, %broadcast_in_dim3A_74 : vector<16xi32>
          %bitcast_convert_type3A_121 = tpu.bitcast %shift_left3A_120 : vector<16xi32> -> vector<16xf32>
          %swap3A_122 = arith.index_cast %scan3A_84 : i32 to index
          %swap3A_123 = arith.constant 64 : index
          %swap3A_124 = tpu.vector_load %arg12[%swap3A_122, %swap3A_123] {strides = array<i32>} : memref<128x128xf32, #tpu.memory_space<vmem>>, vector<1x16xf32>,
          %swap3A_125 = vector.shape_cast %swap3A_124 : vector<1x16xf32> to vector<16xf32>
          %swap3A_126 = vector.shape_cast %bitcast_convert_type3A_121 : vector<16xf32> to vector<1x16xf32>
          tpu.vector_store %arg12[%swap3A_122, %swap3A_123], %swap3A_126 {strides = array<i32>} : memref<128x128xf32, #tpu.memory_space<vmem>>, vector<1x16xf32>,
          %and3A_127 = arith.andi %get3A_119, %broadcast_in_dim3A_76 : vector<16xi32>
          %bitcast_convert_type3A_128 = tpu.bitcast %and3A_127 : vector<16xi32> -> vector<16xf32>
          %swap3A_129 = arith.index_cast %scan3A_84 : i32 to index
          %swap3A_130 = arith.constant 80 : index
          %swap3A_131 = tpu.vector_load %arg12[%swap3A_129, %swap3A_130] {strides = array<i32>} : memref<128x128xf32, #tpu.memory_space<vmem>>, vector<1x16xf32>,
          %swap3A_132 = vector.shape_cast %swap3A_131 : vector<1x16xf32> to vector<16xf32>
          %swap3A_133 = vector.shape_cast %bitcast_convert_type3A_128 : vector<16xf32> to vector<1x16xf32>
          tpu.vector_store %arg12[%swap3A_129, %swap3A_130], %swap3A_133 {strides = array<i32>} : memref<128x128xf32, #tpu.memory_space<vmem>>, vector<1x16xf32>,
          %get3A_134 = arith.index_cast %scan3A_84 : i32 to index
          %get3A_135 = arith.constant 48 : index
          %get3A_136 = tpu.vector_load %arg11[%get3A_134, %get3A_135] {strides = array<i32>} : memref<128x64xi32, #tpu.memory_space<vmem>>, vector<1x16xi32>,
          %get3A_137 = vector.shape_cast %get3A_136 : vector<1x16xi32> to vector<16xi32>
          %shift_left3A_138 = arith.shli %get3A_137, %broadcast_in_dim3A_74 : vector<16xi32>
          %bitcast_convert_type3A_139 = tpu.bitcast %shift_left3A_138 : vector<16xi32> -> vector<16xf32>
          %swap3A_140 = arith.index_cast %scan3A_84 : i32 to index
          %swap3A_141 = arith.constant 96 : index
          %swap3A_142 = tpu.vector_load %arg12[%swap3A_140, %swap3A_141] {strides = array<i32>} : memref<128x128xf32, #tpu.memory_space<vmem>>, vector<1x16xf32>,
          %swap3A_143 = vector.shape_cast %swap3A_142 : vector<1x16xf32> to vector<16xf32>
          %swap3A_144 = vector.shape_cast %bitcast_convert_type3A_139 : vector<16xf32> to vector<1x16xf32>
          tpu.vector_store %arg12[%swap3A_140, %swap3A_141], %swap3A_144 {strides = array<i32>} : memref<128x128xf32, #tpu.memory_space<vmem>>, vector<1x16xf32>,
          %and3A_145 = arith.andi %get3A_137, %broadcast_in_dim3A_76 : vector<16xi32>
          %bitcast_convert_type3A_146 = tpu.bitcast %and3A_145 : vector<16xi32> -> vector<16xf32>
          %swap3A_147 = arith.index_cast %scan3A_84 : i32 to index
          %swap3A_148 = arith.constant 112 : index
          %swap3A_149 = tpu.vector_load %arg12[%swap3A_147, %swap3A_148] {strides = array<i32>} : memref<128x128xf32, #tpu.memory_space<vmem>>, vector<1x16xf32>,
          %swap3A_150 = vector.shape_cast %swap3A_149 : vector<1x16xf32> to vector<16xf32>
          %swap3A_151 = vector.shape_cast %bitcast_convert_type3A_146 : vector<16xf32> to vector<1x16xf32>
          tpu.vector_store %arg12[%swap3A_147, %swap3A_148], %swap3A_151 {strides = array<i32>} : memref<128x128xf32, #tpu.memory_space<vmem>>, vector<1x16xf32>,
        }
        %scan3A_82 = arith.constant 128 : i32
        %run_scoped3A_83 = arith.constant 7 : i32
        "tpu.region"() ({
          %run_scoped3A_84 = tpu.sem_alloc : memref<!tpu.dma_semaphore, #tpu.memory_space<semaphore_mem>>
          %dma_start3A_85 = arith.constant 0 : i32
          %dma_start3A_86 = tpu.memref_slice %arg9[%run_scoped3A_83, %dma_start3A_85] : memref<8x128xi32, #tpu.memory_space<vmem>> -> memref<1x128xi32, #tpu.memory_space<vmem>>
          %dma_start3A_87 = tpu.memref_squeeze %dma_start3A_86 : memref<1x128xi32, #tpu.memory_space<vmem>> -> memref<128xi32, #tpu.memory_space<vmem>>
          %dma_start3A_88 = arith.constant 0 : i32
          %dma_start3A_89 = arith.constant 0 : i32
          %dma_start3A_90 = tpu.memref_slice %arg13[%dma_start3A_88, %dma_start3A_89] : memref<10000x128xf32, #tpu.memory_space<vmem_shared>> -> memref<10000x128xf32, #tpu.memory_space<vmem_shared>>
          tpu.enqueue_indirect_dma source(%arg12 : memref<128x128xf32, #tpu.memory_space<vmem>>) target(%dma_start3A_90 : memref<10000x128xf32, #tpu.memory_space<vmem_shared>>) offsets(%dma_start3A_87 : memref<128xi32, #tpu.memory_space<vmem>>) semaphore(%run_scoped3A_84 : memref<!tpu.dma_semaphore, #tpu.memory_space<semaphore_mem>>) {add = true}
          %dma_wait3A_91 = arith.constant 0 : i32
          %dma_wait3A_92 = tpu.memref_slice %arg9[%run_scoped3A_83, %dma_wait3A_91] : memref<8x128xi32, #tpu.memory_space<vmem>> -> memref<1x128xi32, #tpu.memory_space<vmem>>
          %dma_wait3A_93 = tpu.memref_squeeze %dma_wait3A_92 : memref<1x128xi32, #tpu.memory_space<vmem>> -> memref<128xi32, #tpu.memory_space<vmem>>
          %dma_wait3A_94 = arith.constant 0 : i32
          %dma_wait3A_95 = arith.constant 0 : i32
          %dma_wait3A_96 = tpu.memref_slice %arg13[%dma_wait3A_94, %dma_wait3A_95] : memref<10000x128xf32, #tpu.memory_space<vmem_shared>> -> memref<10000x128xf32, #tpu.memory_space<vmem_shared>>
          tpu.wait_indirect_dma semaphore(%run_scoped3A_84 : memref<!tpu.dma_semaphore, #tpu.memory_space<semaphore_mem>>) src(%arg12 : memref<128x128xf32, #tpu.memory_space<vmem>>) dst(%dma_wait3A_96 : memref<10000x128xf32, #tpu.memory_space<vmem_shared>>)
          tpu.yield
        }) : () -> ()
      }
      %scan3A_30 = arith.constant 11 : i32
    } else {
    }
    %eq3A_15 = arith.constant 1 : i32
    %eq3A_16 = arith.cmpi eq, %arg0, %eq3A_15 : i32
    %convert_element_type3A_17 = arith.extui %eq3A_16 : i1 to i32
    %cond3A_18 = arith.constant 0 : i32
    %cond3A_19 = arith.cmpi ne, %convert_element_type3A_17, %cond3A_18 : i32
    scf.if %cond3A_19 {
      %scan3A_25 = arith.constant 0 : i32
      %scan3A_26 = arith.constant 0 : i32
      %scan3A_27 = arith.constant 9 : i32
      %scan3A_28 = arith.addi %scan3A_26, %scan3A_27 : i32
      %scan3A_29 = arith.constant 1 : i32
      scf.for %scan3A_31 = %scan3A_26 to %scan3A_28 step %scan3A_29  : i32 {
        "tpu.region"() ({
          %run_scoped3A_84 = tpu.sem_alloc : memref<!tpu.dma_semaphore, #tpu.memory_space<semaphore_mem>>
          %dma_start3A_85 = arith.constant 0 : i32
          %dma_start3A_86 = arith.constant 0 : i32
          %dma_start3A_87 = tpu.memref_slice %arg5[%arg1, %scan3A_31, %dma_start3A_85, %dma_start3A_86] : memref<16x9x8x128xi32, #tpu.memory_space<hbm>> -> memref<1x1x8x128xi32, #tpu.memory_space<hbm>>
          %dma_start3A_88 = tpu.memref_squeeze %dma_start3A_87 : memref<1x1x8x128xi32, #tpu.memory_space<hbm>> -> memref<8x128xi32, #tpu.memory_space<hbm>>
          %dma_start3A_89 = arith.constant 0 : i32
          %dma_start3A_90 = arith.constant 0 : i32
          %dma_start3A_91 = tpu.memref_slice %arg5[%arg1, %scan3A_31, %dma_start3A_89, %dma_start3A_90] : memref<16x9x8x128xi32, #tpu.memory_space<hbm>> -> memref<1x1x8x128xi32, #tpu.memory_space<hbm>>
          %dma_start3A_92 = tpu.memref_squeeze %dma_start3A_91 : memref<1x1x8x128xi32, #tpu.memory_space<hbm>> -> memref<8x128xi32, #tpu.memory_space<hbm>>
          tpu.enqueue_dma source(%dma_start3A_92 : memref<8x128xi32, #tpu.memory_space<hbm>>) target(%arg8 : memref<8x128xi32, #tpu.memory_space<vmem>>) target_semaphore(%run_scoped3A_84 : memref<!tpu.dma_semaphore, #tpu.memory_space<semaphore_mem>>)
          %dma_wait3A_93 = arith.constant 0 : i32
          %dma_wait3A_94 = arith.constant 0 : i32
          %dma_wait3A_95 = tpu.memref_slice %arg5[%arg1, %scan3A_31, %dma_wait3A_93, %dma_wait3A_94] : memref<16x9x8x128xi32, #tpu.memory_space<hbm>> -> memref<1x1x8x128xi32, #tpu.memory_space<hbm>>
          %dma_wait3A_96 = tpu.memref_squeeze %dma_wait3A_95 : memref<1x1x8x128xi32, #tpu.memory_space<hbm>> -> memref<8x128xi32, #tpu.memory_space<hbm>>
          %dma_wait3A_97 = arith.constant 0 : i32
          %dma_wait3A_98 = arith.constant 0 : i32
          %dma_wait3A_99 = tpu.memref_slice %arg5[%arg1, %scan3A_31, %dma_wait3A_97, %dma_wait3A_98] : memref<16x9x8x128xi32, #tpu.memory_space<hbm>> -> memref<1x1x8x128xi32, #tpu.memory_space<hbm>>
          %dma_wait3A_100 = tpu.memref_squeeze %dma_wait3A_99 : memref<1x1x8x128xi32, #tpu.memory_space<hbm>> -> memref<8x128xi32, #tpu.memory_space<hbm>>
          tpu.wait_dma2 semaphore(%run_scoped3A_84 : memref<!tpu.dma_semaphore, #tpu.memory_space<semaphore_mem>>) src(%dma_wait3A_100 : memref<8x128xi32, #tpu.memory_space<hbm>>) dst(%arg8 : memref<8x128xi32, #tpu.memory_space<vmem>>)
          tpu.yield
        }) : () -> ()
        "tpu.region"() ({
          %run_scoped3A_84 = tpu.sem_alloc : memref<!tpu.dma_semaphore, #tpu.memory_space<semaphore_mem>>
          %dma_start3A_85 = arith.constant 0 : i32
          %dma_start3A_86 = arith.constant 0 : i32
          %dma_start3A_87 = tpu.memref_slice %arg6[%arg1, %scan3A_31, %dma_start3A_85, %dma_start3A_86] : memref<16x9x8x128xi32, #tpu.memory_space<hbm>> -> memref<1x1x8x128xi32, #tpu.memory_space<hbm>>
          %dma_start3A_88 = tpu.memref_squeeze %dma_start3A_87 : memref<1x1x8x128xi32, #tpu.memory_space<hbm>> -> memref<8x128xi32, #tpu.memory_space<hbm>>
          %dma_start3A_89 = arith.constant 0 : i32
          %dma_start3A_90 = arith.constant 0 : i32
          %dma_start3A_91 = tpu.memref_slice %arg6[%arg1, %scan3A_31, %dma_start3A_89, %dma_start3A_90] : memref<16x9x8x128xi32, #tpu.memory_space<hbm>> -> memref<1x1x8x128xi32, #tpu.memory_space<hbm>>
          %dma_start3A_92 = tpu.memref_squeeze %dma_start3A_91 : memref<1x1x8x128xi32, #tpu.memory_space<hbm>> -> memref<8x128xi32, #tpu.memory_space<hbm>>
          tpu.enqueue_dma source(%dma_start3A_92 : memref<8x128xi32, #tpu.memory_space<hbm>>) target(%arg9 : memref<8x128xi32, #tpu.memory_space<vmem>>) target_semaphore(%run_scoped3A_84 : memref<!tpu.dma_semaphore, #tpu.memory_space<semaphore_mem>>)
          %dma_wait3A_93 = arith.constant 0 : i32
          %dma_wait3A_94 = arith.constant 0 : i32
          %dma_wait3A_95 = tpu.memref_slice %arg6[%arg1, %scan3A_31, %dma_wait3A_93, %dma_wait3A_94] : memref<16x9x8x128xi32, #tpu.memory_space<hbm>> -> memref<1x1x8x128xi32, #tpu.memory_space<hbm>>
          %dma_wait3A_96 = tpu.memref_squeeze %dma_wait3A_95 : memref<1x1x8x128xi32, #tpu.memory_space<hbm>> -> memref<8x128xi32, #tpu.memory_space<hbm>>
          %dma_wait3A_97 = arith.constant 0 : i32
          %dma_wait3A_98 = arith.constant 0 : i32
          %dma_wait3A_99 = tpu.memref_slice %arg6[%arg1, %scan3A_31, %dma_wait3A_97, %dma_wait3A_98] : memref<16x9x8x128xi32, #tpu.memory_space<hbm>> -> memref<1x1x8x128xi32, #tpu.memory_space<hbm>>
          %dma_wait3A_100 = tpu.memref_squeeze %dma_wait3A_99 : memref<1x1x8x128xi32, #tpu.memory_space<hbm>> -> memref<8x128xi32, #tpu.memory_space<hbm>>
          tpu.wait_dma2 semaphore(%run_scoped3A_84 : memref<!tpu.dma_semaphore, #tpu.memory_space<semaphore_mem>>) src(%dma_wait3A_100 : memref<8x128xi32, #tpu.memory_space<hbm>>) dst(%arg9 : memref<8x128xi32, #tpu.memory_space<vmem>>)
          tpu.yield
        }) : () -> ()
        %dma_start3A = arith.constant 0 : i32
        %dma_start3A_32 = arith.constant 0 : i32
        %dma_start3A_33 = tpu.memref_slice %arg8[%dma_start3A, %dma_start3A_32] : memref<8x128xi32, #tpu.memory_space<vmem>> -> memref<1x128xi32, #tpu.memory_space<vmem>>
        %dma_start3A_34 = tpu.memref_squeeze %dma_start3A_33 : memref<1x128xi32, #tpu.memory_space<vmem>> -> memref<128xi32, #tpu.memory_space<vmem>>
        %dma_start3A_35 = arith.constant 0 : i32
        %dma_start3A_36 = arith.constant 0 : i32
        %dma_start3A_37 = tpu.memref_slice %arg2[%dma_start3A_35, %dma_start3A_36] : memref<10240x64xi32, #tpu.memory_space<hbm>> -> memref<10240x64xi32, #tpu.memory_space<hbm>>
        tpu.enqueue_indirect_dma source(%dma_start3A_37 : memref<10240x64xi32, #tpu.memory_space<hbm>>) target(%arg10 : memref<128x64xi32, #tpu.memory_space<vmem>>) offsets(%dma_start3A_34 : memref<128xi32, #tpu.memory_space<vmem>>) semaphore(%arg14 : memref<!tpu.dma_semaphore, #tpu.memory_space<semaphore_mem>>)
        %dma_start3A_38 = arith.constant 1 : i32
        %dma_start3A_39 = arith.constant 0 : i32
        %dma_start3A_40 = tpu.memref_slice %arg8[%dma_start3A_38, %dma_start3A_39] : memref<8x128xi32, #tpu.memory_space<vmem>> -> memref<1x128xi32, #tpu.memory_space<vmem>>
        %dma_start3A_41 = tpu.memref_squeeze %dma_start3A_40 : memref<1x128xi32, #tpu.memory_space<vmem>> -> memref<128xi32, #tpu.memory_space<vmem>>
        %dma_start3A_42 = arith.constant 0 : i32
        %dma_start3A_43 = arith.constant 0 : i32
        %dma_start3A_44 = tpu.memref_slice %arg2[%dma_start3A_42, %dma_start3A_43] : memref<10240x64xi32, #tpu.memory_space<hbm>> -> memref<10240x64xi32, #tpu.memory_space<hbm>>
        tpu.enqueue_indirect_dma source(%dma_start3A_44 : memref<10240x64xi32, #tpu.memory_space<hbm>>) target(%arg11 : memref<128x64xi32, #tpu.memory_space<vmem>>) offsets(%dma_start3A_41 : memref<128xi32, #tpu.memory_space<vmem>>) semaphore(%arg15 : memref<!tpu.dma_semaphore, #tpu.memory_space<semaphore_mem>>)
        %scan3A_45 = arith.constant 0 : i32
        %scan3A_46 = arith.constant 0 : i32
        %scan3A_47 = arith.constant 3 : i32
        %scan3A_48 = arith.addi %scan3A_46, %scan3A_47 : i32
        %scan3A_49 = arith.constant 1 : i32
        scf.for %scan3A_84 = %scan3A_46 to %scan3A_48 step %scan3A_49  : i32 {
          %mul3A_85 = arith.constant 2 : i32
          %mul3A_86 = arith.muli %mul3A_85, %scan3A_84 : i32
          %dma_wait3A_87 = arith.constant 0 : i32
          %dma_wait3A_88 = arith.constant 0 : i32
          %dma_wait3A_89 = tpu.memref_slice %arg8[%dma_wait3A_87, %dma_wait3A_88] : memref<8x128xi32, #tpu.memory_space<vmem>> -> memref<1x128xi32, #tpu.memory_space<vmem>>
          %dma_wait3A_90 = tpu.memref_squeeze %dma_wait3A_89 : memref<1x128xi32, #tpu.memory_space<vmem>> -> memref<128xi32, #tpu.memory_space<vmem>>
          %dma_wait3A_91 = arith.constant 0 : i32
          %dma_wait3A_92 = arith.constant 0 : i32
          %dma_wait3A_93 = tpu.memref_slice %arg2[%dma_wait3A_91, %dma_wait3A_92] : memref<10240x64xi32, #tpu.memory_space<hbm>> -> memref<10240x64xi32, #tpu.memory_space<hbm>>
          tpu.wait_indirect_dma semaphore(%arg14 : memref<!tpu.dma_semaphore, #tpu.memory_space<semaphore_mem>>) src(%dma_wait3A_93 : memref<10240x64xi32, #tpu.memory_space<hbm>>) dst(%arg10 : memref<128x64xi32, #tpu.memory_space<vmem>>)
          %broadcast_in_dim3A_94 = arith.constant 16 : i32
          %broadcast_in_dim3A_95 = vector.broadcast %broadcast_in_dim3A_94 : i32 to vector<16xi32>
          %broadcast_in_dim3A_96 = arith.constant -65536 : i32
          %broadcast_in_dim3A_97 = vector.broadcast %broadcast_in_dim3A_96 : i32 to vector<16xi32>
          %scan3A_98 = arith.constant 0 : i32
          %scan3A_99 = arith.constant 0 : i32
          %scan3A_100 = arith.constant 128 : i32
          %scan3A_101 = arith.addi %scan3A_99, %scan3A_100 : i32
          %scan3A_102 = arith.constant 1 : i32
          scf.for %scan3A_139 = %scan3A_99 to %scan3A_101 step %scan3A_102  : i32 {
            %get3A = arith.index_cast %scan3A_139 : i32 to index
            %get3A_140 = arith.constant 0 : index
            %get3A_141 = tpu.vector_load %arg10[%get3A, %get3A_140] {strides = array<i32>} : memref<128x64xi32, #tpu.memory_space<vmem>>, vector<1x16xi32>,
            %get3A_142 = vector.shape_cast %get3A_141 : vector<1x16xi32> to vector<16xi32>
            %shift_left3A = arith.shli %get3A_142, %broadcast_in_dim3A_95 : vector<16xi32>
            %bitcast_convert_type3A = tpu.bitcast %shift_left3A : vector<16xi32> -> vector<16xf32>
            %swap3A = arith.index_cast %scan3A_139 : i32 to index
            %swap3A_143 = arith.constant 0 : index
            %swap3A_144 = tpu.vector_load %arg12[%swap3A, %swap3A_143] {strides = array<i32>} : memref<128x128xf32, #tpu.memory_space<vmem>>, vector<1x16xf32>,
            %swap3A_145 = vector.shape_cast %swap3A_144 : vector<1x16xf32> to vector<16xf32>
            %swap3A_146 = vector.shape_cast %bitcast_convert_type3A : vector<16xf32> to vector<1x16xf32>
            tpu.vector_store %arg12[%swap3A, %swap3A_143], %swap3A_146 {strides = array<i32>} : memref<128x128xf32, #tpu.memory_space<vmem>>, vector<1x16xf32>,
            %and3A = arith.andi %get3A_142, %broadcast_in_dim3A_97 : vector<16xi32>
            %bitcast_convert_type3A_147 = tpu.bitcast %and3A : vector<16xi32> -> vector<16xf32>
            %swap3A_148 = arith.index_cast %scan3A_139 : i32 to index
            %swap3A_149 = arith.constant 16 : index
            %swap3A_150 = tpu.vector_load %arg12[%swap3A_148, %swap3A_149] {strides = array<i32>} : memref<128x128xf32, #tpu.memory_space<vmem>>, vector<1x16xf32>,
            %swap3A_151 = vector.shape_cast %swap3A_150 : vector<1x16xf32> to vector<16xf32>
            %swap3A_152 = vector.shape_cast %bitcast_convert_type3A_147 : vector<16xf32> to vector<1x16xf32>
            tpu.vector_store %arg12[%swap3A_148, %swap3A_149], %swap3A_152 {strides = array<i32>} : memref<128x128xf32, #tpu.memory_space<vmem>>, vector<1x16xf32>,
            %get3A_153 = arith.index_cast %scan3A_139 : i32 to index
            %get3A_154 = arith.constant 16 : index
            %get3A_155 = tpu.vector_load %arg10[%get3A_153, %get3A_154] {strides = array<i32>} : memref<128x64xi32, #tpu.memory_space<vmem>>, vector<1x16xi32>,
            %get3A_156 = vector.shape_cast %get3A_155 : vector<1x16xi32> to vector<16xi32>
            %shift_left3A_157 = arith.shli %get3A_156, %broadcast_in_dim3A_95 : vector<16xi32>
            %bitcast_convert_type3A_158 = tpu.bitcast %shift_left3A_157 : vector<16xi32> -> vector<16xf32>
            %swap3A_159 = arith.index_cast %scan3A_139 : i32 to index
            %swap3A_160 = arith.constant 32 : index
            %swap3A_161 = tpu.vector_load %arg12[%swap3A_159, %swap3A_160] {strides = array<i32>} : memref<128x128xf32, #tpu.memory_space<vmem>>, vector<1x16xf32>,
            %swap3A_162 = vector.shape_cast %swap3A_161 : vector<1x16xf32> to vector<16xf32>
            %swap3A_163 = vector.shape_cast %bitcast_convert_type3A_158 : vector<16xf32> to vector<1x16xf32>
            tpu.vector_store %arg12[%swap3A_159, %swap3A_160], %swap3A_163 {strides = array<i32>} : memref<128x128xf32, #tpu.memory_space<vmem>>, vector<1x16xf32>,
            %and3A_164 = arith.andi %get3A_156, %broadcast_in_dim3A_97 : vector<16xi32>
            %bitcast_convert_type3A_165 = tpu.bitcast %and3A_164 : vector<16xi32> -> vector<16xf32>
            %swap3A_166 = arith.index_cast %scan3A_139 : i32 to index
            %swap3A_167 = arith.constant 48 : index
            %swap3A_168 = tpu.vector_load %arg12[%swap3A_166, %swap3A_167] {strides = array<i32>} : memref<128x128xf32, #tpu.memory_space<vmem>>, vector<1x16xf32>,
            %swap3A_169 = vector.shape_cast %swap3A_168 : vector<1x16xf32> to vector<16xf32>
            %swap3A_170 = vector.shape_cast %bitcast_convert_type3A_165 : vector<16xf32> to vector<1x16xf32>
            tpu.vector_store %arg12[%swap3A_166, %swap3A_167], %swap3A_170 {strides = array<i32>} : memref<128x128xf32, #tpu.memory_space<vmem>>, vector<1x16xf32>,
            %get3A_171 = arith.index_cast %scan3A_139 : i32 to index
            %get3A_172 = arith.constant 32 : index
            %get3A_173 = tpu.vector_load %arg10[%get3A_171, %get3A_172] {strides = array<i32>} : memref<128x64xi32, #tpu.memory_space<vmem>>, vector<1x16xi32>,
            %get3A_174 = vector.shape_cast %get3A_173 : vector<1x16xi32> to vector<16xi32>
            %shift_left3A_175 = arith.shli %get3A_174, %broadcast_in_dim3A_95 : vector<16xi32>
            %bitcast_convert_type3A_176 = tpu.bitcast %shift_left3A_175 : vector<16xi32> -> vector<16xf32>
            %swap3A_177 = arith.index_cast %scan3A_139 : i32 to index
            %swap3A_178 = arith.constant 64 : index
            %swap3A_179 = tpu.vector_load %arg12[%swap3A_177, %swap3A_178] {strides = array<i32>} : memref<128x128xf32, #tpu.memory_space<vmem>>, vector<1x16xf32>,
            %swap3A_180 = vector.shape_cast %swap3A_179 : vector<1x16xf32> to vector<16xf32>
            %swap3A_181 = vector.shape_cast %bitcast_convert_type3A_176 : vector<16xf32> to vector<1x16xf32>
            tpu.vector_store %arg12[%swap3A_177, %swap3A_178], %swap3A_181 {strides = array<i32>} : memref<128x128xf32, #tpu.memory_space<vmem>>, vector<1x16xf32>,
            %and3A_182 = arith.andi %get3A_174, %broadcast_in_dim3A_97 : vector<16xi32>
            %bitcast_convert_type3A_183 = tpu.bitcast %and3A_182 : vector<16xi32> -> vector<16xf32>
            %swap3A_184 = arith.index_cast %scan3A_139 : i32 to index
            %swap3A_185 = arith.constant 80 : index
            %swap3A_186 = tpu.vector_load %arg12[%swap3A_184, %swap3A_185] {strides = array<i32>} : memref<128x128xf32, #tpu.memory_space<vmem>>, vector<1x16xf32>,
            %swap3A_187 = vector.shape_cast %swap3A_186 : vector<1x16xf32> to vector<16xf32>
            %swap3A_188 = vector.shape_cast %bitcast_convert_type3A_183 : vector<16xf32> to vector<1x16xf32>
            tpu.vector_store %arg12[%swap3A_184, %swap3A_185], %swap3A_188 {strides = array<i32>} : memref<128x128xf32, #tpu.memory_space<vmem>>, vector<1x16xf32>,
            %get3A_189 = arith.index_cast %scan3A_139 : i32 to index
            %get3A_190 = arith.constant 48 : index
            %get3A_191 = tpu.vector_load %arg10[%get3A_189, %get3A_190] {strides = array<i32>} : memref<128x64xi32, #tpu.memory_space<vmem>>, vector<1x16xi32>,
            %get3A_192 = vector.shape_cast %get3A_191 : vector<1x16xi32> to vector<16xi32>
            %shift_left3A_193 = arith.shli %get3A_192, %broadcast_in_dim3A_95 : vector<16xi32>
            %bitcast_convert_type3A_194 = tpu.bitcast %shift_left3A_193 : vector<16xi32> -> vector<16xf32>
            %swap3A_195 = arith.index_cast %scan3A_139 : i32 to index
            %swap3A_196 = arith.constant 96 : index
            %swap3A_197 = tpu.vector_load %arg12[%swap3A_195, %swap3A_196] {strides = array<i32>} : memref<128x128xf32, #tpu.memory_space<vmem>>, vector<1x16xf32>,
            %swap3A_198 = vector.shape_cast %swap3A_197 : vector<1x16xf32> to vector<16xf32>
            %swap3A_199 = vector.shape_cast %bitcast_convert_type3A_194 : vector<16xf32> to vector<1x16xf32>
            tpu.vector_store %arg12[%swap3A_195, %swap3A_196], %swap3A_199 {strides = array<i32>} : memref<128x128xf32, #tpu.memory_space<vmem>>, vector<1x16xf32>,
            %and3A_200 = arith.andi %get3A_192, %broadcast_in_dim3A_97 : vector<16xi32>
            %bitcast_convert_type3A_201 = tpu.bitcast %and3A_200 : vector<16xi32> -> vector<16xf32>
            %swap3A_202 = arith.index_cast %scan3A_139 : i32 to index
            %swap3A_203 = arith.constant 112 : index
            %swap3A_204 = tpu.vector_load %arg12[%swap3A_202, %swap3A_203] {strides = array<i32>} : memref<128x128xf32, #tpu.memory_space<vmem>>, vector<1x16xf32>,
            %swap3A_205 = vector.shape_cast %swap3A_204 : vector<1x16xf32> to vector<16xf32>
            %swap3A_206 = vector.shape_cast %bitcast_convert_type3A_201 : vector<16xf32> to vector<1x16xf32>
            tpu.vector_store %arg12[%swap3A_202, %swap3A_203], %swap3A_206 {strides = array<i32>} : memref<128x128xf32, #tpu.memory_space<vmem>>, vector<1x16xf32>,
          }
          %scan3A_103 = arith.constant 128 : i32
          %add3A_104 = arith.constant 2 : i32
          %add3A_105 = arith.addi %mul3A_86, %add3A_104 : i32
          %dma_start3A_106 = arith.constant 0 : i32
          %dma_start3A_107 = tpu.memref_slice %arg8[%add3A_105, %dma_start3A_106] : memref<8x128xi32, #tpu.memory_space<vmem>> -> memref<1x128xi32, #tpu.memory_space<vmem>>
          %dma_start3A_108 = tpu.memref_squeeze %dma_start3A_107 : memref<1x128xi32, #tpu.memory_space<vmem>> -> memref<128xi32, #tpu.memory_space<vmem>>
          %dma_start3A_109 = arith.constant 0 : i32
          %dma_start3A_110 = arith.constant 0 : i32
          %dma_start3A_111 = tpu.memref_slice %arg2[%dma_start3A_109, %dma_start3A_110] : memref<10240x64xi32, #tpu.memory_space<hbm>> -> memref<10240x64xi32, #tpu.memory_space<hbm>>
          tpu.enqueue_indirect_dma source(%dma_start3A_111 : memref<10240x64xi32, #tpu.memory_space<hbm>>) target(%arg10 : memref<128x64xi32, #tpu.memory_space<vmem>>) offsets(%dma_start3A_108 : memref<128xi32, #tpu.memory_space<vmem>>) semaphore(%arg14 : memref<!tpu.dma_semaphore, #tpu.memory_space<semaphore_mem>>)
          "tpu.region"() ({
            %run_scoped3A_139 = tpu.sem_alloc : memref<!tpu.dma_semaphore, #tpu.memory_space<semaphore_mem>>
            %dma_start3A_140 = arith.constant 0 : i32
            %dma_start3A_141 = tpu.memref_slice %arg9[%mul3A_86, %dma_start3A_140] : memref<8x128xi32, #tpu.memory_space<vmem>> -> memref<1x128xi32, #tpu.memory_space<vmem>>
            %dma_start3A_142 = tpu.memref_squeeze %dma_start3A_141 : memref<1x128xi32, #tpu.memory_space<vmem>> -> memref<128xi32, #tpu.memory_space<vmem>>
            %dma_start3A_143 = arith.constant 0 : i32
            %dma_start3A_144 = arith.constant 0 : i32
            %dma_start3A_145 = tpu.memref_slice %arg13[%dma_start3A_143, %dma_start3A_144] : memref<10000x128xf32, #tpu.memory_space<vmem_shared>> -> memref<10000x128xf32, #tpu.memory_space<vmem_shared>>
            tpu.enqueue_indirect_dma source(%arg12 : memref<128x128xf32, #tpu.memory_space<vmem>>) target(%dma_start3A_145 : memref<10000x128xf32, #tpu.memory_space<vmem_shared>>) offsets(%dma_start3A_142 : memref<128xi32, #tpu.memory_space<vmem>>) semaphore(%run_scoped3A_139 : memref<!tpu.dma_semaphore, #tpu.memory_space<semaphore_mem>>) {add = true}
            %dma_wait3A_146 = arith.constant 0 : i32
            %dma_wait3A_147 = tpu.memref_slice %arg9[%mul3A_86, %dma_wait3A_146] : memref<8x128xi32, #tpu.memory_space<vmem>> -> memref<1x128xi32, #tpu.memory_space<vmem>>
            %dma_wait3A_148 = tpu.memref_squeeze %dma_wait3A_147 : memref<1x128xi32, #tpu.memory_space<vmem>> -> memref<128xi32, #tpu.memory_space<vmem>>
            %dma_wait3A_149 = arith.constant 0 : i32
            %dma_wait3A_150 = arith.constant 0 : i32
            %dma_wait3A_151 = tpu.memref_slice %arg13[%dma_wait3A_149, %dma_wait3A_150] : memref<10000x128xf32, #tpu.memory_space<vmem_shared>> -> memref<10000x128xf32, #tpu.memory_space<vmem_shared>>
            tpu.wait_indirect_dma semaphore(%run_scoped3A_139 : memref<!tpu.dma_semaphore, #tpu.memory_space<semaphore_mem>>) src(%arg12 : memref<128x128xf32, #tpu.memory_space<vmem>>) dst(%dma_wait3A_151 : memref<10000x128xf32, #tpu.memory_space<vmem_shared>>)
            tpu.yield
          }) : () -> ()
          %dma_wait3A_112 = arith.constant 1 : i32
          %dma_wait3A_113 = arith.constant 0 : i32
          %dma_wait3A_114 = tpu.memref_slice %arg8[%dma_wait3A_112, %dma_wait3A_113] : memref<8x128xi32, #tpu.memory_space<vmem>> -> memref<1x128xi32, #tpu.memory_space<vmem>>
          %dma_wait3A_115 = tpu.memref_squeeze %dma_wait3A_114 : memref<1x128xi32, #tpu.memory_space<vmem>> -> memref<128xi32, #tpu.memory_space<vmem>>
          %dma_wait3A_116 = arith.constant 0 : i32
          %dma_wait3A_117 = arith.constant 0 : i32
          %dma_wait3A_118 = tpu.memref_slice %arg2[%dma_wait3A_116, %dma_wait3A_117] : memref<10240x64xi32, #tpu.memory_space<hbm>> -> memref<10240x64xi32, #tpu.memory_space<hbm>>
          tpu.wait_indirect_dma semaphore(%arg15 : memref<!tpu.dma_semaphore, #tpu.memory_space<semaphore_mem>>) src(%dma_wait3A_118 : memref<10240x64xi32, #tpu.memory_space<hbm>>) dst(%arg11 : memref<128x64xi32, #tpu.memory_space<vmem>>)
          %broadcast_in_dim3A_119 = arith.constant 16 : i32
          %broadcast_in_dim3A_120 = vector.broadcast %broadcast_in_dim3A_119 : i32 to vector<16xi32>
          %broadcast_in_dim3A_121 = arith.constant -65536 : i32
          %broadcast_in_dim3A_122 = vector.broadcast %broadcast_in_dim3A_121 : i32 to vector<16xi32>
          %scan3A_123 = arith.constant 0 : i32
          %scan3A_124 = arith.constant 0 : i32
          %scan3A_125 = arith.constant 128 : i32
          %scan3A_126 = arith.addi %scan3A_124, %scan3A_125 : i32
          %scan3A_127 = arith.constant 1 : i32
          scf.for %scan3A_139 = %scan3A_124 to %scan3A_126 step %scan3A_127  : i32 {
            %get3A = arith.index_cast %scan3A_139 : i32 to index
            %get3A_140 = arith.constant 0 : index
            %get3A_141 = tpu.vector_load %arg11[%get3A, %get3A_140] {strides = array<i32>} : memref<128x64xi32, #tpu.memory_space<vmem>>, vector<1x16xi32>,
            %get3A_142 = vector.shape_cast %get3A_141 : vector<1x16xi32> to vector<16xi32>
            %shift_left3A = arith.shli %get3A_142, %broadcast_in_dim3A_120 : vector<16xi32>
            %bitcast_convert_type3A = tpu.bitcast %shift_left3A : vector<16xi32> -> vector<16xf32>
            %swap3A = arith.index_cast %scan3A_139 : i32 to index
            %swap3A_143 = arith.constant 0 : index
            %swap3A_144 = tpu.vector_load %arg12[%swap3A, %swap3A_143] {strides = array<i32>} : memref<128x128xf32, #tpu.memory_space<vmem>>, vector<1x16xf32>,
            %swap3A_145 = vector.shape_cast %swap3A_144 : vector<1x16xf32> to vector<16xf32>
            %swap3A_146 = vector.shape_cast %bitcast_convert_type3A : vector<16xf32> to vector<1x16xf32>
            tpu.vector_store %arg12[%swap3A, %swap3A_143], %swap3A_146 {strides = array<i32>} : memref<128x128xf32, #tpu.memory_space<vmem>>, vector<1x16xf32>,
            %and3A = arith.andi %get3A_142, %broadcast_in_dim3A_122 : vector<16xi32>
            %bitcast_convert_type3A_147 = tpu.bitcast %and3A : vector<16xi32> -> vector<16xf32>
            %swap3A_148 = arith.index_cast %scan3A_139 : i32 to index
            %swap3A_149 = arith.constant 16 : index
            %swap3A_150 = tpu.vector_load %arg12[%swap3A_148, %swap3A_149] {strides = array<i32>} : memref<128x128xf32, #tpu.memory_space<vmem>>, vector<1x16xf32>,
            %swap3A_151 = vector.shape_cast %swap3A_150 : vector<1x16xf32> to vector<16xf32>
            %swap3A_152 = vector.shape_cast %bitcast_convert_type3A_147 : vector<16xf32> to vector<1x16xf32>
            tpu.vector_store %arg12[%swap3A_148, %swap3A_149], %swap3A_152 {strides = array<i32>} : memref<128x128xf32, #tpu.memory_space<vmem>>, vector<1x16xf32>,
            %get3A_153 = arith.index_cast %scan3A_139 : i32 to index
            %get3A_154 = arith.constant 16 : index
            %get3A_155 = tpu.vector_load %arg11[%get3A_153, %get3A_154] {strides = array<i32>} : memref<128x64xi32, #tpu.memory_space<vmem>>, vector<1x16xi32>,
            %get3A_156 = vector.shape_cast %get3A_155 : vector<1x16xi32> to vector<16xi32>
            %shift_left3A_157 = arith.shli %get3A_156, %broadcast_in_dim3A_120 : vector<16xi32>
            %bitcast_convert_type3A_158 = tpu.bitcast %shift_left3A_157 : vector<16xi32> -> vector<16xf32>
            %swap3A_159 = arith.index_cast %scan3A_139 : i32 to index
            %swap3A_160 = arith.constant 32 : index
            %swap3A_161 = tpu.vector_load %arg12[%swap3A_159, %swap3A_160] {strides = array<i32>} : memref<128x128xf32, #tpu.memory_space<vmem>>, vector<1x16xf32>,
            %swap3A_162 = vector.shape_cast %swap3A_161 : vector<1x16xf32> to vector<16xf32>
            %swap3A_163 = vector.shape_cast %bitcast_convert_type3A_158 : vector<16xf32> to vector<1x16xf32>
            tpu.vector_store %arg12[%swap3A_159, %swap3A_160], %swap3A_163 {strides = array<i32>} : memref<128x128xf32, #tpu.memory_space<vmem>>, vector<1x16xf32>,
            %and3A_164 = arith.andi %get3A_156, %broadcast_in_dim3A_122 : vector<16xi32>
            %bitcast_convert_type3A_165 = tpu.bitcast %and3A_164 : vector<16xi32> -> vector<16xf32>
            %swap3A_166 = arith.index_cast %scan3A_139 : i32 to index
            %swap3A_167 = arith.constant 48 : index
            %swap3A_168 = tpu.vector_load %arg12[%swap3A_166, %swap3A_167] {strides = array<i32>} : memref<128x128xf32, #tpu.memory_space<vmem>>, vector<1x16xf32>,
            %swap3A_169 = vector.shape_cast %swap3A_168 : vector<1x16xf32> to vector<16xf32>
            %swap3A_170 = vector.shape_cast %bitcast_convert_type3A_165 : vector<16xf32> to vector<1x16xf32>
            tpu.vector_store %arg12[%swap3A_166, %swap3A_167], %swap3A_170 {strides = array<i32>} : memref<128x128xf32, #tpu.memory_space<vmem>>, vector<1x16xf32>,
            %get3A_171 = arith.index_cast %scan3A_139 : i32 to index
            %get3A_172 = arith.constant 32 : index
            %get3A_173 = tpu.vector_load %arg11[%get3A_171, %get3A_172] {strides = array<i32>} : memref<128x64xi32, #tpu.memory_space<vmem>>, vector<1x16xi32>,
            %get3A_174 = vector.shape_cast %get3A_173 : vector<1x16xi32> to vector<16xi32>
            %shift_left3A_175 = arith.shli %get3A_174, %broadcast_in_dim3A_120 : vector<16xi32>
            %bitcast_convert_type3A_176 = tpu.bitcast %shift_left3A_175 : vector<16xi32> -> vector<16xf32>
            %swap3A_177 = arith.index_cast %scan3A_139 : i32 to index
            %swap3A_178 = arith.constant 64 : index
            %swap3A_179 = tpu.vector_load %arg12[%swap3A_177, %swap3A_178] {strides = array<i32>} : memref<128x128xf32, #tpu.memory_space<vmem>>, vector<1x16xf32>,
            %swap3A_180 = vector.shape_cast %swap3A_179 : vector<1x16xf32> to vector<16xf32>
            %swap3A_181 = vector.shape_cast %bitcast_convert_type3A_176 : vector<16xf32> to vector<1x16xf32>
            tpu.vector_store %arg12[%swap3A_177, %swap3A_178], %swap3A_181 {strides = array<i32>} : memref<128x128xf32, #tpu.memory_space<vmem>>, vector<1x16xf32>,
            %and3A_182 = arith.andi %get3A_174, %broadcast_in_dim3A_122 : vector<16xi32>
            %bitcast_convert_type3A_183 = tpu.bitcast %and3A_182 : vector<16xi32> -> vector<16xf32>
            %swap3A_184 = arith.index_cast %scan3A_139 : i32 to index
            %swap3A_185 = arith.constant 80 : index
            %swap3A_186 = tpu.vector_load %arg12[%swap3A_184, %swap3A_185] {strides = array<i32>} : memref<128x128xf32, #tpu.memory_space<vmem>>, vector<1x16xf32>,
            %swap3A_187 = vector.shape_cast %swap3A_186 : vector<1x16xf32> to vector<16xf32>
            %swap3A_188 = vector.shape_cast %bitcast_convert_type3A_183 : vector<16xf32> to vector<1x16xf32>
            tpu.vector_store %arg12[%swap3A_184, %swap3A_185], %swap3A_188 {strides = array<i32>} : memref<128x128xf32, #tpu.memory_space<vmem>>, vector<1x16xf32>,
            %get3A_189 = arith.index_cast %scan3A_139 : i32 to index
            %get3A_190 = arith.constant 48 : index
            %get3A_191 = tpu.vector_load %arg11[%get3A_189, %get3A_190] {strides = array<i32>} : memref<128x64xi32, #tpu.memory_space<vmem>>, vector<1x16xi32>,
            %get3A_192 = vector.shape_cast %get3A_191 : vector<1x16xi32> to vector<16xi32>
            %shift_left3A_193 = arith.shli %get3A_192, %broadcast_in_dim3A_120 : vector<16xi32>
            %bitcast_convert_type3A_194 = tpu.bitcast %shift_left3A_193 : vector<16xi32> -> vector<16xf32>
            %swap3A_195 = arith.index_cast %scan3A_139 : i32 to index
            %swap3A_196 = arith.constant 96 : index
            %swap3A_197 = tpu.vector_load %arg12[%swap3A_195, %swap3A_196] {strides = array<i32>} : memref<128x128xf32, #tpu.memory_space<vmem>>, vector<1x16xf32>,
            %swap3A_198 = vector.shape_cast %swap3A_197 : vector<1x16xf32> to vector<16xf32>
            %swap3A_199 = vector.shape_cast %bitcast_convert_type3A_194 : vector<16xf32> to vector<1x16xf32>
            tpu.vector_store %arg12[%swap3A_195, %swap3A_196], %swap3A_199 {strides = array<i32>} : memref<128x128xf32, #tpu.memory_space<vmem>>, vector<1x16xf32>,
            %and3A_200 = arith.andi %get3A_192, %broadcast_in_dim3A_122 : vector<16xi32>
            %bitcast_convert_type3A_201 = tpu.bitcast %and3A_200 : vector<16xi32> -> vector<16xf32>
            %swap3A_202 = arith.index_cast %scan3A_139 : i32 to index
            %swap3A_203 = arith.constant 112 : index
            %swap3A_204 = tpu.vector_load %arg12[%swap3A_202, %swap3A_203] {strides = array<i32>} : memref<128x128xf32, #tpu.memory_space<vmem>>, vector<1x16xf32>,
            %swap3A_205 = vector.shape_cast %swap3A_204 : vector<1x16xf32> to vector<16xf32>
            %swap3A_206 = vector.shape_cast %bitcast_convert_type3A_201 : vector<16xf32> to vector<1x16xf32>
            tpu.vector_store %arg12[%swap3A_202, %swap3A_203], %swap3A_206 {strides = array<i32>} : memref<128x128xf32, #tpu.memory_space<vmem>>, vector<1x16xf32>,
          }
          %scan3A_128 = arith.constant 128 : i32
          %add3A_129 = arith.constant 3 : i32
          %add3A_130 = arith.addi %mul3A_86, %add3A_129 : i32
          %dma_start3A_131 = arith.constant 0 : i32
          %dma_start3A_132 = tpu.memref_slice %arg8[%add3A_130, %dma_start3A_131] : memref<8x128xi32, #tpu.memory_space<vmem>> -> memref<1x128xi32, #tpu.memory_space<vmem>>
          %dma_start3A_133 = tpu.memref_squeeze %dma_start3A_132 : memref<1x128xi32, #tpu.memory_space<vmem>> -> memref<128xi32, #tpu.memory_space<vmem>>
          %dma_start3A_134 = arith.constant 0 : i32
          %dma_start3A_135 = arith.constant 0 : i32
          %dma_start3A_136 = tpu.memref_slice %arg2[%dma_start3A_134, %dma_start3A_135] : memref<10240x64xi32, #tpu.memory_space<hbm>> -> memref<10240x64xi32, #tpu.memory_space<hbm>>
          tpu.enqueue_indirect_dma source(%dma_start3A_136 : memref<10240x64xi32, #tpu.memory_space<hbm>>) target(%arg11 : memref<128x64xi32, #tpu.memory_space<vmem>>) offsets(%dma_start3A_133 : memref<128xi32, #tpu.memory_space<vmem>>) semaphore(%arg15 : memref<!tpu.dma_semaphore, #tpu.memory_space<semaphore_mem>>)
          %add3A_137 = arith.constant 1 : i32
          %add3A_138 = arith.addi %mul3A_86, %add3A_137 : i32
          "tpu.region"() ({
            %run_scoped3A_139 = tpu.sem_alloc : memref<!tpu.dma_semaphore, #tpu.memory_space<semaphore_mem>>
            %dma_start3A_140 = arith.constant 0 : i32
            %dma_start3A_141 = tpu.memref_slice %arg9[%add3A_138, %dma_start3A_140] : memref<8x128xi32, #tpu.memory_space<vmem>> -> memref<1x128xi32, #tpu.memory_space<vmem>>
            %dma_start3A_142 = tpu.memref_squeeze %dma_start3A_141 : memref<1x128xi32, #tpu.memory_space<vmem>> -> memref<128xi32, #tpu.memory_space<vmem>>
            %dma_start3A_143 = arith.constant 0 : i32
            %dma_start3A_144 = arith.constant 0 : i32
            %dma_start3A_145 = tpu.memref_slice %arg13[%dma_start3A_143, %dma_start3A_144] : memref<10000x128xf32, #tpu.memory_space<vmem_shared>> -> memref<10000x128xf32, #tpu.memory_space<vmem_shared>>
            tpu.enqueue_indirect_dma source(%arg12 : memref<128x128xf32, #tpu.memory_space<vmem>>) target(%dma_start3A_145 : memref<10000x128xf32, #tpu.memory_space<vmem_shared>>) offsets(%dma_start3A_142 : memref<128xi32, #tpu.memory_space<vmem>>) semaphore(%run_scoped3A_139 : memref<!tpu.dma_semaphore, #tpu.memory_space<semaphore_mem>>) {add = true}
            %dma_wait3A_146 = arith.constant 0 : i32
            %dma_wait3A_147 = tpu.memref_slice %arg9[%add3A_138, %dma_wait3A_146] : memref<8x128xi32, #tpu.memory_space<vmem>> -> memref<1x128xi32, #tpu.memory_space<vmem>>
            %dma_wait3A_148 = tpu.memref_squeeze %dma_wait3A_147 : memref<1x128xi32, #tpu.memory_space<vmem>> -> memref<128xi32, #tpu.memory_space<vmem>>
            %dma_wait3A_149 = arith.constant 0 : i32
            %dma_wait3A_150 = arith.constant 0 : i32
            %dma_wait3A_151 = tpu.memref_slice %arg13[%dma_wait3A_149, %dma_wait3A_150] : memref<10000x128xf32, #tpu.memory_space<vmem_shared>> -> memref<10000x128xf32, #tpu.memory_space<vmem_shared>>
            tpu.wait_indirect_dma semaphore(%run_scoped3A_139 : memref<!tpu.dma_semaphore, #tpu.memory_space<semaphore_mem>>) src(%arg12 : memref<128x128xf32, #tpu.memory_space<vmem>>) dst(%dma_wait3A_151 : memref<10000x128xf32, #tpu.memory_space<vmem_shared>>)
            tpu.yield
          }) : () -> ()
        }
        %scan3A_50 = arith.constant 3 : i32
        %dma_wait3A = arith.constant 0 : i32
        %dma_wait3A_51 = arith.constant 0 : i32
        %dma_wait3A_52 = tpu.memref_slice %arg8[%dma_wait3A, %dma_wait3A_51] : memref<8x128xi32, #tpu.memory_space<vmem>> -> memref<1x128xi32, #tpu.memory_space<vmem>>
        %dma_wait3A_53 = tpu.memref_squeeze %dma_wait3A_52 : memref<1x128xi32, #tpu.memory_space<vmem>> -> memref<128xi32, #tpu.memory_space<vmem>>
        %dma_wait3A_54 = arith.constant 0 : i32
        %dma_wait3A_55 = arith.constant 0 : i32
        %dma_wait3A_56 = tpu.memref_slice %arg2[%dma_wait3A_54, %dma_wait3A_55] : memref<10240x64xi32, #tpu.memory_space<hbm>> -> memref<10240x64xi32, #tpu.memory_space<hbm>>
        tpu.wait_indirect_dma semaphore(%arg14 : memref<!tpu.dma_semaphore, #tpu.memory_space<semaphore_mem>>) src(%dma_wait3A_56 : memref<10240x64xi32, #tpu.memory_space<hbm>>) dst(%arg10 : memref<128x64xi32, #tpu.memory_space<vmem>>)
        %broadcast_in_dim3A = arith.constant 16 : i32
        %broadcast_in_dim3A_57 = vector.broadcast %broadcast_in_dim3A : i32 to vector<16xi32>
        %broadcast_in_dim3A_58 = arith.constant -65536 : i32
        %broadcast_in_dim3A_59 = vector.broadcast %broadcast_in_dim3A_58 : i32 to vector<16xi32>
        %scan3A_60 = arith.constant 0 : i32
        %scan3A_61 = arith.constant 0 : i32
        %scan3A_62 = arith.constant 128 : i32
        %scan3A_63 = arith.addi %scan3A_61, %scan3A_62 : i32
        %scan3A_64 = arith.constant 1 : i32
        scf.for %scan3A_84 = %scan3A_61 to %scan3A_63 step %scan3A_64  : i32 {
          %get3A = arith.index_cast %scan3A_84 : i32 to index
          %get3A_85 = arith.constant 0 : index
          %get3A_86 = tpu.vector_load %arg10[%get3A, %get3A_85] {strides = array<i32>} : memref<128x64xi32, #tpu.memory_space<vmem>>, vector<1x16xi32>,
          %get3A_87 = vector.shape_cast %get3A_86 : vector<1x16xi32> to vector<16xi32>
          %shift_left3A = arith.shli %get3A_87, %broadcast_in_dim3A_57 : vector<16xi32>
          %bitcast_convert_type3A = tpu.bitcast %shift_left3A : vector<16xi32> -> vector<16xf32>
          %swap3A = arith.index_cast %scan3A_84 : i32 to index
          %swap3A_88 = arith.constant 0 : index
          %swap3A_89 = tpu.vector_load %arg12[%swap3A, %swap3A_88] {strides = array<i32>} : memref<128x128xf32, #tpu.memory_space<vmem>>, vector<1x16xf32>,
          %swap3A_90 = vector.shape_cast %swap3A_89 : vector<1x16xf32> to vector<16xf32>
          %swap3A_91 = vector.shape_cast %bitcast_convert_type3A : vector<16xf32> to vector<1x16xf32>
          tpu.vector_store %arg12[%swap3A, %swap3A_88], %swap3A_91 {strides = array<i32>} : memref<128x128xf32, #tpu.memory_space<vmem>>, vector<1x16xf32>,
          %and3A = arith.andi %get3A_87, %broadcast_in_dim3A_59 : vector<16xi32>
          %bitcast_convert_type3A_92 = tpu.bitcast %and3A : vector<16xi32> -> vector<16xf32>
          %swap3A_93 = arith.index_cast %scan3A_84 : i32 to index
          %swap3A_94 = arith.constant 16 : index
          %swap3A_95 = tpu.vector_load %arg12[%swap3A_93, %swap3A_94] {strides = array<i32>} : memref<128x128xf32, #tpu.memory_space<vmem>>, vector<1x16xf32>,
          %swap3A_96 = vector.shape_cast %swap3A_95 : vector<1x16xf32> to vector<16xf32>
          %swap3A_97 = vector.shape_cast %bitcast_convert_type3A_92 : vector<16xf32> to vector<1x16xf32>
          tpu.vector_store %arg12[%swap3A_93, %swap3A_94], %swap3A_97 {strides = array<i32>} : memref<128x128xf32, #tpu.memory_space<vmem>>, vector<1x16xf32>,
          %get3A_98 = arith.index_cast %scan3A_84 : i32 to index
          %get3A_99 = arith.constant 16 : index
          %get3A_100 = tpu.vector_load %arg10[%get3A_98, %get3A_99] {strides = array<i32>} : memref<128x64xi32, #tpu.memory_space<vmem>>, vector<1x16xi32>,
          %get3A_101 = vector.shape_cast %get3A_100 : vector<1x16xi32> to vector<16xi32>
          %shift_left3A_102 = arith.shli %get3A_101, %broadcast_in_dim3A_57 : vector<16xi32>
          %bitcast_convert_type3A_103 = tpu.bitcast %shift_left3A_102 : vector<16xi32> -> vector<16xf32>
          %swap3A_104 = arith.index_cast %scan3A_84 : i32 to index
          %swap3A_105 = arith.constant 32 : index
          %swap3A_106 = tpu.vector_load %arg12[%swap3A_104, %swap3A_105] {strides = array<i32>} : memref<128x128xf32, #tpu.memory_space<vmem>>, vector<1x16xf32>,
          %swap3A_107 = vector.shape_cast %swap3A_106 : vector<1x16xf32> to vector<16xf32>
          %swap3A_108 = vector.shape_cast %bitcast_convert_type3A_103 : vector<16xf32> to vector<1x16xf32>
          tpu.vector_store %arg12[%swap3A_104, %swap3A_105], %swap3A_108 {strides = array<i32>} : memref<128x128xf32, #tpu.memory_space<vmem>>, vector<1x16xf32>,
          %and3A_109 = arith.andi %get3A_101, %broadcast_in_dim3A_59 : vector<16xi32>
          %bitcast_convert_type3A_110 = tpu.bitcast %and3A_109 : vector<16xi32> -> vector<16xf32>
          %swap3A_111 = arith.index_cast %scan3A_84 : i32 to index
          %swap3A_112 = arith.constant 48 : index
          %swap3A_113 = tpu.vector_load %arg12[%swap3A_111, %swap3A_112] {strides = array<i32>} : memref<128x128xf32, #tpu.memory_space<vmem>>, vector<1x16xf32>,
          %swap3A_114 = vector.shape_cast %swap3A_113 : vector<1x16xf32> to vector<16xf32>
          %swap3A_115 = vector.shape_cast %bitcast_convert_type3A_110 : vector<16xf32> to vector<1x16xf32>
          tpu.vector_store %arg12[%swap3A_111, %swap3A_112], %swap3A_115 {strides = array<i32>} : memref<128x128xf32, #tpu.memory_space<vmem>>, vector<1x16xf32>,
          %get3A_116 = arith.index_cast %scan3A_84 : i32 to index
          %get3A_117 = arith.constant 32 : index
          %get3A_118 = tpu.vector_load %arg10[%get3A_116, %get3A_117] {strides = array<i32>} : memref<128x64xi32, #tpu.memory_space<vmem>>, vector<1x16xi32>,
          %get3A_119 = vector.shape_cast %get3A_118 : vector<1x16xi32> to vector<16xi32>
          %shift_left3A_120 = arith.shli %get3A_119, %broadcast_in_dim3A_57 : vector<16xi32>
          %bitcast_convert_type3A_121 = tpu.bitcast %shift_left3A_120 : vector<16xi32> -> vector<16xf32>
          %swap3A_122 = arith.index_cast %scan3A_84 : i32 to index
          %swap3A_123 = arith.constant 64 : index
          %swap3A_124 = tpu.vector_load %arg12[%swap3A_122, %swap3A_123] {strides = array<i32>} : memref<128x128xf32, #tpu.memory_space<vmem>>, vector<1x16xf32>,
          %swap3A_125 = vector.shape_cast %swap3A_124 : vector<1x16xf32> to vector<16xf32>
          %swap3A_126 = vector.shape_cast %bitcast_convert_type3A_121 : vector<16xf32> to vector<1x16xf32>
          tpu.vector_store %arg12[%swap3A_122, %swap3A_123], %swap3A_126 {strides = array<i32>} : memref<128x128xf32, #tpu.memory_space<vmem>>, vector<1x16xf32>,
          %and3A_127 = arith.andi %get3A_119, %broadcast_in_dim3A_59 : vector<16xi32>
          %bitcast_convert_type3A_128 = tpu.bitcast %and3A_127 : vector<16xi32> -> vector<16xf32>
          %swap3A_129 = arith.index_cast %scan3A_84 : i32 to index
          %swap3A_130 = arith.constant 80 : index
          %swap3A_131 = tpu.vector_load %arg12[%swap3A_129, %swap3A_130] {strides = array<i32>} : memref<128x128xf32, #tpu.memory_space<vmem>>, vector<1x16xf32>,
          %swap3A_132 = vector.shape_cast %swap3A_131 : vector<1x16xf32> to vector<16xf32>
          %swap3A_133 = vector.shape_cast %bitcast_convert_type3A_128 : vector<16xf32> to vector<1x16xf32>
          tpu.vector_store %arg12[%swap3A_129, %swap3A_130], %swap3A_133 {strides = array<i32>} : memref<128x128xf32, #tpu.memory_space<vmem>>, vector<1x16xf32>,
          %get3A_134 = arith.index_cast %scan3A_84 : i32 to index
          %get3A_135 = arith.constant 48 : index
          %get3A_136 = tpu.vector_load %arg10[%get3A_134, %get3A_135] {strides = array<i32>} : memref<128x64xi32, #tpu.memory_space<vmem>>, vector<1x16xi32>,
          %get3A_137 = vector.shape_cast %get3A_136 : vector<1x16xi32> to vector<16xi32>
          %shift_left3A_138 = arith.shli %get3A_137, %broadcast_in_dim3A_57 : vector<16xi32>
          %bitcast_convert_type3A_139 = tpu.bitcast %shift_left3A_138 : vector<16xi32> -> vector<16xf32>
          %swap3A_140 = arith.index_cast %scan3A_84 : i32 to index
          %swap3A_141 = arith.constant 96 : index
          %swap3A_142 = tpu.vector_load %arg12[%swap3A_140, %swap3A_141] {strides = array<i32>} : memref<128x128xf32, #tpu.memory_space<vmem>>, vector<1x16xf32>,
          %swap3A_143 = vector.shape_cast %swap3A_142 : vector<1x16xf32> to vector<16xf32>
          %swap3A_144 = vector.shape_cast %bitcast_convert_type3A_139 : vector<16xf32> to vector<1x16xf32>
          tpu.vector_store %arg12[%swap3A_140, %swap3A_141], %swap3A_144 {strides = array<i32>} : memref<128x128xf32, #tpu.memory_space<vmem>>, vector<1x16xf32>,
          %and3A_145 = arith.andi %get3A_137, %broadcast_in_dim3A_59 : vector<16xi32>
          %bitcast_convert_type3A_146 = tpu.bitcast %and3A_145 : vector<16xi32> -> vector<16xf32>
          %swap3A_147 = arith.index_cast %scan3A_84 : i32 to index
          %swap3A_148 = arith.constant 112 : index
          %swap3A_149 = tpu.vector_load %arg12[%swap3A_147, %swap3A_148] {strides = array<i32>} : memref<128x128xf32, #tpu.memory_space<vmem>>, vector<1x16xf32>,
          %swap3A_150 = vector.shape_cast %swap3A_149 : vector<1x16xf32> to vector<16xf32>
          %swap3A_151 = vector.shape_cast %bitcast_convert_type3A_146 : vector<16xf32> to vector<1x16xf32>
          tpu.vector_store %arg12[%swap3A_147, %swap3A_148], %swap3A_151 {strides = array<i32>} : memref<128x128xf32, #tpu.memory_space<vmem>>, vector<1x16xf32>,
        }
        %scan3A_65 = arith.constant 128 : i32
        %run_scoped3A = arith.constant 6 : i32
        "tpu.region"() ({
          %run_scoped3A_84 = tpu.sem_alloc : memref<!tpu.dma_semaphore, #tpu.memory_space<semaphore_mem>>
          %dma_start3A_85 = arith.constant 0 : i32
          %dma_start3A_86 = tpu.memref_slice %arg9[%run_scoped3A, %dma_start3A_85] : memref<8x128xi32, #tpu.memory_space<vmem>> -> memref<1x128xi32, #tpu.memory_space<vmem>>
          %dma_start3A_87 = tpu.memref_squeeze %dma_start3A_86 : memref<1x128xi32, #tpu.memory_space<vmem>> -> memref<128xi32, #tpu.memory_space<vmem>>
          %dma_start3A_88 = arith.constant 0 : i32
          %dma_start3A_89 = arith.constant 0 : i32
          %dma_start3A_90 = tpu.memref_slice %arg13[%dma_start3A_88, %dma_start3A_89] : memref<10000x128xf32, #tpu.memory_space<vmem_shared>> -> memref<10000x128xf32, #tpu.memory_space<vmem_shared>>
          tpu.enqueue_indirect_dma source(%arg12 : memref<128x128xf32, #tpu.memory_space<vmem>>) target(%dma_start3A_90 : memref<10000x128xf32, #tpu.memory_space<vmem_shared>>) offsets(%dma_start3A_87 : memref<128xi32, #tpu.memory_space<vmem>>) semaphore(%run_scoped3A_84 : memref<!tpu.dma_semaphore, #tpu.memory_space<semaphore_mem>>) {add = true}
          %dma_wait3A_91 = arith.constant 0 : i32
          %dma_wait3A_92 = tpu.memref_slice %arg9[%run_scoped3A, %dma_wait3A_91] : memref<8x128xi32, #tpu.memory_space<vmem>> -> memref<1x128xi32, #tpu.memory_space<vmem>>
          %dma_wait3A_93 = tpu.memref_squeeze %dma_wait3A_92 : memref<1x128xi32, #tpu.memory_space<vmem>> -> memref<128xi32, #tpu.memory_space<vmem>>
          %dma_wait3A_94 = arith.constant 0 : i32
          %dma_wait3A_95 = arith.constant 0 : i32
          %dma_wait3A_96 = tpu.memref_slice %arg13[%dma_wait3A_94, %dma_wait3A_95] : memref<10000x128xf32, #tpu.memory_space<vmem_shared>> -> memref<10000x128xf32, #tpu.memory_space<vmem_shared>>
          tpu.wait_indirect_dma semaphore(%run_scoped3A_84 : memref<!tpu.dma_semaphore, #tpu.memory_space<semaphore_mem>>) src(%arg12 : memref<128x128xf32, #tpu.memory_space<vmem>>) dst(%dma_wait3A_96 : memref<10000x128xf32, #tpu.memory_space<vmem_shared>>)
          tpu.yield
        }) : () -> ()
        %dma_wait3A_66 = arith.constant 1 : i32
        %dma_wait3A_67 = arith.constant 0 : i32
        %dma_wait3A_68 = tpu.memref_slice %arg8[%dma_wait3A_66, %dma_wait3A_67] : memref<8x128xi32, #tpu.memory_space<vmem>> -> memref<1x128xi32, #tpu.memory_space<vmem>>
        %dma_wait3A_69 = tpu.memref_squeeze %dma_wait3A_68 : memref<1x128xi32, #tpu.memory_space<vmem>> -> memref<128xi32, #tpu.memory_space<vmem>>
        %dma_wait3A_70 = arith.constant 0 : i32
        %dma_wait3A_71 = arith.constant 0 : i32
        %dma_wait3A_72 = tpu.memref_slice %arg2[%dma_wait3A_70, %dma_wait3A_71] : memref<10240x64xi32, #tpu.memory_space<hbm>> -> memref<10240x64xi32, #tpu.memory_space<hbm>>
        tpu.wait_indirect_dma semaphore(%arg15 : memref<!tpu.dma_semaphore, #tpu.memory_space<semaphore_mem>>) src(%dma_wait3A_72 : memref<10240x64xi32, #tpu.memory_space<hbm>>) dst(%arg11 : memref<128x64xi32, #tpu.memory_space<vmem>>)
        %broadcast_in_dim3A_73 = arith.constant 16 : i32
        %broadcast_in_dim3A_74 = vector.broadcast %broadcast_in_dim3A_73 : i32 to vector<16xi32>
        %broadcast_in_dim3A_75 = arith.constant -65536 : i32
        %broadcast_in_dim3A_76 = vector.broadcast %broadcast_in_dim3A_75 : i32 to vector<16xi32>
        %scan3A_77 = arith.constant 0 : i32
        %scan3A_78 = arith.constant 0 : i32
        %scan3A_79 = arith.constant 128 : i32
        %scan3A_80 = arith.addi %scan3A_78, %scan3A_79 : i32
        %scan3A_81 = arith.constant 1 : i32
        scf.for %scan3A_84 = %scan3A_78 to %scan3A_80 step %scan3A_81  : i32 {
          %get3A = arith.index_cast %scan3A_84 : i32 to index
          %get3A_85 = arith.constant 0 : index
          %get3A_86 = tpu.vector_load %arg11[%get3A, %get3A_85] {strides = array<i32>} : memref<128x64xi32, #tpu.memory_space<vmem>>, vector<1x16xi32>,
          %get3A_87 = vector.shape_cast %get3A_86 : vector<1x16xi32> to vector<16xi32>
          %shift_left3A = arith.shli %get3A_87, %broadcast_in_dim3A_74 : vector<16xi32>
          %bitcast_convert_type3A = tpu.bitcast %shift_left3A : vector<16xi32> -> vector<16xf32>
          %swap3A = arith.index_cast %scan3A_84 : i32 to index
          %swap3A_88 = arith.constant 0 : index
          %swap3A_89 = tpu.vector_load %arg12[%swap3A, %swap3A_88] {strides = array<i32>} : memref<128x128xf32, #tpu.memory_space<vmem>>, vector<1x16xf32>,
          %swap3A_90 = vector.shape_cast %swap3A_89 : vector<1x16xf32> to vector<16xf32>
          %swap3A_91 = vector.shape_cast %bitcast_convert_type3A : vector<16xf32> to vector<1x16xf32>
          tpu.vector_store %arg12[%swap3A, %swap3A_88], %swap3A_91 {strides = array<i32>} : memref<128x128xf32, #tpu.memory_space<vmem>>, vector<1x16xf32>,
          %and3A = arith.andi %get3A_87, %broadcast_in_dim3A_76 : vector<16xi32>
          %bitcast_convert_type3A_92 = tpu.bitcast %and3A : vector<16xi32> -> vector<16xf32>
          %swap3A_93 = arith.index_cast %scan3A_84 : i32 to index
          %swap3A_94 = arith.constant 16 : index
          %swap3A_95 = tpu.vector_load %arg12[%swap3A_93, %swap3A_94] {strides = array<i32>} : memref<128x128xf32, #tpu.memory_space<vmem>>, vector<1x16xf32>,
          %swap3A_96 = vector.shape_cast %swap3A_95 : vector<1x16xf32> to vector<16xf32>
          %swap3A_97 = vector.shape_cast %bitcast_convert_type3A_92 : vector<16xf32> to vector<1x16xf32>
          tpu.vector_store %arg12[%swap3A_93, %swap3A_94], %swap3A_97 {strides = array<i32>} : memref<128x128xf32, #tpu.memory_space<vmem>>, vector<1x16xf32>,
          %get3A_98 = arith.index_cast %scan3A_84 : i32 to index
          %get3A_99 = arith.constant 16 : index
          %get3A_100 = tpu.vector_load %arg11[%get3A_98, %get3A_99] {strides = array<i32>} : memref<128x64xi32, #tpu.memory_space<vmem>>, vector<1x16xi32>,
          %get3A_101 = vector.shape_cast %get3A_100 : vector<1x16xi32> to vector<16xi32>
          %shift_left3A_102 = arith.shli %get3A_101, %broadcast_in_dim3A_74 : vector<16xi32>
          %bitcast_convert_type3A_103 = tpu.bitcast %shift_left3A_102 : vector<16xi32> -> vector<16xf32>
          %swap3A_104 = arith.index_cast %scan3A_84 : i32 to index
          %swap3A_105 = arith.constant 32 : index
          %swap3A_106 = tpu.vector_load %arg12[%swap3A_104, %swap3A_105] {strides = array<i32>} : memref<128x128xf32, #tpu.memory_space<vmem>>, vector<1x16xf32>,
          %swap3A_107 = vector.shape_cast %swap3A_106 : vector<1x16xf32> to vector<16xf32>
          %swap3A_108 = vector.shape_cast %bitcast_convert_type3A_103 : vector<16xf32> to vector<1x16xf32>
          tpu.vector_store %arg12[%swap3A_104, %swap3A_105], %swap3A_108 {strides = array<i32>} : memref<128x128xf32, #tpu.memory_space<vmem>>, vector<1x16xf32>,
          %and3A_109 = arith.andi %get3A_101, %broadcast_in_dim3A_76 : vector<16xi32>
          %bitcast_convert_type3A_110 = tpu.bitcast %and3A_109 : vector<16xi32> -> vector<16xf32>
          %swap3A_111 = arith.index_cast %scan3A_84 : i32 to index
          %swap3A_112 = arith.constant 48 : index
          %swap3A_113 = tpu.vector_load %arg12[%swap3A_111, %swap3A_112] {strides = array<i32>} : memref<128x128xf32, #tpu.memory_space<vmem>>, vector<1x16xf32>,
          %swap3A_114 = vector.shape_cast %swap3A_113 : vector<1x16xf32> to vector<16xf32>
          %swap3A_115 = vector.shape_cast %bitcast_convert_type3A_110 : vector<16xf32> to vector<1x16xf32>
          tpu.vector_store %arg12[%swap3A_111, %swap3A_112], %swap3A_115 {strides = array<i32>} : memref<128x128xf32, #tpu.memory_space<vmem>>, vector<1x16xf32>,
          %get3A_116 = arith.index_cast %scan3A_84 : i32 to index
          %get3A_117 = arith.constant 32 : index
          %get3A_118 = tpu.vector_load %arg11[%get3A_116, %get3A_117] {strides = array<i32>} : memref<128x64xi32, #tpu.memory_space<vmem>>, vector<1x16xi32>,
          %get3A_119 = vector.shape_cast %get3A_118 : vector<1x16xi32> to vector<16xi32>
          %shift_left3A_120 = arith.shli %get3A_119, %broadcast_in_dim3A_74 : vector<16xi32>
          %bitcast_convert_type3A_121 = tpu.bitcast %shift_left3A_120 : vector<16xi32> -> vector<16xf32>
          %swap3A_122 = arith.index_cast %scan3A_84 : i32 to index
          %swap3A_123 = arith.constant 64 : index
          %swap3A_124 = tpu.vector_load %arg12[%swap3A_122, %swap3A_123] {strides = array<i32>} : memref<128x128xf32, #tpu.memory_space<vmem>>, vector<1x16xf32>,
          %swap3A_125 = vector.shape_cast %swap3A_124 : vector<1x16xf32> to vector<16xf32>
          %swap3A_126 = vector.shape_cast %bitcast_convert_type3A_121 : vector<16xf32> to vector<1x16xf32>
          tpu.vector_store %arg12[%swap3A_122, %swap3A_123], %swap3A_126 {strides = array<i32>} : memref<128x128xf32, #tpu.memory_space<vmem>>, vector<1x16xf32>,
          %and3A_127 = arith.andi %get3A_119, %broadcast_in_dim3A_76 : vector<16xi32>
          %bitcast_convert_type3A_128 = tpu.bitcast %and3A_127 : vector<16xi32> -> vector<16xf32>
          %swap3A_129 = arith.index_cast %scan3A_84 : i32 to index
          %swap3A_130 = arith.constant 80 : index
          %swap3A_131 = tpu.vector_load %arg12[%swap3A_129, %swap3A_130] {strides = array<i32>} : memref<128x128xf32, #tpu.memory_space<vmem>>, vector<1x16xf32>,
          %swap3A_132 = vector.shape_cast %swap3A_131 : vector<1x16xf32> to vector<16xf32>
          %swap3A_133 = vector.shape_cast %bitcast_convert_type3A_128 : vector<16xf32> to vector<1x16xf32>
          tpu.vector_store %arg12[%swap3A_129, %swap3A_130], %swap3A_133 {strides = array<i32>} : memref<128x128xf32, #tpu.memory_space<vmem>>, vector<1x16xf32>,
          %get3A_134 = arith.index_cast %scan3A_84 : i32 to index
          %get3A_135 = arith.constant 48 : index
          %get3A_136 = tpu.vector_load %arg11[%get3A_134, %get3A_135] {strides = array<i32>} : memref<128x64xi32, #tpu.memory_space<vmem>>, vector<1x16xi32>,
          %get3A_137 = vector.shape_cast %get3A_136 : vector<1x16xi32> to vector<16xi32>
          %shift_left3A_138 = arith.shli %get3A_137, %broadcast_in_dim3A_74 : vector<16xi32>
          %bitcast_convert_type3A_139 = tpu.bitcast %shift_left3A_138 : vector<16xi32> -> vector<16xf32>
          %swap3A_140 = arith.index_cast %scan3A_84 : i32 to index
          %swap3A_141 = arith.constant 96 : index
          %swap3A_142 = tpu.vector_load %arg12[%swap3A_140, %swap3A_141] {strides = array<i32>} : memref<128x128xf32, #tpu.memory_space<vmem>>, vector<1x16xf32>,
          %swap3A_143 = vector.shape_cast %swap3A_142 : vector<1x16xf32> to vector<16xf32>
          %swap3A_144 = vector.shape_cast %bitcast_convert_type3A_139 : vector<16xf32> to vector<1x16xf32>
          tpu.vector_store %arg12[%swap3A_140, %swap3A_141], %swap3A_144 {strides = array<i32>} : memref<128x128xf32, #tpu.memory_space<vmem>>, vector<1x16xf32>,
          %and3A_145 = arith.andi %get3A_137, %broadcast_in_dim3A_76 : vector<16xi32>
          %bitcast_convert_type3A_146 = tpu.bitcast %and3A_145 : vector<16xi32> -> vector<16xf32>
          %swap3A_147 = arith.index_cast %scan3A_84 : i32 to index
          %swap3A_148 = arith.constant 112 : index
          %swap3A_149 = tpu.vector_load %arg12[%swap3A_147, %swap3A_148] {strides = array<i32>} : memref<128x128xf32, #tpu.memory_space<vmem>>, vector<1x16xf32>,
          %swap3A_150 = vector.shape_cast %swap3A_149 : vector<1x16xf32> to vector<16xf32>
          %swap3A_151 = vector.shape_cast %bitcast_convert_type3A_146 : vector<16xf32> to vector<1x16xf32>
          tpu.vector_store %arg12[%swap3A_147, %swap3A_148], %swap3A_151 {strides = array<i32>} : memref<128x128xf32, #tpu.memory_space<vmem>>, vector<1x16xf32>,
        }
        %scan3A_82 = arith.constant 128 : i32
        %run_scoped3A_83 = arith.constant 7 : i32
        "tpu.region"() ({
          %run_scoped3A_84 = tpu.sem_alloc : memref<!tpu.dma_semaphore, #tpu.memory_space<semaphore_mem>>
          %dma_start3A_85 = arith.constant 0 : i32
          %dma_start3A_86 = tpu.memref_slice %arg9[%run_scoped3A_83, %dma_start3A_85] : memref<8x128xi32, #tpu.memory_space<vmem>> -> memref<1x128xi32, #tpu.memory_space<vmem>>
          %dma_start3A_87 = tpu.memref_squeeze %dma_start3A_86 : memref<1x128xi32, #tpu.memory_space<vmem>> -> memref<128xi32, #tpu.memory_space<vmem>>
          %dma_start3A_88 = arith.constant 0 : i32
          %dma_start3A_89 = arith.constant 0 : i32
          %dma_start3A_90 = tpu.memref_slice %arg13[%dma_start3A_88, %dma_start3A_89] : memref<10000x128xf32, #tpu.memory_space<vmem_shared>> -> memref<10000x128xf32, #tpu.memory_space<vmem_shared>>
          tpu.enqueue_indirect_dma source(%arg12 : memref<128x128xf32, #tpu.memory_space<vmem>>) target(%dma_start3A_90 : memref<10000x128xf32, #tpu.memory_space<vmem_shared>>) offsets(%dma_start3A_87 : memref<128xi32, #tpu.memory_space<vmem>>) semaphore(%run_scoped3A_84 : memref<!tpu.dma_semaphore, #tpu.memory_space<semaphore_mem>>) {add = true}
          %dma_wait3A_91 = arith.constant 0 : i32
          %dma_wait3A_92 = tpu.memref_slice %arg9[%run_scoped3A_83, %dma_wait3A_91] : memref<8x128xi32, #tpu.memory_space<vmem>> -> memref<1x128xi32, #tpu.memory_space<vmem>>
          %dma_wait3A_93 = tpu.memref_squeeze %dma_wait3A_92 : memref<1x128xi32, #tpu.memory_space<vmem>> -> memref<128xi32, #tpu.memory_space<vmem>>
          %dma_wait3A_94 = arith.constant 0 : i32
          %dma_wait3A_95 = arith.constant 0 : i32
          %dma_wait3A_96 = tpu.memref_slice %arg13[%dma_wait3A_94, %dma_wait3A_95] : memref<10000x128xf32, #tpu.memory_space<vmem_shared>> -> memref<10000x128xf32, #tpu.memory_space<vmem_shared>>
          tpu.wait_indirect_dma semaphore(%run_scoped3A_84 : memref<!tpu.dma_semaphore, #tpu.memory_space<semaphore_mem>>) src(%arg12 : memref<128x128xf32, #tpu.memory_space<vmem>>) dst(%dma_wait3A_96 : memref<10000x128xf32, #tpu.memory_space<vmem_shared>>)
          tpu.yield
        }) : () -> ()
      }
      %scan3A_30 = arith.constant 9 : i32
    } else {
    }
    %barrier3A_20 = arith.constant 0 : index
    tpu.barrier barrier_id(%barrier3A_20)
    %mul3A_21 = arith.constant 625 : i32
    %mul3A_22 = arith.muli %arg1, %mul3A_21 : i32
    %mul3A_23 = arith.constant 625 : i32
    %mul3A_24 = arith.muli %arg1, %mul3A_23 : i32
    "tpu.region"() ({
      %run_scoped3A = tpu.sem_alloc : memref<!tpu.dma_semaphore, #tpu.memory_space<semaphore_mem>>
      %dma_start3A = arith.constant 0 : i32
      %dma_start3A_25 = tpu.memref_slice %arg7[%arg0, %mul3A_24, %dma_start3A] : memref<2x10000x128xf32, #tpu.memory_space<hbm>> -> memref<1x625x128xf32, #tpu.memory_space<hbm>>
      %dma_start3A_26 = tpu.memref_squeeze %dma_start3A_25 : memref<1x625x128xf32, #tpu.memory_space<hbm>> -> memref<625x128xf32, #tpu.memory_space<hbm>>
      %dma_start3A_27 = arith.constant 0 : i32
      %dma_start3A_28 = tpu.memref_slice %arg13[%mul3A_22, %dma_start3A_27] : memref<10000x128xf32, #tpu.memory_space<vmem_shared>> -> memref<625x128xf32, #tpu.memory_space<vmem_shared>>
      tpu.enqueue_dma source(%dma_start3A_28 : memref<625x128xf32, #tpu.memory_space<vmem_shared>>) target(%dma_start3A_26 : memref<625x128xf32, #tpu.memory_space<hbm>>) target_semaphore(%run_scoped3A : memref<!tpu.dma_semaphore, #tpu.memory_space<semaphore_mem>>)
      %dma_wait3A = arith.constant 0 : i32
      %dma_wait3A_29 = tpu.memref_slice %arg7[%arg0, %mul3A_24, %dma_wait3A] : memref<2x10000x128xf32, #tpu.memory_space<hbm>> -> memref<1x625x128xf32, #tpu.memory_space<hbm>>
      %dma_wait3A_30 = tpu.memref_squeeze %dma_wait3A_29 : memref<1x625x128xf32, #tpu.memory_space<hbm>> -> memref<625x128xf32, #tpu.memory_space<hbm>>
      %dma_wait3A_31 = arith.constant 0 : i32
      %dma_wait3A_32 = tpu.memref_slice %arg13[%mul3A_22, %dma_wait3A_31] : memref<10000x128xf32, #tpu.memory_space<vmem_shared>> -> memref<625x128xf32, #tpu.memory_space<vmem_shared>>
      tpu.wait_dma2 semaphore(%run_scoped3A : memref<!tpu.dma_semaphore, #tpu.memory_space<semaphore_mem>>) src(%dma_wait3A_32 : memref<625x128xf32, #tpu.memory_space<vmem_shared>>) dst(%dma_wait3A_30 : memref<625x128xf32, #tpu.memory_space<hbm>>)
      tpu.yield
    }) : () -> ()
    return
  }
}

module attributes {stable_mosaic.version = 14 : i64} {
  func.func @_mm_body(%arg0: i32, %arg1: memref<1024x128xf32, #tpu.memory_space<vmem>>, %arg2: memref<128x128xf32, #tpu.memory_space<vmem>>, %arg3: memref<1024x1xi32, #tpu.memory_space<vmem>>, %arg4: memref<1024x1xi32, #tpu.memory_space<vmem>>, %arg5: memref<1024x128xf32, #tpu.memory_space<vmem>>) attributes {dimension_semantics = [#tpu.dimension_semantics<arbitrary>], iteration_bounds = array<i64: 10>, scalar_prefetch = 0 : i64, scratch_operands = 0 : i64, tpu.core_type = #tpu.core_type<tc>, window_params = [{transform_indices = @transform_0, window_bounds = array<i64: 1024, 128>}, {pipeline_mode = #tpu.pipeline_mode<synchronous>, transform_indices = @transform_1, window_bounds = array<i64: 128, 128>}, {transform_indices = @transform_2, window_bounds = array<i64: 1024, 1>}, {transform_indices = @transform_3, window_bounds = array<i64: 1024, 1>}, {transform_indices = @transform_4, window_bounds = array<i64: 1024, 128>}]} {
    %get3A = arith.constant 0 : index
    %get3A_0 = arith.constant 0 : index
    %get3A_1 = vector.load %arg3[%get3A, %get3A_0] : memref<1024x1xi32, #tpu.memory_space<vmem>>, vector<1024x1xi32>
    %add3A = arith.constant 1 : i32
    %add3A_2 = vector.broadcast %add3A : i32 to vector<1024x1xi32>
    %add3A_3 = arith.addi %add3A_2, %get3A_1 : vector<1024x1xi32>
    %get3A_4 = arith.constant 0 : index
    %get3A_5 = arith.constant 0 : index
    %get3A_6 = vector.load %arg4[%get3A_4, %get3A_5] : memref<1024x1xi32, #tpu.memory_space<vmem>>, vector<1024x1xi32>
    %add3A_7 = arith.addi %add3A_3, %get3A_6 : vector<1024x1xi32>
    %convert_element_type3A = arith.sitofp %add3A_7 : vector<1024x1xi32> to vector<1024x1xf32>
    %rsqrt3A = math.rsqrt %convert_element_type3A : vector<1024x1xf32>
    %get3A_8 = arith.constant 0 : index
    %get3A_9 = arith.constant 0 : index
    %get3A_10 = vector.load %arg1[%get3A_8, %get3A_9] : memref<1024x128xf32, #tpu.memory_space<vmem>>, vector<1024x128xf32>
    %get3A_11 = arith.constant 0 : index
    %get3A_12 = arith.constant 0 : index
    %get3A_13 = vector.load %arg2[%get3A_11, %get3A_12] : memref<128x128xf32, #tpu.memory_space<vmem>>, vector<128x128xf32>
    %dot_general3A = arith.constant dense<0.000000e+00> : vector<1024x128xf32>
    %dot_general3A_14 = tpu.matmul %get3A_10, %get3A_13, %dot_general3A {dimension_numbers = #tpu.dot_dimension_numbers<[1], [0], [0], [1], [0, 0, 1, 1], [], []>, transpose_lhs_hint = false} : vector<1024x128xf32>, vector<128x128xf32>, vector<1024x128xf32> -> vector<1024x128xf32>
    %mul3A = vector.broadcast %rsqrt3A : vector<1024x1xf32> to vector<1024x128xf32>
    %mul3A_15 = arith.mulf %dot_general3A_14, %mul3A : vector<1024x128xf32>
    %swap3A = arith.constant 0 : index
    %swap3A_16 = arith.constant 0 : index
    %swap3A_17 = vector.load %arg5[%swap3A, %swap3A_16] : memref<1024x128xf32, #tpu.memory_space<vmem>>, vector<1024x128xf32>
    tpu.vector_store %arg5[%swap3A, %swap3A_16], %mul3A_15 {strides = array<i32>} : memref<1024x128xf32, #tpu.memory_space<vmem>>, vector<1024x128xf32>,
    return
  }
  func.func @transform_0(%arg0: i32) -> (i32, i32) {
    %c0_i32 = arith.constant 0 : i32
    %c0_i32_0 = arith.constant 0 : i32
    return %arg0, %c0_i32 : i32, i32
  }
  func.func @transform_1(%arg0: i32) -> (i32, i32) {
    %c0_i32 = arith.constant 0 : i32
    %c0_i32_0 = arith.constant 0 : i32
    %c0_i32_1 = arith.constant 0 : i32
    return %c0_i32, %c0_i32_0 : i32, i32
  }
  func.func @transform_2(%arg0: i32) -> (i32, i32) {
    %c0_i32 = arith.constant 0 : i32
    %c0_i32_0 = arith.constant 0 : i32
    return %arg0, %c0_i32 : i32, i32
  }
  func.func @transform_3(%arg0: i32) -> (i32, i32) {
    %c0_i32 = arith.constant 0 : i32
    %c0_i32_0 = arith.constant 0 : i32
    return %arg0, %c0_i32 : i32, i32
  }
  func.func @transform_4(%arg0: i32) -> (i32, i32) {
    %c0_i32 = arith.constant 0 : i32
    %c0_i32_0 = arith.constant 0 : i32
    return %arg0, %c0_i32 : i32, i32
  }
}

module attributes {stable_mosaic.version = 14 : i64} {
  func.func @_epi_body(%arg0: i32, %arg1: memref<1x1000x128xf32, #tpu.memory_space<vmem>>, %arg2: memref<1x1000x128xf32, #tpu.memory_space<vmem>>, %arg3: memref<1000x128xf32, #tpu.memory_space<vmem>>, %arg4: memref<1000x1xi32, #tpu.memory_space<vmem>>, %arg5: memref<1000x1xi32, #tpu.memory_space<vmem>>, %arg6: memref<1x128xf32, #tpu.memory_space<vmem>>, %arg7: memref<1000x128xf32, #tpu.memory_space<vmem>>) attributes {dimension_semantics = [#tpu.dimension_semantics<arbitrary>], iteration_bounds = array<i64: 10>, scalar_prefetch = 0 : i64, scratch_operands = 0 : i64, tpu.core_type = #tpu.core_type<tc>, window_params = [{transform_indices = @transform_0, window_bounds = array<i64: 1, 1000, 128>}, {transform_indices = @transform_1, window_bounds = array<i64: 1, 1000, 128>}, {transform_indices = @transform_2, window_bounds = array<i64: 1000, 128>}, {transform_indices = @transform_3, window_bounds = array<i64: 1000, 1>}, {transform_indices = @transform_4, window_bounds = array<i64: 1000, 1>}, {pipeline_mode = #tpu.pipeline_mode<synchronous>, transform_indices = @transform_5, window_bounds = array<i64: 1, 128>}, {transform_indices = @transform_6, window_bounds = array<i64: 1000, 128>}]} {
    %get3A = arith.constant 0 : index
    %get3A_0 = arith.constant 0 : index
    %get3A_1 = vector.load %arg4[%get3A, %get3A_0] : memref<1000x1xi32, #tpu.memory_space<vmem>>, vector<1000x1xi32>
    %add3A = arith.constant 1 : i32
    %add3A_2 = vector.broadcast %add3A : i32 to vector<1000x1xi32>
    %add3A_3 = arith.addi %add3A_2, %get3A_1 : vector<1000x1xi32>
    %get3A_4 = arith.constant 0 : index
    %get3A_5 = arith.constant 0 : index
    %get3A_6 = vector.load %arg5[%get3A_4, %get3A_5] : memref<1000x1xi32, #tpu.memory_space<vmem>>, vector<1000x1xi32>
    %add3A_7 = arith.addi %add3A_3, %get3A_6 : vector<1000x1xi32>
    %convert_element_type3A = arith.sitofp %add3A_7 : vector<1000x1xi32> to vector<1000x1xf32>
    %rsqrt3A = math.rsqrt %convert_element_type3A : vector<1000x1xf32>
    %get3A_8 = arith.constant 0 : index
    %get3A_9 = arith.constant 0 : index
    %get3A_10 = arith.constant 0 : index
    %get3A_11 = vector.load %arg1[%get3A_8, %get3A_9, %get3A_10] : memref<1x1000x128xf32, #tpu.memory_space<vmem>>, vector<1x1000x128xf32>
    %get3A_12 = vector.shape_cast %get3A_11 : vector<1x1000x128xf32> to vector<1000x128xf32>
    %get3A_13 = arith.constant 0 : index
    %get3A_14 = arith.constant 0 : index
    %get3A_15 = arith.constant 0 : index
    %get3A_16 = vector.load %arg2[%get3A_13, %get3A_14, %get3A_15] : memref<1x1000x128xf32, #tpu.memory_space<vmem>>, vector<1x1000x128xf32>
    %get3A_17 = vector.shape_cast %get3A_16 : vector<1x1000x128xf32> to vector<1000x128xf32>
    %add3A_18 = arith.addf %get3A_12, %get3A_17 : vector<1000x128xf32>
    %get3A_19 = arith.constant 0 : index
    %get3A_20 = arith.constant 0 : index
    %get3A_21 = vector.load %arg3[%get3A_19, %get3A_20] : memref<1000x128xf32, #tpu.memory_space<vmem>>, vector<1000x128xf32>
    %add3A_22 = arith.addf %add3A_18, %get3A_21 : vector<1000x128xf32>
    %mul3A = vector.broadcast %rsqrt3A : vector<1000x1xf32> to vector<1000x128xf32>
    %mul3A_23 = arith.mulf %add3A_22, %mul3A : vector<1000x128xf32>
    %get3A_24 = arith.constant 0 : index
    %get3A_25 = arith.constant 0 : index
    %get3A_26 = vector.load %arg6[%get3A_24, %get3A_25] : memref<1x128xf32, #tpu.memory_space<vmem>>, vector<1x128xf32>
    %add3A_27 = vector.broadcast %get3A_26 : vector<1x128xf32> to vector<1000x128xf32>
    %add3A_28 = arith.addf %mul3A_23, %add3A_27 : vector<1000x128xf32>
    %max3A = arith.constant 0.000000e+00 : f32
    %max3A_29 = vector.broadcast %max3A : f32 to vector<1000x128xf32>
    %max3A_30 = arith.maximumf %add3A_28, %max3A_29 : vector<1000x128xf32>
    %swap3A = arith.constant 0 : index
    %swap3A_31 = arith.constant 0 : index
    %swap3A_32 = vector.load %arg7[%swap3A, %swap3A_31] : memref<1000x128xf32, #tpu.memory_space<vmem>>, vector<1000x128xf32>
    tpu.vector_store %arg7[%swap3A, %swap3A_31], %max3A_30 {strides = array<i32>} : memref<1000x128xf32, #tpu.memory_space<vmem>>, vector<1000x128xf32>,
    return
  }
  func.func @transform_0(%arg0: i32) -> (i32, i32, i32) {
    %c0_i32 = arith.constant 0 : i32
    %c0_i32_0 = arith.constant 0 : i32
    %c0_i32_1 = arith.constant 0 : i32
    return %c0_i32, %arg0, %c0_i32_0 : i32, i32, i32
  }
  func.func @transform_1(%arg0: i32) -> (i32, i32, i32) {
    %c1_i32 = arith.constant 1 : i32
    %c0_i32 = arith.constant 0 : i32
    %c0_i32_0 = arith.constant 0 : i32
    return %c1_i32, %arg0, %c0_i32 : i32, i32, i32
  }
  func.func @transform_2(%arg0: i32) -> (i32, i32) {
    %c0_i32 = arith.constant 0 : i32
    %c0_i32_0 = arith.constant 0 : i32
    return %arg0, %c0_i32 : i32, i32
  }
  func.func @transform_3(%arg0: i32) -> (i32, i32) {
    %c0_i32 = arith.constant 0 : i32
    %c0_i32_0 = arith.constant 0 : i32
    return %arg0, %c0_i32 : i32, i32
  }
  func.func @transform_4(%arg0: i32) -> (i32, i32) {
    %c0_i32 = arith.constant 0 : i32
    %c0_i32_0 = arith.constant 0 : i32
    return %arg0, %c0_i32 : i32, i32
  }
  func.func @transform_5(%arg0: i32) -> (i32, i32) {
    %c0_i32 = arith.constant 0 : i32
    %c0_i32_0 = arith.constant 0 : i32
    %c0_i32_1 = arith.constant 0 : i32
    return %c0_i32, %c0_i32_0 : i32, i32
  }
  func.func @transform_6(%arg0: i32) -> (i32, i32) {
    %c0_i32 = arith.constant 0 : i32
    %c0_i32_0 = arith.constant 0 : i32
    return %arg0, %c0_i32 : i32, i32
  }
}

</mosaic_0001>

<sc_bundles>
// kernel: kernel.6.cloned.1.call-start
scs
__scs_entry_jumppad:
0x0: {  	(pc) =	sbr.rel $0x88, $3  }
0x1: {  	(tag) =	ssettag $0x0;
	lr =	simm.s32 $0x1  }
0x2: {  	[smem:$0x3F9D] =	sst lr;
	_ =	strace $0xD0000000  }
0x3: {  	_ = 	snop  }
0x4: {  	_ = 	snop  }
0x5: {  	_ = 	snop  }
0x6: {  	_ = 	snop  }
0x7: {  	_ = 	snop  }
__scs_overlays_trampoline_lowered:
0x8: {  	[smem:$0x3FAC] =	sst s0  }
0x9: {  	[smem:$0x3FAD] =	sst s1  }
0xa: {  	[smem:$0x3FAE] =	sst s2  }
0xb: {  	[smem:$0x3FAF] =	sst s3  }
0xc: {  	[smem:$0x3FB0] =	sst s4  }
0xd: {  	[smem:$0x3FB1] =	sst s5  }
0xe: {  	[smem:$0x3FB2] =	sst s6  }
0xf: {  	[smem:$0x3FB3] =	sst s7  }
0x10: {  	[smem:$0x3FB4] =	sst s8  }
0x11: {  	[smem:$0x3FB5] =	sst s9;
	s0 =	simm.s32 @!p0 $0x0  }
0x12: {  	s1 =	sld [smem:$0x3F9B];
	s0 =	simm.s32 @p0 $0x1  }
0x13: {  	[smem:$0x3FB6] =	sst s0;
	s0 =	simm.s32 @!p1 $0x0  }
0x14: {  	s2 =	sld [smem:$0x3F9A];
	s0 =	simm.s32 @p1 $0x1  }
0x15: {  	[smem:$0x3FB7] =	sst s0;
	s0 =	simm.s32 @!p2 $0x0  }
0x16: {  	s3 =	sld [smem:$0x3FDB];
	s0 =	simm.s32 @p2 $0x1  }
0x17: {  	s4 =	simm.s32 $0x1BF5;
	[smem:$0x3FB9] =	sst s0  }
0x18: {  	s0 =	sld [smem:$0x3F9C];
	_ =	swait.ge [sflag:s4], $0x0  }
0x19: {  	s7 =	sld [smem:$0x3F9D]  }
0x1a: {  	s8 =	sadd.s32 $0xFFFFE003, lr  }
0x1b: {  	s9 =	sadd.s32 $0xFFFFFEF7, lr;
	s5 =	simm.s32 $0xFFFFFFFF;
	p2 =	slt.u32 s8, $0xFFFFF086  }
0x1c: {  	p1 =	slt.u32 s9, $0xF7A;
	s5 =	simm.s32 @!p2 $0x0  }
0x1d: {  	s5 =	simm.s32 @p1 $0x1;
	p0 =	seq.s32 s7, s2  }
0x1e: {  	s7 =	smul.u32 @!p0 $0xF7A, s2;
	p2 =	seq.s32 @!p0 s5, $0x0  }
0x1f: {  	s9 =	smul.u32 $0xF7A, s1;
	s8 =	simm.s32 @!p0 $0x1BF5;
	p2 =	por !p2, p0  }
0x20: {  	[sflag:s8] =	ssyncset.s32 @!p0 $0xFFFFF086;
	s6 =	sadd.s32 @!p0 s3, s7;
	s7 =	simm.s32 @!p0 $0x108  }
0x21: {  	s3 =	sadd.s32 s3, s9;
	s6 =	sadd.s32 @!p0 $0x88, s6;
	s7 =	simm.s32 @p2 $0x1082  }
0x22: {  	[simem:s7], [sflag:s8] =	dma.local @!p0 [hbm:s6], $0xF7A  }
0x23: {  	s9 =	sor.u32 $0xD0000000, s2;
	s6 =	simm.s32 $0x108;
	_ =	swait.ge @!p0 [sflag:s8], $0x0  }
0x24: {  	s3 =	sadd.s32 $0x88, s3;
	s6 =	simm.s32 @!p1 $0x1082;
	[sflag:s4] =	ssyncset.s32 $0xFFFFF086  }
0x25: {  	[simem:s6], [sflag:s4] =	dma.local [hbm:s3], $0xF7A  }
0x26: {  	[smem:$0x3F9D] =	sst s1;
	(tag) =	ssettag s2;
	_ =	strace s9  }
0x27: {  	s1 =	sld [smem:$0x3FAD]  }
0x28: {  	s2 =	sld [smem:$0x3FAE]  }
0x29: {  	s4 =	sld [smem:$0x3FB0]  }
0x2a: {  	p0 =	seq.s32 s5, $0x0;
	s5 =	sld [smem:$0x3FB1]  }
0x2b: {  	s6 =	sld [smem:$0x3FB2]  }
0x2c: {  	s7 =	sld [smem:$0x3FB3]  }
0x2d: {  	s3 =	simm.s32 $0x108;
	s8 =	sld [smem:$0x3FB4]  }
0x2e: {  	s3 =	simm.s32 @!p0 $0x1082;
	s9 =	sld [smem:$0x3FB5]  }
0x2f: {  	lr =	sadd.s32 s0, s3;
	s0 =	sld [smem:$0x3FAC]  }
0x30: {  	s3 =	sld [smem:$0x3FAF]  }
0x31: {  	[smem:$0x3FB8] =	sst s10  }
0x32: {  	s10 =	sld [smem:$0x3FB6];
	_ =	sdelay $0x3  }
0x33: {  	p0 =	seq.s32 s10, $0x1;
	s10 =	sld [smem:$0x3FB8];
	_ =	sdelay $0x3  }
0x34: {  	[smem:$0x3FB8] =	sst s10  }
0x35: {  	s10 =	sld [smem:$0x3FB7];
	_ =	sdelay $0x3  }
0x36: {  	p1 =	seq.s32 s10, $0x1;
	s10 =	sld [smem:$0x3FB8];
	_ =	sdelay $0x3  }
0x37: {  	[smem:$0x3FB8] =	sst s10  }
0x38: {  	s10 =	sld [smem:$0x3FB9]  }
0x39: {  	_ = 	snop;
	(pc) =	sbr.ind lr, $3  }
0x3a: {  	_ = 	snop  }
0x3b: {  	_ = 	snop  }
0x3c: {  	p2 =	seq.s32 s10, $0x1;
	s10 =	sld [smem:$0x3FB8]  }
0x3d: {  	_ =	shalt  }
0x3e: {  	_ =	shalt  }
0x3f: {  	_ =	shalt  }
0x40: {  	_ =	shalt  }
0x41: {  	_ =	shalt  }
0x42: {  	_ =	shalt  }
0x43: {  	_ =	shalt  }
0x44: {  	_ =	shalt  }
0x45: {  	_ =	shalt  }
0x46: {  	_ =	shalt  }
0x47: {  	_ =	shalt  }
0x48: {  	_ =	shalt  }
0x49: {  	_ =	shalt  }
0x4a: {  	_ =	shalt  }
0x4b: {  	_ =	shalt  }
0x4c: {  	_ =	shalt  }
0x4d: {  	_ =	shalt  }
0x4e: {  	_ =	shalt  }
0x4f: {  	_ =	shalt  }
0x50: {  	_ =	shalt  }
0x51: {  	_ =	shalt  }
0x52: {  	_ =	shalt  }
0x53: {  	_ =	shalt  }
0x54: {  	_ =	shalt  }
0x55: {  	_ =	shalt  }
0x56: {  	_ =	shalt  }
0x57: {  	_ =	shalt  }
0x58: {  	_ =	shalt  }
0x59: {  	_ =	shalt  }
0x5a: {  	_ =	shalt  }
0x5b: {  	_ =	shalt  }
0x5c: {  	_ =	shalt  }
0x5d: {  	_ =	shalt  }
0x5e: {  	_ =	shalt  }
0x5f: {  	_ =	shalt  }
0x60: {  	_ =	shalt  }
0x61: {  	_ =	shalt  }
0x62: {  	_ =	shalt  }
0x63: {  	_ =	shalt  }
0x64: {  	_ =	shalt  }
0x65: {  	_ =	shalt  }
0x66: {  	_ =	shalt  }
0x67: {  	_ =	shalt  }
0x68: {  	_ =	shalt  }
0x69: {  	_ =	shalt  }
0x6a: {  	_ =	shalt  }
0x6b: {  	_ =	shalt  }
0x6c: {  	_ =	shalt  }
0x6d: {  	_ =	shalt  }
0x6e: {  	_ =	shalt  }
0x6f: {  	_ =	shalt  }
0x70: {  	_ =	shalt  }
0x71: {  	_ =	shalt  }
0x72: {  	_ =	shalt  }
0x73: {  	_ =	shalt  }
0x74: {  	_ =	shalt  }
0x75: {  	_ =	shalt  }
0x76: {  	_ =	shalt  }
0x77: {  	_ =	shalt  }
0x78: {  	_ =	shalt  }
0x79: {  	_ =	shalt  }
0x7a: {  	_ =	shalt  }
0x7b: {  	_ =	shalt  }
0x7c: {  	_ =	shalt  }
0x7d: {  	_ =	shalt  }
0x7e: {  	_ =	shalt  }
0x7f: {  	_ =	shalt  }
0x80: {  	_ =	shalt  }
0x81: {  	_ =	shalt  }
0x82: {  	_ =	shalt  }
0x83: {  	_ =	shalt  }
0x84: {  	_ =	shalt  }
0x85: {  	_ =	shalt  }
0x86: {  	_ =	shalt  }
0x87: {  	_ =	shalt  }
.Lfunc_end0:
.L_simem_size_0:
called_computation_lowered:
.L_overlay_start_0:
0x88: {  	s2 =	sld [smem:$0x3FD9]  }
0x89: {  	s3 =	sld [smem:$0x3FFE];
	_ =	sdelay $0x1  }
0x8a: {  	s1 =	srdreg.scid  }
0x8b: {  	s0 =	sand.u32 $0x1, s1  }
0x8c: {  	s17 =	sshll.u32 s0, $0xA;
	s2 =	sadd.s32 s3, s2  }
0x8d: {  	s2 =	sadd.s32 s2, s17  }
0x8e: {  	[smem:$0x3FC4] =	sst s2  }
0x8f: {  	_ = 	snop  }
0x90: {  	s2 =	sld [smem:$0x3FD0];
	(tm) =	ssettm $0x1  }
0x91: {  	s18 =	sld [smem:$0x3FFB];
	_ =	sdelay $0x3  }
0x92: {  	_ =	strace s18  }
0x93: {  	s3 =	sld [smem:$0x3FFC];
	_ =	sdelay $0x3  }
0x94: {  	_ =	strace s3  }
0x95: {  	s3 =	sld [smem:$0x3FFD];
	_ =	sdelay $0x3  }
0x96: {  	_ =	strace s3  }
0x97: {  	_ =	strace $0x8FFFFFFF  }
0x98: {  	s19 =	sld [smem:$0x3FDB];
	_ =	sdelay $0x1  }
0x99: {  	s4 =	simm.s32 $_scs_section_size  }
0x9a: {  	s5 =	simm.s32 $_size__tile_overlayer_lowered;
	s6 =	simm.s32 $_tile_overlayer_lowered  }
0x9b: {  	s22 =	simm.s32 $0x1BFF;
	s21 =	sshll.u32 s6, $0x1;
	s3 =	sadd.s32 s4, s19  }
0x9c: {  	s7 =	simm.s32 $0x0;
	s20 =	sshll.u32 s5, $0x1;
	s5 =	sadd.s32 s21, s3  }
0x9d: {  	[timem:s7], [sflag:s22] =	dma.local [hbm:s5], s20  }
0x9e: {  	_ =	swait.ge [sflag:s22], s20  }
0x9f: {  	s4 =	ssub.s32 $0x0, s20;
	[sflag:s22] =	ssyncset.done $0x0  }
0xa0: {  	[sflag:s22] =	ssyncadd.s32 s4;
	_ =	sdelay $0x1  }
0xa1: {  	s23 =	simm.s32 $0x1B8B  }
0xa2: {  	_ =	swait.ge [sflag:s23], $0x1  }
0xa3: {  	[sflag:s23] =	ssyncset.done $0x0  }
0xa4: {  	s25 =	simm.s32 $0x1B8E;
	s24 =	sld [smem:$0x3FFE];
	[sflag:s23] =	ssyncadd.s32 $0xFFFFFFFF  }
0xa5: {  	s26 =	simm.s32 $execute0_lowered;
	[smem:$0x3FD2] =	sst s25  }
0xa6: {  	s5 =	sshll.u32 s26, $0x1;
	_ =	strace $0x80000046;
	[dreg:$0x1] =	wrdreg $0xFFFFFFFF  }
0xa7: {  	s28 =	simm.s32 $_size_execute0_lowered;
	s3 =	sadd.s32 s3, s5;
	[dreg:$0x0] =	wrdreg $0x0  }
0xa8: {  	s5 =	sshll.u32 s28, $0x1;
	[dreg:$0x2] =	wrdreg s3  }
0xa9: {  	[dreg:$0x3] =	wrdreg s5  }
0xaa: {  	[dreg:$0x4] =	wrdreg $0xC0  }
0xab: {  	_ =	task [dreg:s7], $0x5FFFF  }
0xac: {  	[dreg:$0x1] =	wrdreg $0xFFFFFFFF  }
0xad: {  	[dreg:$0x0] =	wrdreg $0x60  }
0xae: {  	[dreg:$0x2] =	wrdreg s2  }
0xaf: {  	[dreg:$0x3] =	wrdreg s24  }
0xb0: {  	[dreg:$0x4] =	wrdreg $0x2B000  }
0xb1: {  	[dreg:$0x5] =	wrdreg $0x9  }
0xb2: {  	_ =	task.clear_ibuf [dreg:s7], $0x6FFFF;
	_ =	strace $0x90000046  }
0xb3: {  	s29 =	simm.s32 $0x9;
	_ =	strace $0x80000048  }
0xb4: {  	_ =	swait.ge [sflag:s29], $0x1  }
0xb5: {  	[sflag:s29] =	ssyncadd.s32 $0xFFFFFFFF  }
0xb6: {  	_ =	strace $0x90000048  }
0xb7: {  	_ =	sfence  }
0xb8: {  	s30 =	sld [smem:$0x0];
	_ =	sdelay $0x2  }
0xb9: {  	s31 =	sshll.u32 s1, $0xD;
	s1 =	sshrl.u32 s1, $0x2  }
0xba: {  	s3 =	sand.u32 $0x4000, s31;
	s1 =	sadd.s32 s1, s30  }
0xbb: {  	s0 =	sor.u32 s3, s0;
	s1 =	sshll.u32 s1, $0x11  }
0xbc: {  	s0 =	sor.u32 s1, s0  }
0xbd: {  	s0 =	sadd.s32 $0x8F2B, s0  }
0xbe: {  	[sflag:s0] =	ssyncadd.remote.s32 $0x1  }
0xbf: {  	_ =	sfence.sel $0xFFFF  }
0xc0: {  	[dreg:$0x0] =	wrdreg $0xFFFFFFFF;
	(pc) =	sbr.abs _section_cstart, $3  }
0xc1: {  	[dreg:$0x1] =	wrdreg $0xFFFFFFFF  }
0xc2: {  	_ =	task.clear_ibuf [dreg:s7], $0x2FFFF;
	_ =	strace $0x9FFFFFFF  }
0xc3: {  	(tm) =	ssettm $0x7FFFFFFF  }
tec
execute0_lowered:
.L_overlay_start_1:
0x0: {  	(tag) =	ssettag $0x1  }
0x1: {  	s5 =	rddreg [dreg:$0x0]  }
0x2: {  	s4 =	rddreg [dreg:$0x1]  }
0x3: {  	s2 =	rddreg [dreg:$0x2]  }
0x4: {  	s0 =	rddreg [dreg:$0x3]  }
0x5: {  	s3 =	simm.s32 $0x0;
	s6 =	srdreg.scid;
	s1 =	stileid.u32  }
0x6: {  	s11 =	simm.s32 $0x2800;
	s14 =	simm.s32 $0x20;
	s15 =	simm.s32 $0x10  }
0x7: {  	s16 =	simm.s32 $0x0;
	[smem:$0x7FF] =	sst s3;
	s7 =	smul.u32 $0x500, s1  }
0x8: {  	s6 =	sand.u32 $0x1, s6;
	s30 =	smul.u32 $0xA00, s1;
	s12 =	sshll.u32 s1, $0x6  }
0x9: {  	_ =	strace $0x80000047;
	s8 =	sshll.u32 s6, $0x7;
	s9 =	sshll.u32 s6, $0x4  }
0xa: {  	s6 =	ssub.s32 $0x2, s6;
	s12 =	sor.u32 $0x1C01, s12;
	s7 =	sor.u32 s8, s7  }
0xb: {  	s29 =	sor.u32 s1, s9;
	s31 =	sshrl.u32 s6, $0x1;
	s9 =	sshrl.u32 s30, $0x2  }
0xc: {  	s7 =	sshrl.u32 s7, $0x3;
	s8 =	smul.u32 $0x500, s29;
	s10 =	ssub.s32 s6, s31  }
0xd: {  	s7 =	sadd.s32 s7, s4;
	s4 =	sadd.s32 s9, s2;
	s9 =	simm.s32 $0x1  }
0xe: {  	s5 =	sadd.s32 s5, s8;
	s6 =	sadd.s32 $0x1200, s7;
	s7 =	smax.u32 s10, $0x1  }
0xf: {  	v0 =	vimm.s32 $0x1;
	v1 =	vimm.s32 $0x0;
	s8 =	simm.s32 $0x2880;
	s10 =	simm.s32 $0x80;
	s13 =	sshrl.u32 s4, $0x3  }
.LBB2_1:
0x10: {  	[tilespmem:$0x2800] =	vst v0  }
0x11: {  	[tilespmem:$0x2810] =	vst v0  }
0x12: {  	[tilespmem:$0x2820] =	vst v0  }
0x13: {  	[tilespmem:$0x2830] =	vst v0  }
0x14: {  	[tilespmem:$0x2840] =	vst v0  }
0x15: {  	[tilespmem:$0x2850] =	vst v0  }
0x16: {  	[tilespmem:$0x2860] =	vst v0  }
0x17: {  	[tilespmem:$0x2870] =	vst v0  }
0x18: {  	[tilespmem:$0x2880] =	vst v1  }
0x19: {  	[tilespmem:$0x2890] =	vst v1  }
0x1a: {  	[tilespmem:$0x28A0] =	vst v1  }
0x1b: {  	[tilespmem:$0x28B0] =	vst v1  }
0x1c: {  	[tilespmem:$0x28C0] =	vst v1  }
0x1d: {  	[tilespmem:$0x28D0] =	vst v1  }
0x1e: {  	[tilespmem:$0x28E0] =	vst v1  }
0x1f: {  	[tilespmem:$0x28F0] =	vst v1  }
0x20: {  	[tilespmem:$0x2900] =	vst v1  }
0x21: {  	[tilespmem:$0x2910] =	vst v1  }
0x22: {  	[tilespmem:$0x2920] =	vst v1  }
0x23: {  	[tilespmem:$0x2930] =	vst v1  }
0x24: {  	[tilespmem:$0x2940] =	vst v1  }
0x25: {  	[tilespmem:$0x2950] =	vst v1  }
0x26: {  	[tilespmem:$0x2960] =	vst v1  }
0x27: {  	[tilespmem:$0x2970] =	vst v1  }
0x28: {  	[tilespmem:$0x2980] =	vst v1  }
0x29: {  	[tilespmem:$0x2990] =	vst v1  }
0x2a: {  	[tilespmem:$0x29A0] =	vst v1  }
0x2b: {  	[tilespmem:$0x29B0] =	vst v1  }
0x2c: {  	[tilespmem:$0x29C0] =	vst v1  }
0x2d: {  	[tilespmem:$0x29D0] =	vst v1  }
0x2e: {  	[tilespmem:$0x29E0] =	vst v1  }
0x2f: {  	[tilespmem:$0x29F0] =	vst v1  }
0x30: {  	[tilespmem:$0x2A00] =	vst v1  }
0x31: {  	[tilespmem:$0x2A10] =	vst v1  }
0x32: {  	[tilespmem:$0x2A20] =	vst v1  }
0x33: {  	[tilespmem:$0x2A30] =	vst v1  }
0x34: {  	[tilespmem:$0x2A40] =	vst v1  }
0x35: {  	[tilespmem:$0x2A50] =	vst v1  }
0x36: {  	[tilespmem:$0x2A60] =	vst v1  }
0x37: {  	[tilespmem:$0x2A70] =	vst v1  }
0x38: {  	[tilespmem:$0x2A80] =	vst v1  }
0x39: {  	[tilespmem:$0x2A90] =	vst v1  }
0x3a: {  	[tilespmem:$0x2AA0] =	vst v1  }
0x3b: {  	[tilespmem:$0x2AB0] =	vst v1  }
0x3c: {  	[tilespmem:$0x2AC0] =	vst v1  }
0x3d: {  	[tilespmem:$0x2AD0] =	vst v1  }
0x3e: {  	[tilespmem:$0x2AE0] =	vst v1  }
0x3f: {  	[tilespmem:$0x2AF0] =	vst v1  }
0x40: {  	[spmem:s4] =	stream.linear.scatter [tilespmem:s8], [sflag:$0x1], $0x280, $0x38;
	[tilespmem:$0x2D80] =	vst v63  }
0x41: {  	_ =	swait.ge [sflag:s9], $0x280  }
0x42: {  	[sflag:s9] =	ssyncset.done $0x0  }
0x43: {  	[sflag:s9] =	ssyncadd.s32 $0xFFFFFD80  }
0x44: {  	[tilespmem:s3], [sflag:$0x1] =	stream.linear.gather [hbm4b:s5+s3], $0x2800, $0x38;
	[tilespmem:$0x2D80] =	vst v63  }
0x45: {  	_ =	swait.ge [sflag:s9], $0x2800  }
0x46: {  	[sflag:s9] =	ssyncset.done $0x0  }
0x47: {  	[sflag:s9] =	ssyncadd.s32 $0xFFFFD800  }
0x48: {  	s17 =	simm.s32 $0x0;
	[bflag:$0x0] =	sbarrier.arrive $0xFFFF  }
0x49: {  	[spmem:s2] =	stream.indirect.scatter.add.s32 [tilespmem:s11], [sflag:$0x1], $0x1, s17, s10, $0xb8;
	[tilespmem:$0x2D80] =	vst v63  }
0x4a: {  	_ =	swait.ge [sflag:s9], $0x80  }
0x4b: {  	s17 =	simm.s32 $0x200;
	[sflag:s9] =	ssyncset.done $0x0  }
.LBB2_2:
0x4c: {  	s18 =	sshra.s32 s17, $0x2;
	[sflag:s9] =	ssyncadd.s32 $0xFFFFFF80;
	p0 =	sne.s32 s17, $0x9E00  }
0x4d: {  	[spmem:s2] =	stream.indirect.scatter.add.s32 [tilespmem:s11], [sflag:$0x1], $0x1, s18, s10, $0xb8;
	[tilespmem:$0x2D80] =	vst v63  }
.Ltmp0:
0x4e: {  	_ = 	snop;
	(pc) =	sbr.rel @p0 .LBB2_2-.Ltmp0, $4  }
0x4f: {  	_ = 	snop  }
0x50: {  	s17 =	sadd.s32 $0x200, s17  }
0x51: {  	_ =	swait.ge [sflag:s9], $0x80  }
0x52: {  	[sflag:s9] =	ssyncset.done $0x0  }
0x53: {  	s16 =	sadd.s32 $0x1, s16  }
0x54: {  	[sflag:s9] =	ssyncadd.s32 $0xFFFFFF80;
	p0 =	sne.s32 s16, s7  }
.Ltmp1:
0x55: {  	[bflag:$0x0] =	sbarrier.arrive $0xFFFF;
	(pc) =	sbr.rel @p0 .LBB2_1-.Ltmp1, $4  }
0x56: {  	[hbm:s6@s14], [sflag:s12] =	dma.strided [spmem:s13@s15], $0x50, s9, $0x10   }
0x57: {  	_ =	swait.ge [sflag:s9], $0x50  }
0x58: {  	[sflag:s9] =	ssyncset.done $0x0  }
0x59: {  	[sflag:s9] =	ssyncadd.s32 $0xFFFFFFB0  }
0x5a: {  	_ =	sfence.sel $0x180000  }
0x5b: {  	[bflag:$0x0] =	sbarrier.arrive $0xFFFF  }
0x5c: {  	p0 =	sne.s32 s1, $0x0;
	_ =	strace $0x90000047  }
0x5d: {  	s0 =	sadd.s32 @!p0 $0x100000, s0;
	[bflag:$0x2] =	sbarrier.arrive $0xFFFF  }
0x5e: {  	[sflag:s0] =	ssyncadd.tile.s32 @!p0 $0x1;
	_ =	shalt  }
.Lfunc_end2:
_tile_overlayer_lowered:
.L_overlay_start_2:
0x5f: {  	(tag) =	ssettag $0x2  }
0x60: {  	s0 =	rddreg [dreg:$0x0];
	s2 =	stileid.u32  }
0x61: {  	s1 =	rddreg [dreg:$0x1];
	p0 =	sne.s32 s2, $0x0  }
0x62: {  	s3 =	rddreg [dreg:$0x2];
	[bflag:$0x3] =	sbarrier.arrive $0xFFFF;
	s2 =	simm.s32 @!p0 $0x1C01  }
0x63: {  	[timem:s3], [sflag:s2] =	dma.local @!p0 [hbm:s0], s1  }
0x64: {  	s0 =	simm.s32 @!p0 $0x1  }
0x65: {  	_ =	swait.ge @!p0 [sflag:s0], s1  }
0x66: {  	s1 =	ssub.s32 @!p0 $0x0, s1;
	[sflag:s0] =	ssyncset.done @!p0 $0x0  }
0x67: {  	[sflag:s0] =	ssyncadd.s32 @!p0 s1  }
0x68: {  	[bflag:$0x3] =	sbarrier.arrive $0xFFFF  }
0x69: {  	_ =	shalt  }

// kernel: kernel.9.cloned.1.call-start
scs
__scs_entry_jumppad:
0x0: {  	(pc) =	sbr.rel $0x88, $3  }
0x1: {  	(tag) =	ssettag $0x0;
	lr =	simm.s32 $0x1  }
0x2: {  	[smem:$0x3F9D] =	sst lr;
	_ =	strace $0xD0000000  }
0x3: {  	_ = 	snop  }
0x4: {  	_ = 	snop  }
0x5: {  	_ = 	snop  }
0x6: {  	_ = 	snop  }
0x7: {  	_ = 	snop  }
__scs_overlays_trampoline_lowered:
0x8: {  	[smem:$0x3FAC] =	sst s0  }
0x9: {  	[smem:$0x3FAD] =	sst s1  }
0xa: {  	[smem:$0x3FAE] =	sst s2  }
0xb: {  	[smem:$0x3FAF] =	sst s3  }
0xc: {  	[smem:$0x3FB0] =	sst s4  }
0xd: {  	[smem:$0x3FB1] =	sst s5  }
0xe: {  	[smem:$0x3FB2] =	sst s6  }
0xf: {  	[smem:$0x3FB3] =	sst s7  }
0x10: {  	[smem:$0x3FB4] =	sst s8  }
0x11: {  	[smem:$0x3FB5] =	sst s9;
	s0 =	simm.s32 @!p0 $0x0  }
0x12: {  	s1 =	sld [smem:$0x3F9B];
	s0 =	simm.s32 @p0 $0x1  }
0x13: {  	[smem:$0x3FB6] =	sst s0;
	s0 =	simm.s32 @!p1 $0x0  }
0x14: {  	s2 =	sld [smem:$0x3F9A];
	s0 =	simm.s32 @p1 $0x1  }
0x15: {  	[smem:$0x3FB7] =	sst s0;
	s0 =	simm.s32 @!p2 $0x0  }
0x16: {  	s3 =	sld [smem:$0x3FDB];
	s0 =	simm.s32 @p2 $0x1  }
0x17: {  	s4 =	simm.s32 $0x1BF5;
	[smem:$0x3FB9] =	sst s0  }
0x18: {  	s0 =	sld [smem:$0x3F9C];
	_ =	swait.ge [sflag:s4], $0x0  }
0x19: {  	s7 =	sld [smem:$0x3F9D]  }
0x1a: {  	s8 =	sadd.s32 $0xFFFFE003, lr  }
0x1b: {  	s9 =	sadd.s32 $0xFFFFFEF7, lr;
	s5 =	simm.s32 $0xFFFFFFFF;
	p2 =	slt.u32 s8, $0xFFFFF086  }
0x1c: {  	p1 =	slt.u32 s9, $0xF7A;
	s5 =	simm.s32 @!p2 $0x0  }
0x1d: {  	s5 =	simm.s32 @p1 $0x1;
	p0 =	seq.s32 s7, s2  }
0x1e: {  	s7 =	smul.u32 @!p0 $0xF7A, s2;
	p2 =	seq.s32 @!p0 s5, $0x0  }
0x1f: {  	s9 =	smul.u32 $0xF7A, s1;
	s8 =	simm.s32 @!p0 $0x1BF5;
	p2 =	por !p2, p0  }
0x20: {  	[sflag:s8] =	ssyncset.s32 @!p0 $0xFFFFF086;
	s6 =	sadd.s32 @!p0 s3, s7;
	s7 =	simm.s32 @!p0 $0x108  }
0x21: {  	s3 =	sadd.s32 s3, s9;
	s6 =	sadd.s32 @!p0 $0x88, s6;
	s7 =	simm.s32 @p2 $0x1082  }
0x22: {  	[simem:s7], [sflag:s8] =	dma.local @!p0 [hbm:s6], $0xF7A  }
0x23: {  	s9 =	sor.u32 $0xD0000000, s2;
	s6 =	simm.s32 $0x108;
	_ =	swait.ge @!p0 [sflag:s8], $0x0  }
0x24: {  	s3 =	sadd.s32 $0x88, s3;
	s6 =	simm.s32 @!p1 $0x1082;
	[sflag:s4] =	ssyncset.s32 $0xFFFFF086  }
0x25: {  	[simem:s6], [sflag:s4] =	dma.local [hbm:s3], $0xF7A  }
0x26: {  	[smem:$0x3F9D] =	sst s1;
	(tag) =	ssettag s2;
	_ =	strace s9  }
0x27: {  	s1 =	sld [smem:$0x3FAD]  }
0x28: {  	s2 =	sld [smem:$0x3FAE]  }
0x29: {  	s4 =	sld [smem:$0x3FB0]  }
0x2a: {  	p0 =	seq.s32 s5, $0x0;
	s5 =	sld [smem:$0x3FB1]  }
0x2b: {  	s6 =	sld [smem:$0x3FB2]  }
0x2c: {  	s7 =	sld [smem:$0x3FB3]  }
0x2d: {  	s3 =	simm.s32 $0x108;
	s8 =	sld [smem:$0x3FB4]  }
0x2e: {  	s3 =	simm.s32 @!p0 $0x1082;
	s9 =	sld [smem:$0x3FB5]  }
0x2f: {  	lr =	sadd.s32 s0, s3;
	s0 =	sld [smem:$0x3FAC]  }
0x30: {  	s3 =	sld [smem:$0x3FAF]  }
0x31: {  	[smem:$0x3FB8] =	sst s10  }
0x32: {  	s10 =	sld [smem:$0x3FB6];
	_ =	sdelay $0x3  }
0x33: {  	p0 =	seq.s32 s10, $0x1;
	s10 =	sld [smem:$0x3FB8];
	_ =	sdelay $0x3  }
0x34: {  	[smem:$0x3FB8] =	sst s10  }
0x35: {  	s10 =	sld [smem:$0x3FB7];
	_ =	sdelay $0x3  }
0x36: {  	p1 =	seq.s32 s10, $0x1;
	s10 =	sld [smem:$0x3FB8];
	_ =	sdelay $0x3  }
0x37: {  	[smem:$0x3FB8] =	sst s10  }
0x38: {  	s10 =	sld [smem:$0x3FB9]  }
0x39: {  	_ = 	snop;
	(pc) =	sbr.ind lr, $3  }
0x3a: {  	_ = 	snop  }
0x3b: {  	_ = 	snop  }
0x3c: {  	p2 =	seq.s32 s10, $0x1;
	s10 =	sld [smem:$0x3FB8]  }
0x3d: {  	_ =	shalt  }
0x3e: {  	_ =	shalt  }
0x3f: {  	_ =	shalt  }
0x40: {  	_ =	shalt  }
0x41: {  	_ =	shalt  }
0x42: {  	_ =	shalt  }
0x43: {  	_ =	shalt  }
0x44: {  	_ =	shalt  }
0x45: {  	_ =	shalt  }
0x46: {  	_ =	shalt  }
0x47: {  	_ =	shalt  }
0x48: {  	_ =	shalt  }
0x49: {  	_ =	shalt  }
0x4a: {  	_ =	shalt  }
0x4b: {  	_ =	shalt  }
0x4c: {  	_ =	shalt  }
0x4d: {  	_ =	shalt  }
0x4e: {  	_ =	shalt  }
0x4f: {  	_ =	shalt  }
0x50: {  	_ =	shalt  }
0x51: {  	_ =	shalt  }
0x52: {  	_ =	shalt  }
0x53: {  	_ =	shalt  }
0x54: {  	_ =	shalt  }
0x55: {  	_ =	shalt  }
0x56: {  	_ =	shalt  }
0x57: {  	_ =	shalt  }
0x58: {  	_ =	shalt  }
0x59: {  	_ =	shalt  }
0x5a: {  	_ =	shalt  }
0x5b: {  	_ =	shalt  }
0x5c: {  	_ =	shalt  }
0x5d: {  	_ =	shalt  }
0x5e: {  	_ =	shalt  }
0x5f: {  	_ =	shalt  }
0x60: {  	_ =	shalt  }
0x61: {  	_ =	shalt  }
0x62: {  	_ =	shalt  }
0x63: {  	_ =	shalt  }
0x64: {  	_ =	shalt  }
0x65: {  	_ =	shalt  }
0x66: {  	_ =	shalt  }
0x67: {  	_ =	shalt  }
0x68: {  	_ =	shalt  }
0x69: {  	_ =	shalt  }
0x6a: {  	_ =	shalt  }
0x6b: {  	_ =	shalt  }
0x6c: {  	_ =	shalt  }
0x6d: {  	_ =	shalt  }
0x6e: {  	_ =	shalt  }
0x6f: {  	_ =	shalt  }
0x70: {  	_ =	shalt  }
0x71: {  	_ =	shalt  }
0x72: {  	_ =	shalt  }
0x73: {  	_ =	shalt  }
0x74: {  	_ =	shalt  }
0x75: {  	_ =	shalt  }
0x76: {  	_ =	shalt  }
0x77: {  	_ =	shalt  }
0x78: {  	_ =	shalt  }
0x79: {  	_ =	shalt  }
0x7a: {  	_ =	shalt  }
0x7b: {  	_ =	shalt  }
0x7c: {  	_ =	shalt  }
0x7d: {  	_ =	shalt  }
0x7e: {  	_ =	shalt  }
0x7f: {  	_ =	shalt  }
0x80: {  	_ =	shalt  }
0x81: {  	_ =	shalt  }
0x82: {  	_ =	shalt  }
0x83: {  	_ =	shalt  }
0x84: {  	_ =	shalt  }
0x85: {  	_ =	shalt  }
0x86: {  	_ =	shalt  }
0x87: {  	_ =	shalt  }
.Lfunc_end0:
.L_simem_size_0:
called_computation.1_lowered:
.L_overlay_start_0:
0x88: {  	s2 =	sld [smem:$0x3FD9]  }
0x89: {  	s3 =	sld [smem:$0x3FFE];
	_ =	sdelay $0x1  }
0x8a: {  	s1 =	srdreg.scid  }
0x8b: {  	s0 =	sand.u32 $0x1, s1  }
0x8c: {  	s17 =	sshll.u32 s0, $0xA;
	s2 =	sadd.s32 s3, s2  }
0x8d: {  	s2 =	sadd.s32 s2, s17  }
0x8e: {  	[smem:$0x3FC4] =	sst s2  }
0x8f: {  	_ = 	snop  }
0x90: {  	s2 =	sld [smem:$0x3FD0];
	(tm) =	ssettm $0x1  }
0x91: {  	s18 =	sld [smem:$0x3FFB];
	_ =	sdelay $0x3  }
0x92: {  	_ =	strace s18  }
0x93: {  	s3 =	sld [smem:$0x3FFC];
	_ =	sdelay $0x3  }
0x94: {  	_ =	strace s3  }
0x95: {  	s3 =	sld [smem:$0x3FFD];
	_ =	sdelay $0x3  }
0x96: {  	_ =	strace s3  }
0x97: {  	_ =	strace $0x8FFFFFFF  }
0x98: {  	s19 =	sld [smem:$0x3FDB];
	_ =	sdelay $0x1  }
0x99: {  	s4 =	simm.s32 $_scs_section_size  }
0x9a: {  	s5 =	simm.s32 $_size__tile_overlayer_lowered;
	s6 =	simm.s32 $_tile_overlayer_lowered  }
0x9b: {  	s22 =	simm.s32 $0x1BFF;
	s21 =	sshll.u32 s6, $0x1;
	s3 =	sadd.s32 s4, s19  }
0x9c: {  	s7 =	simm.s32 $0x0;
	s20 =	sshll.u32 s5, $0x1;
	s5 =	sadd.s32 s21, s3  }
0x9d: {  	[timem:s7], [sflag:s22] =	dma.local [hbm:s5], s20  }
0x9e: {  	_ =	swait.ge [sflag:s22], s20  }
0x9f: {  	s4 =	ssub.s32 $0x0, s20;
	[sflag:s22] =	ssyncset.done $0x0  }
0xa0: {  	[sflag:s22] =	ssyncadd.s32 s4;
	_ =	sdelay $0x1  }
0xa1: {  	s23 =	simm.s32 $0x1B8B  }
0xa2: {  	_ =	swait.ge [sflag:s23], $0x1  }
0xa3: {  	[sflag:s23] =	ssyncset.done $0x0  }
0xa4: {  	s25 =	simm.s32 $0x1B8E;
	s24 =	sld [smem:$0x3FFE];
	[sflag:s23] =	ssyncadd.s32 $0xFFFFFFFF  }
0xa5: {  	s26 =	simm.s32 $execute0_lowered;
	[smem:$0x3FD2] =	sst s25  }
0xa6: {  	s5 =	sshll.u32 s26, $0x1;
	_ =	strace $0x80000049;
	[dreg:$0x1] =	wrdreg $0xFFFFFFFF  }
0xa7: {  	s28 =	simm.s32 $_size_execute0_lowered;
	s3 =	sadd.s32 s3, s5;
	[dreg:$0x0] =	wrdreg $0x0  }
0xa8: {  	s5 =	sshll.u32 s28, $0x1;
	[dreg:$0x2] =	wrdreg s3  }
0xa9: {  	[dreg:$0x3] =	wrdreg s5  }
0xaa: {  	[dreg:$0x4] =	wrdreg $0xC0  }
0xab: {  	_ =	task [dreg:s7], $0x5FFFF  }
0xac: {  	[dreg:$0x1] =	wrdreg $0xFFFFFFFF  }
0xad: {  	[dreg:$0x0] =	wrdreg $0x60  }
0xae: {  	[dreg:$0x2] =	wrdreg s2  }
0xaf: {  	[dreg:$0x3] =	wrdreg s24  }
0xb0: {  	[dreg:$0x4] =	wrdreg $0x88000  }
0xb1: {  	[dreg:$0x5] =	wrdreg $0x9  }
0xb2: {  	_ =	task.clear_ibuf [dreg:s7], $0x6FFFF;
	_ =	strace $0x90000049  }
0xb3: {  	s29 =	simm.s32 $0x9;
	_ =	strace $0x8000004B  }
0xb4: {  	_ =	swait.ge [sflag:s29], $0x1  }
0xb5: {  	[sflag:s29] =	ssyncadd.s32 $0xFFFFFFFF  }
0xb6: {  	_ =	strace $0x9000004B  }
0xb7: {  	_ =	sfence  }
0xb8: {  	s30 =	sld [smem:$0x0];
	_ =	sdelay $0x2  }
0xb9: {  	s31 =	sshll.u32 s1, $0xD;
	s1 =	sshrl.u32 s1, $0x2  }
0xba: {  	s3 =	sand.u32 $0x4000, s31;
	s1 =	sadd.s32 s1, s30  }
0xbb: {  	s0 =	sor.u32 s3, s0;
	s1 =	sshll.u32 s1, $0x11  }
0xbc: {  	s0 =	sor.u32 s1, s0  }
0xbd: {  	s0 =	sadd.s32 $0x8F2B, s0  }
0xbe: {  	[sflag:s0] =	ssyncadd.remote.s32 $0x1  }
0xbf: {  	_ =	sfence.sel $0xFFFF  }
0xc0: {  	[dreg:$0x0] =	wrdreg $0xFFFFFFFF;
	(pc) =	sbr.abs _section_cstart, $3  }
0xc1: {  	[dreg:$0x1] =	wrdreg $0xFFFFFFFF  }
0xc2: {  	_ =	task.clear_ibuf [dreg:s7], $0x2FFFF;
	_ =	strace $0x9FFFFFFF  }
0xc3: {  	(tm) =	ssettm $0x7FFFFFFF  }
tec
execute0_lowered:
.L_overlay_start_1:
0x0: {  	(tag) =	ssettag $0x1  }
0x1: {  	s1 =	rddreg [dreg:$0x0]  }
0x2: {  	s0 =	rddreg [dreg:$0x1]  }
0x3: {  	s2 =	rddreg [dreg:$0x2];
	s4 =	simm.s32 $0x0;
	s3 =	srdreg.scid  }
0x4: {  	s14 =	stileid.u32;
	s18 =	simm.s32 $0x4800;
	s19 =	simm.s32 $0x3  }
0x5: {  	s20 =	simm.s32 $0x400;
	s21 =	simm.s32 $0x80;
	s22 =	simm.s32 $0x800  }
0x6: {  	s23 =	simm.s32 $0x2800;
	s24 =	simm.s32 $0x1;
	s28 =	simm.s32 $0x700  }
0x7: {  	s29 =	simm.s32 $0x780;
	s30 =	simm.s32 $0x0;
	[smem:$0x7FF] =	sst s4  }
0x8: {  	s3 =	sand.u32 $0x1, s3;
	s5 =	sadd.s32 $0x10400, s0;
	s10 =	smul.u32 $0x13880, s14  }
0x9: {  	s6 =	sadd.s32 $0xAC00, s0;
	s7 =	sadd.s32 $0x1C00, s0;
	s11 =	smul.u32 $0x4E200, s14  }
0xa: {  	s8 =	sadd.s32 $0x6400, s0;
	s9 =	smul.u32 $0x138800, s3;
	s12 =	ssub.s32 $0x2, s3  }
0xb: {  	_ =	strace $0x8000004A;
	p0 =	seq.s32 s3, $0x1;
	s13 =	sshrl.u32 s12, $0x1  }
0xc: {  	s11 =	sshrl.u32 s11, $0x2;
	s26 =	sadd.s32 s10, s2;
	s9 =	sadd.s32 s10, s9  }
0xd: {  	s13 =	ssub.s32 s12, s13;
	s12 =	smul.u32 $0x2400, s14;
	s25 =	sshrl.u32 s26, $0x3  }
.Ltmp0:
0xe: {  	s26 =	simm.s32 $0x2;
	s9 =	sshrl.u32 s9, $0x3;
	(pc) =	sbr.rel .LBB2_1-.Ltmp0, $4  }
0xf: {  	s31 =	smax.u32 s13, $0x1;
	s0 =	sadd.s32 s9, s0;
	s9 =	sadd.s32 s11, s2  }
0x10: {  	[dreg:$0x6] =	wrdreg s31;
	s11 =	sadd.s32 $0x10000, s9;
	s0 =	sadd.s32 $0x15C00, s0  }
0x11: {  	s15 =	sadd.s32 $0x4000, s9;
	s16 =	sadd.s32 $0x8000, s9;
	[dreg:$0x4] =	wrdreg s11  }
0x12: {  	v0 =	vimm.f32 $0.0e+00;
	s17 =	sadd.s32 $0xC000, s9;
	s11 =	smul.u32 $0x2C00, s14;
	[dreg:$0x5] =	wrdreg s0  }
.LBB2_26:
0x13: {  	s0 =	stileid.u32  }
0x14: {  	[bflag:$0x0] =	sbarrier.arrive $0xFFFF;
	s0 =	sshll.u32 s0, $0x6  }
0x15: {  	s3 =	rddreg [dreg:$0x5];
	s0 =	sor.u32 $0x1C03, s0  }
0x16: {  	[hbm:s3], [sflag:s0] =	dma.local [spmem:s25], $0x2710  }
0x17: {  	_ =	swait.ge [sflag:s19], $0x2710  }
0x18: {  	s4 =	sadd.s32 $0x1, s4;
	s31 =	rddreg [dreg:$0x6]  }
0x19: {  	p1 =	sne.s32 s4, s31  }
.Ltmp1:
0x1a: {  	_ = 	snop;
	(pc) =	sbr.rel @!p1 .LBB2_27-.Ltmp1, $3  }
0x1b: {  	_ =	sdelay $0x1  }
0x1c: {  	[sflag:s19] =	ssyncset.done $0x0  }
0x1d: {  	[sflag:s19] =	ssyncadd.s32 $0xFFFFD8F0  }
.LBB2_1:
0x1e: {  	s0 =	simm.s32 $0x0;
	s3 =	simm.s32 $0x200  }
.LBB2_2:
0x1f: {  	p1 =	sne.s32 s3, $0xFE00;
	[tilespmem:s0+$0x4870] =	vst v0  }
0x20: {  	[tilespmem:s0+$0x4800] =	vst v0  }
0x21: {  	[tilespmem:s0+$0x4810] =	vst v0  }
.Ltmp2:
0x22: {  	[tilespmem:s0+$0x4820] =	vst v0;
	(pc) =	sbr.rel @p1 .LBB2_2-.Ltmp2, $4  }
0x23: {  	[tilespmem:s0+$0x4830] =	vst v0  }
0x24: {  	[tilespmem:s0+$0x4840] =	vst v0  }
0x25: {  	[tilespmem:s0+$0x4850] =	vst v0  }
0x26: {  	[tilespmem:s0+$0x4860] =	vst v0;
	s0 =	sshra.s32 s3, $0x2;
	s3 =	sadd.s32 $0x200, s3  }
0x27: {  	[tilespmem:s0+$0x4870] =	vst v0  }
0x28: {  	[tilespmem:s0+$0x4800] =	vst v0  }
0x29: {  	[tilespmem:s0+$0x4810] =	vst v0  }
0x2a: {  	[tilespmem:s0+$0x4820] =	vst v0  }
0x2b: {  	[tilespmem:s0+$0x4830] =	vst v0  }
0x2c: {  	[tilespmem:s0+$0x4840] =	vst v0  }
0x2d: {  	[tilespmem:s0+$0x4850] =	vst v0  }
0x2e: {  	[tilespmem:s0+$0x4860] =	vst v0  }
0x2f: {  	[spmem:s9] =	stream.linear.scatter [tilespmem:s18], [sflag:$0x3], $0x4000, $0x38;
	[tilespmem:$0x1C080] =	vst v63  }
0x30: {  	_ =	swait.ge [sflag:s19], $0x4000  }
0x31: {  	[sflag:s19] =	ssyncset.done $0x0  }
0x32: {  	[sflag:s19] =	ssyncadd.s32 $0xFFFFC000  }
0x33: {  	[spmem:s15] =	stream.linear.scatter [tilespmem:s18], [sflag:$0x3], $0x4000, $0x38;
	[tilespmem:$0x1C080] =	vst v63  }
0x34: {  	_ =	swait.ge [sflag:s19], $0x4000  }
0x35: {  	[sflag:s19] =	ssyncset.done $0x0  }
0x36: {  	[sflag:s19] =	ssyncadd.s32 $0xFFFFC000  }
0x37: {  	[spmem:s16] =	stream.linear.scatter [tilespmem:s18], [sflag:$0x3], $0x4000, $0x38;
	[tilespmem:$0x1C080] =	vst v63  }
0x38: {  	_ =	swait.ge [sflag:s19], $0x4000  }
0x39: {  	[sflag:s19] =	ssyncset.done $0x0  }
0x3a: {  	[sflag:s19] =	ssyncadd.s32 $0xFFFFC000  }
0x3b: {  	[spmem:s17] =	stream.linear.scatter [tilespmem:s18], [sflag:$0x3], $0x4000, $0x38;
	[tilespmem:$0x1C080] =	vst v63  }
0x3c: {  	_ =	swait.ge [sflag:s19], $0x4000  }
0x3d: {  	[sflag:s19] =	ssyncset.done $0x0  }
0x3e: {  	s14 =	rddreg [dreg:$0x4];
	[sflag:s19] =	ssyncadd.s32 $0xFFFFC000  }
0x3f: {  	[spmem:s14] =	stream.linear.scatter [tilespmem:s18], [sflag:$0x3], $0x3880, $0x38;
	[tilespmem:$0x1C080] =	vst v63  }
.Ltmp3:
0x40: {  	_ =	swait.ge [sflag:s19], $0x3880;
	(pc) =	sbr.rel @!p0 .LBB2_4-.Ltmp3, $4  }
0x41: {  	[sflag:s19] =	ssyncset.done $0x0  }
0x42: {  	[sflag:s19] =	ssyncadd.s32 $0xFFFFC780  }
0x43: {  	[bflag:$0x0] =	sbarrier.arrive $0xFFFF  }
0x44: {  	s31 =	simm.s32 $0x0;
	s0 =	simm.s32 $0x0  }
.LBB2_15:
0x45: {  	s3 =	sshll.u32 s0, $0xA  }
0x46: {  	s3 =	sadd.s32 s12, s3  }
0x47: {  	s3 =	sshrl.u32 s3, $0x3  }
0x48: {  	s10 =	sadd.s32 s7, s3  }
0x49: {  	[tilespmem:s30], [sflag:$0x3] =	stream.linear.gather [hbm4b:s10+s30], $0x400, $0x38;
	[tilespmem:$0x1C080] =	vst v63  }
0x4a: {  	_ =	swait.ge [sflag:s19], $0x400  }
0x4b: {  	[sflag:s19] =	ssyncset.done $0x0  }
0x4c: {  	s3 =	sadd.s32 s8, s3;
	[sflag:s19] =	ssyncadd.s32 $0xFFFFFC00  }
0x4d: {  	[tilespmem:s20], [sflag:$0x3] =	stream.linear.gather [hbm4b:s3+s30], $0x400, $0x38;
	[tilespmem:$0x1C080] =	vst v63  }
0x4e: {  	_ =	swait.ge [sflag:s19], $0x400  }
0x4f: {  	[sflag:s19] =	ssyncset.done $0x0  }
0x50: {  	[sflag:s19] =	ssyncadd.s32 $0xFFFFFC00  }
0x51: {  	[tilespmem:s22], [sflag:$0x1] =	stream.indirect.gather [hbm4b:s1+s21], $0x40, s30, s21, $0xb8;
	[tilespmem:$0x1C080] =	vst v63  }
0x52: {  	s31 =	simm.s32 $0x0  }
0x53: {  	[tilespmem:s23], [sflag:$0x2] =	stream.indirect.gather [hbm4b:s1+s21], $0x40, s21, s21, $0xb8;
	[tilespmem:$0x1C080] =	vst v63  }
.LBB2_16:
0x54: {  	_ =	swait.ge [sflag:s24], $0x2000  }
0x55: {  	[sflag:s24] =	ssyncset.done $0x0  }
0x56: {  	s10 =	simm.s32 $0x0;
	[sflag:s24] =	ssyncadd.s32 $0xFFFFE000  }
0x57: {  	v1 =	vld [tilespmem:s10+$0x800];
	_ =	sdelay $0x4  }
0x58: {  	s3 =	simm.s32 $0x4840;
	v2 =	vshll.u32 v1, $0x10  }
0x59: {  	v1 =	vand.u32 $0xFFFF0000, v1;
	[tilespmem:s3+$0xFFFFFFC0] =	vst v2  }
0x5a: {  	[tilespmem:s3+$0xFFFFFFD0] =	vst v1  }
0x5b: {  	v1 =	vld [tilespmem:s10+$0x810];
	_ =	sdelay $0x4  }
0x5c: {  	v2 =	vshll.u32 v1, $0x10  }
0x5d: {  	v1 =	vand.u32 $0xFFFF0000, v1;
	[tilespmem:s3+$0xFFFFFFE0] =	vst v2  }
0x5e: {  	[tilespmem:s3+$0xFFFFFFF0] =	vst v1  }
0x5f: {  	v1 =	vld [tilespmem:s10+$0x820];
	_ =	sdelay $0x4  }
0x60: {  	v2 =	vand.u32 $0xFFFF0000, v1  }
0x61: {  	v1 =	vshll.u32 v1, $0x10;
	[tilespmem:s3+$0x10] =	vst v2  }
0x62: {  	[tilespmem:s3+$0x0] =	vst v1  }
0x63: {  	v1 =	vld [tilespmem:s10+$0x830];
	_ =	sdelay $0x4  }
0x64: {  	v2 =	vshll.u32 v1, $0x10  }
0x65: {  	v1 =	vand.u32 $0xFFFF0000, v1;
	[tilespmem:s3+$0x20] =	vst v2  }
0x66: {  	s10 =	simm.s32 $0x40;
	[tilespmem:s3+$0x30] =	vst v1  }
0x67: {  	v1 =	vld [tilespmem:s10+$0x800]  }
0x68: {  	s13 =	simm.s32 $0x200  }
.LBB2_17:
0x69: {  	p1 =	sne.s32 s13, $0x7F00;
	_ =	sdelay $0x2  }
0x6a: {  	s3 =	sadd.s32 $0x80, s3;
	v2 =	vshll.u32 v1, $0x10  }
0x6b: {  	v1 =	vand.u32 $0xFFFF0000, v1;
	[tilespmem:s3+$0xFFFFFFC0] =	vst v2  }
0x6c: {  	[tilespmem:s3+$0xFFFFFFD0] =	vst v1  }
0x6d: {  	v1 =	vld [tilespmem:s10+$0x810];
	_ =	sdelay $0x4  }
0x6e: {  	v2 =	vshll.u32 v1, $0x10  }
0x6f: {  	v1 =	vand.u32 $0xFFFF0000, v1;
	[tilespmem:s3+$0xFFFFFFE0] =	vst v2  }
0x70: {  	[tilespmem:s3+$0xFFFFFFF0] =	vst v1  }
0x71: {  	v1 =	vld [tilespmem:s10+$0x820];
	_ =	sdelay $0x4  }
0x72: {  	v2 =	vshll.u32 v1, $0x10;
	v1 =	vand.u32 $0xFFFF0000, v1  }
0x73: {  	[tilespmem:s3+$0x10] =	vst v1  }
0x74: {  	[tilespmem:s3+$0x0] =	vst v2  }
0x75: {  	v1 =	vld [tilespmem:s10+$0x830];
	_ =	sdelay $0x4  }
.Ltmp4:
0x76: {  	v2 =	vshll.u32 v1, $0x10;
	v1 =	vand.u32 $0xFFFF0000, v1;
	(pc) =	sbr.rel @p1 .LBB2_17-.Ltmp4, $4  }
0x77: {  	[tilespmem:s3+$0x20] =	vst v2  }
0x78: {  	s10 =	sshra.s32 s13, $0x2;
	[tilespmem:s3+$0x30] =	vst v1  }
0x79: {  	v1 =	vld [tilespmem:s10+$0x800]  }
0x7a: {  	s13 =	sadd.s32 $0x100, s13  }
0x7b: {  	_ =	sdelay $0x2  }
0x7c: {  	s13 =	sadd.s32 $0x80, s3;
	v2 =	vshll.u32 v1, $0x10  }
0x7d: {  	v1 =	vand.u32 $0xFFFF0000, v1;
	[tilespmem:s13+$0xFFFFFFC0] =	vst v2  }
0x7e: {  	[tilespmem:s13+$0xFFFFFFD0] =	vst v1  }
0x7f: {  	v1 =	vld [tilespmem:s10+$0x810];
	_ =	sdelay $0x4  }
0x80: {  	v2 =	vshll.u32 v1, $0x10  }
0x81: {  	v1 =	vand.u32 $0xFFFF0000, v1;
	[tilespmem:s13+$0xFFFFFFE0] =	vst v2  }
0x82: {  	[tilespmem:s13+$0xFFFFFFF0] =	vst v1  }
0x83: {  	v1 =	vld [tilespmem:s10+$0x820];
	_ =	sdelay $0x4  }
0x84: {  	v2 =	vand.u32 $0xFFFF0000, v1  }
0x85: {  	v1 =	vshll.u32 v1, $0x10;
	[tilespmem:s13+$0x10] =	vst v2  }
0x86: {  	[tilespmem:s13+$0x0] =	vst v1  }
0x87: {  	v1 =	vld [tilespmem:s10+$0x830];
	_ =	sdelay $0x4  }
0x88: {  	s10 =	sshll.u32 s31, $0x8;
	v2 =	vshll.u32 v1, $0x10  }
0x89: {  	s3 =	sand.u32 $0x3FFFFF00, s10;
	v1 =	vand.u32 $0xFFFF0000, v1;
	[tilespmem:s13+$0x20] =	vst v2  }
0x8a: {  	s14 =	sadd.s32 $0x100, s3;
	[tilespmem:s13+$0x30] =	vst v1  }
0x8b: {  	[tilespmem:s22], [sflag:$0x1] =	stream.indirect.gather [hbm4b:s1+s21], $0x40, s14, s21, $0xb8;
	[tilespmem:$0x1C080] =	vst v63  }
0x8c: {  	s13 =	sadd.s32 $0x400, s3  }
0x8d: {  	[spmem:s2] =	stream.indirect.scatter.add.f32 [tilespmem:s18], [sflag:$0x3], $0x80, s13, s21, $0xb8;
	[tilespmem:$0x1C080] =	vst v63  }
0x8e: {  	_ =	swait.ge [sflag:s19], $0x4000  }
0x8f: {  	[sflag:s19] =	ssyncset.done $0x0  }
0x90: {  	[sflag:s19] =	ssyncadd.s32 $0xFFFFC000  }
0x91: {  	_ =	swait.ge [sflag:s26], $0x2000  }
0x92: {  	[sflag:s26] =	ssyncset.done $0x0  }
0x93: {  	s14 =	simm.s32 $0x0;
	[sflag:s26] =	ssyncadd.s32 $0xFFFFE000  }
0x94: {  	v1 =	vld [tilespmem:s14+$0x2800];
	_ =	sdelay $0x4  }
0x95: {  	s10 =	simm.s32 $0x4840;
	v2 =	vshll.u32 v1, $0x10  }
0x96: {  	v1 =	vand.u32 $0xFFFF0000, v1;
	[tilespmem:s10+$0xFFFFFFC0] =	vst v2  }
0x97: {  	[tilespmem:s10+$0xFFFFFFD0] =	vst v1  }
0x98: {  	v1 =	vld [tilespmem:s14+$0x2810];
	_ =	sdelay $0x4  }
0x99: {  	v2 =	vshll.u32 v1, $0x10  }
0x9a: {  	v1 =	vand.u32 $0xFFFF0000, v1;
	[tilespmem:s10+$0xFFFFFFE0] =	vst v2  }
0x9b: {  	[tilespmem:s10+$0xFFFFFFF0] =	vst v1  }
0x9c: {  	v1 =	vld [tilespmem:s14+$0x2820];
	_ =	sdelay $0x4  }
0x9d: {  	v2 =	vand.u32 $0xFFFF0000, v1  }
0x9e: {  	v1 =	vshll.u32 v1, $0x10;
	[tilespmem:s10+$0x10] =	vst v2  }
0x9f: {  	[tilespmem:s10+$0x0] =	vst v1  }
0xa0: {  	v1 =	vld [tilespmem:s14+$0x2830];
	_ =	sdelay $0x4  }
0xa1: {  	v2 =	vshll.u32 v1, $0x10  }
0xa2: {  	v1 =	vand.u32 $0xFFFF0000, v1;
	[tilespmem:s10+$0x20] =	vst v2  }
0xa3: {  	s13 =	simm.s32 $0x40;
	[tilespmem:s10+$0x30] =	vst v1  }
0xa4: {  	v1 =	vld [tilespmem:s13+$0x2800]  }
0xa5: {  	s14 =	simm.s32 $0x200  }
.LBB2_19:
0xa6: {  	p1 =	sne.s32 s14, $0x7F00;
	_ =	sdelay $0x2  }
0xa7: {  	s10 =	sadd.s32 $0x80, s10;
	v2 =	vshll.u32 v1, $0x10  }
0xa8: {  	v1 =	vand.u32 $0xFFFF0000, v1;
	[tilespmem:s10+$0xFFFFFFC0] =	vst v2  }
0xa9: {  	[tilespmem:s10+$0xFFFFFFD0] =	vst v1  }
0xaa: {  	v1 =	vld [tilespmem:s13+$0x2810];
	_ =	sdelay $0x4  }
0xab: {  	v2 =	vshll.u32 v1, $0x10  }
0xac: {  	v1 =	vand.u32 $0xFFFF0000, v1;
	[tilespmem:s10+$0xFFFFFFE0] =	vst v2  }
0xad: {  	[tilespmem:s10+$0xFFFFFFF0] =	vst v1  }
0xae: {  	v1 =	vld [tilespmem:s13+$0x2820];
	_ =	sdelay $0x4  }
0xaf: {  	v2 =	vshll.u32 v1, $0x10;
	v1 =	vand.u32 $0xFFFF0000, v1  }
0xb0: {  	[tilespmem:s10+$0x10] =	vst v1  }
0xb1: {  	[tilespmem:s10+$0x0] =	vst v2  }
0xb2: {  	v1 =	vld [tilespmem:s13+$0x2830];
	_ =	sdelay $0x4  }
.Ltmp5:
0xb3: {  	v2 =	vshll.u32 v1, $0x10;
	v1 =	vand.u32 $0xFFFF0000, v1;
	(pc) =	sbr.rel @p1 .LBB2_19-.Ltmp5, $4  }
0xb4: {  	[tilespmem:s10+$0x20] =	vst v2  }
0xb5: {  	s13 =	sshra.s32 s14, $0x2;
	[tilespmem:s10+$0x30] =	vst v1  }
0xb6: {  	v1 =	vld [tilespmem:s13+$0x2800]  }
0xb7: {  	s14 =	sadd.s32 $0x100, s14  }
0xb8: {  	_ =	sdelay $0x2  }
0xb9: {  	s10 =	sadd.s32 $0x80, s10;
	v2 =	vshll.u32 v1, $0x10  }
0xba: {  	v1 =	vand.u32 $0xFFFF0000, v1;
	[tilespmem:s10+$0xFFFFFFC0] =	vst v2  }
0xbb: {  	[tilespmem:s10+$0xFFFFFFD0] =	vst v1  }
0xbc: {  	v1 =	vld [tilespmem:s13+$0x2810];
	_ =	sdelay $0x4  }
0xbd: {  	v2 =	vshll.u32 v1, $0x10  }
0xbe: {  	v1 =	vand.u32 $0xFFFF0000, v1;
	[tilespmem:s10+$0xFFFFFFE0] =	vst v2  }
0xbf: {  	[tilespmem:s10+$0xFFFFFFF0] =	vst v1  }
0xc0: {  	v1 =	vld [tilespmem:s13+$0x2820];
	_ =	sdelay $0x4  }
0xc1: {  	v2 =	vand.u32 $0xFFFF0000, v1  }
0xc2: {  	v1 =	vshll.u32 v1, $0x10;
	[tilespmem:s10+$0x10] =	vst v2  }
0xc3: {  	[tilespmem:s10+$0x0] =	vst v1  }
0xc4: {  	v1 =	vld [tilespmem:s13+$0x2830];
	_ =	sdelay $0x4  }
0xc5: {  	v2 =	vshll.u32 v1, $0x10  }
0xc6: {  	s31 =	sadd.s32 $0x1, s31;
	v1 =	vand.u32 $0xFFFF0000, v1;
	[tilespmem:s10+$0x20] =	vst v2  }
0xc7: {  	p1 =	sne.s32 s31, $0x3;
	s13 =	sadd.s32 $0x180, s3;
	[tilespmem:s10+$0x30] =	vst v1  }
0xc8: {  	[tilespmem:s23], [sflag:$0x2] =	stream.indirect.gather [hbm4b:s1+s21], $0x40, s13, s21, $0xb8;
	[tilespmem:$0x1C080] =	vst v63  }
.Ltmp6:
0xc9: {  	s14 =	sadd.s32 $0x480, s3;
	(pc) =	sbr.rel @p1 .LBB2_16-.Ltmp6, $4  }
0xca: {  	[spmem:s2] =	stream.indirect.scatter.add.f32 [tilespmem:s18], [sflag:$0x3], $0x80, s14, s21, $0xb8;
	[tilespmem:$0x1C080] =	vst v63  }
0xcb: {  	_ =	swait.ge [sflag:s19], $0x4000  }
0xcc: {  	[sflag:s19] =	ssyncset.done $0x0  }
0xcd: {  	[sflag:s19] =	ssyncadd.s32 $0xFFFFC000  }
0xce: {  	_ =	swait.ge [sflag:s24], $0x2000  }
0xcf: {  	[sflag:s24] =	ssyncset.done $0x0  }
0xd0: {  	s10 =	simm.s32 $0x0;
	[sflag:s24] =	ssyncadd.s32 $0xFFFFE000  }
0xd1: {  	v1 =	vld [tilespmem:s10+$0x800];
	_ =	sdelay $0x4  }
0xd2: {  	s3 =	simm.s32 $0x4840;
	v2 =	vshll.u32 v1, $0x10  }
0xd3: {  	v1 =	vand.u32 $0xFFFF0000, v1;
	[tilespmem:s3+$0xFFFFFFC0] =	vst v2  }
0xd4: {  	[tilespmem:s3+$0xFFFFFFD0] =	vst v1  }
0xd5: {  	v1 =	vld [tilespmem:s10+$0x810];
	_ =	sdelay $0x4  }
0xd6: {  	v2 =	vshll.u32 v1, $0x10  }
0xd7: {  	v1 =	vand.u32 $0xFFFF0000, v1;
	[tilespmem:s3+$0xFFFFFFE0] =	vst v2  }
0xd8: {  	[tilespmem:s3+$0xFFFFFFF0] =	vst v1  }
0xd9: {  	v1 =	vld [tilespmem:s10+$0x820];
	_ =	sdelay $0x4  }
0xda: {  	v2 =	vand.u32 $0xFFFF0000, v1  }
0xdb: {  	v1 =	vshll.u32 v1, $0x10;
	[tilespmem:s3+$0x10] =	vst v2  }
0xdc: {  	[tilespmem:s3+$0x0] =	vst v1  }
0xdd: {  	v1 =	vld [tilespmem:s10+$0x830];
	_ =	sdelay $0x4  }
0xde: {  	v2 =	vshll.u32 v1, $0x10  }
0xdf: {  	v1 =	vand.u32 $0xFFFF0000, v1;
	[tilespmem:s3+$0x20] =	vst v2  }
0xe0: {  	s10 =	simm.s32 $0x40;
	[tilespmem:s3+$0x30] =	vst v1  }
0xe1: {  	v1 =	vld [tilespmem:s10+$0x800]  }
0xe2: {  	s13 =	simm.s32 $0x200  }
.LBB2_22:
0xe3: {  	p1 =	sne.s32 s13, $0x7F00;
	_ =	sdelay $0x2  }
0xe4: {  	s3 =	sadd.s32 $0x80, s3;
	v2 =	vshll.u32 v1, $0x10  }
0xe5: {  	v1 =	vand.u32 $0xFFFF0000, v1;
	[tilespmem:s3+$0xFFFFFFC0] =	vst v2  }
0xe6: {  	[tilespmem:s3+$0xFFFFFFD0] =	vst v1  }
0xe7: {  	v1 =	vld [tilespmem:s10+$0x810];
	_ =	sdelay $0x4  }
0xe8: {  	v2 =	vshll.u32 v1, $0x10  }
0xe9: {  	v1 =	vand.u32 $0xFFFF0000, v1;
	[tilespmem:s3+$0xFFFFFFE0] =	vst v2  }
0xea: {  	[tilespmem:s3+$0xFFFFFFF0] =	vst v1  }
0xeb: {  	v1 =	vld [tilespmem:s10+$0x820];
	_ =	sdelay $0x4  }
0xec: {  	v2 =	vshll.u32 v1, $0x10;
	v1 =	vand.u32 $0xFFFF0000, v1  }
0xed: {  	[tilespmem:s3+$0x10] =	vst v1  }
0xee: {  	[tilespmem:s3+$0x0] =	vst v2  }
0xef: {  	v1 =	vld [tilespmem:s10+$0x830];
	_ =	sdelay $0x4  }
.Ltmp7:
0xf0: {  	v2 =	vshll.u32 v1, $0x10;
	v1 =	vand.u32 $0xFFFF0000, v1;
	(pc) =	sbr.rel @p1 .LBB2_22-.Ltmp7, $4  }
0xf1: {  	[tilespmem:s3+$0x20] =	vst v2  }
0xf2: {  	s10 =	sshra.s32 s13, $0x2;
	[tilespmem:s3+$0x30] =	vst v1  }
0xf3: {  	v1 =	vld [tilespmem:s10+$0x800]  }
0xf4: {  	s13 =	sadd.s32 $0x100, s13  }
0xf5: {  	_ =	sdelay $0x2  }
0xf6: {  	s3 =	sadd.s32 $0x80, s3;
	v2 =	vshll.u32 v1, $0x10  }
0xf7: {  	v1 =	vand.u32 $0xFFFF0000, v1;
	[tilespmem:s3+$0xFFFFFFC0] =	vst v2  }
0xf8: {  	[tilespmem:s3+$0xFFFFFFD0] =	vst v1  }
0xf9: {  	v1 =	vld [tilespmem:s10+$0x810];
	_ =	sdelay $0x4  }
0xfa: {  	v2 =	vshll.u32 v1, $0x10  }
0xfb: {  	v1 =	vand.u32 $0xFFFF0000, v1;
	[tilespmem:s3+$0xFFFFFFE0] =	vst v2  }
0xfc: {  	[tilespmem:s3+$0xFFFFFFF0] =	vst v1  }
0xfd: {  	v1 =	vld [tilespmem:s10+$0x820];
	_ =	sdelay $0x4  }
0xfe: {  	v2 =	vand.u32 $0xFFFF0000, v1  }
0xff: {  	v1 =	vshll.u32 v1, $0x10;
	[tilespmem:s3+$0x10] =	vst v2  }
0x100: {  	[tilespmem:s3+$0x0] =	vst v1  }
0x101: {  	v1 =	vld [tilespmem:s10+$0x830];
	_ =	sdelay $0x4  }
0x102: {  	v2 =	vshll.u32 v1, $0x10  }
0x103: {  	v1 =	vand.u32 $0xFFFF0000, v1;
	[tilespmem:s3+$0x20] =	vst v2  }
0x104: {  	[tilespmem:s3+$0x30] =	vst v1  }
0x105: {  	[spmem:s2] =	stream.indirect.scatter.add.f32 [tilespmem:s18], [sflag:$0x3], $0x80, s28, s21, $0xb8;
	[tilespmem:$0x1C080] =	vst v63  }
0x106: {  	_ =	swait.ge [sflag:s19], $0x4000  }
0x107: {  	[sflag:s19] =	ssyncset.done $0x0  }
0x108: {  	[sflag:s19] =	ssyncadd.s32 $0xFFFFC000  }
0x109: {  	_ =	swait.ge [sflag:s26], $0x2000  }
0x10a: {  	[sflag:s26] =	ssyncset.done $0x0  }
0x10b: {  	s31 =	simm.s32 $0x0;
	[sflag:s26] =	ssyncadd.s32 $0xFFFFE000  }
0x10c: {  	v1 =	vld [tilespmem:s31+$0x2800];
	_ =	sdelay $0x4  }
0x10d: {  	s3 =	simm.s32 $0x4840;
	v2 =	vshll.u32 v1, $0x10  }
0x10e: {  	v1 =	vand.u32 $0xFFFF0000, v1;
	[tilespmem:s3+$0xFFFFFFC0] =	vst v2  }
0x10f: {  	[tilespmem:s3+$0xFFFFFFD0] =	vst v1  }
0x110: {  	v1 =	vld [tilespmem:s31+$0x2810];
	_ =	sdelay $0x4  }
0x111: {  	v2 =	vshll.u32 v1, $0x10  }
0x112: {  	v1 =	vand.u32 $0xFFFF0000, v1;
	[tilespmem:s3+$0xFFFFFFE0] =	vst v2  }
0x113: {  	[tilespmem:s3+$0xFFFFFFF0] =	vst v1  }
0x114: {  	v1 =	vld [tilespmem:s31+$0x2820];
	_ =	sdelay $0x4  }
0x115: {  	v2 =	vand.u32 $0xFFFF0000, v1  }
0x116: {  	v1 =	vshll.u32 v1, $0x10;
	[tilespmem:s3+$0x10] =	vst v2  }
0x117: {  	[tilespmem:s3+$0x0] =	vst v1  }
0x118: {  	v1 =	vld [tilespmem:s31+$0x2830];
	_ =	sdelay $0x4  }
0x119: {  	v2 =	vshll.u32 v1, $0x10  }
0x11a: {  	v1 =	vand.u32 $0xFFFF0000, v1;
	[tilespmem:s3+$0x20] =	vst v2  }
0x11b: {  	s10 =	simm.s32 $0x40;
	[tilespmem:s3+$0x30] =	vst v1  }
0x11c: {  	v1 =	vld [tilespmem:s10+$0x2800]  }
0x11d: {  	s13 =	simm.s32 $0x200  }
.LBB2_24:
0x11e: {  	p1 =	sne.s32 s13, $0x7F00;
	_ =	sdelay $0x2  }
0x11f: {  	s3 =	sadd.s32 $0x80, s3;
	v2 =	vshll.u32 v1, $0x10  }
0x120: {  	v1 =	vand.u32 $0xFFFF0000, v1;
	[tilespmem:s3+$0xFFFFFFC0] =	vst v2  }
0x121: {  	[tilespmem:s3+$0xFFFFFFD0] =	vst v1  }
0x122: {  	v1 =	vld [tilespmem:s10+$0x2810];
	_ =	sdelay $0x4  }
0x123: {  	v2 =	vshll.u32 v1, $0x10  }
0x124: {  	v1 =	vand.u32 $0xFFFF0000, v1;
	[tilespmem:s3+$0xFFFFFFE0] =	vst v2  }
0x125: {  	[tilespmem:s3+$0xFFFFFFF0] =	vst v1  }
0x126: {  	v1 =	vld [tilespmem:s10+$0x2820];
	_ =	sdelay $0x4  }
0x127: {  	v2 =	vshll.u32 v1, $0x10;
	v1 =	vand.u32 $0xFFFF0000, v1  }
0x128: {  	[tilespmem:s3+$0x10] =	vst v1  }
0x129: {  	[tilespmem:s3+$0x0] =	vst v2  }
0x12a: {  	v1 =	vld [tilespmem:s10+$0x2830];
	_ =	sdelay $0x4  }
.Ltmp8:
0x12b: {  	v2 =	vshll.u32 v1, $0x10;
	v1 =	vand.u32 $0xFFFF0000, v1;
	(pc) =	sbr.rel @p1 .LBB2_24-.Ltmp8, $4  }
0x12c: {  	[tilespmem:s3+$0x20] =	vst v2  }
0x12d: {  	s10 =	sshra.s32 s13, $0x2;
	[tilespmem:s3+$0x30] =	vst v1  }
0x12e: {  	v1 =	vld [tilespmem:s10+$0x2800]  }
0x12f: {  	s13 =	sadd.s32 $0x100, s13  }
0x130: {  	_ =	sdelay $0x2  }
0x131: {  	s3 =	sadd.s32 $0x80, s3;
	v2 =	vshll.u32 v1, $0x10  }
0x132: {  	v1 =	vand.u32 $0xFFFF0000, v1;
	[tilespmem:s3+$0xFFFFFFC0] =	vst v2  }
0x133: {  	[tilespmem:s3+$0xFFFFFFD0] =	vst v1  }
0x134: {  	v1 =	vld [tilespmem:s10+$0x2810];
	_ =	sdelay $0x4  }
0x135: {  	v2 =	vshll.u32 v1, $0x10  }
0x136: {  	v1 =	vand.u32 $0xFFFF0000, v1;
	[tilespmem:s3+$0xFFFFFFE0] =	vst v2  }
0x137: {  	[tilespmem:s3+$0xFFFFFFF0] =	vst v1  }
0x138: {  	v1 =	vld [tilespmem:s10+$0x2820];
	_ =	sdelay $0x4  }
0x139: {  	v2 =	vand.u32 $0xFFFF0000, v1  }
0x13a: {  	v1 =	vshll.u32 v1, $0x10;
	[tilespmem:s3+$0x10] =	vst v2  }
0x13b: {  	[tilespmem:s3+$0x0] =	vst v1  }
0x13c: {  	v1 =	vld [tilespmem:s10+$0x2830];
	_ =	sdelay $0x4  }
0x13d: {  	v2 =	vshll.u32 v1, $0x10  }
0x13e: {  	s0 =	sadd.s32 $0x1, s0;
	v1 =	vand.u32 $0xFFFF0000, v1;
	[tilespmem:s3+$0x20] =	vst v2  }
0x13f: {  	p1 =	sne.s32 s0, $0x9;
	[tilespmem:s3+$0x30] =	vst v1  }
0x140: {  	[spmem:s2] =	stream.indirect.scatter.add.f32 [tilespmem:s18], [sflag:$0x3], $0x80, s29, s21, $0xb8;
	[tilespmem:$0x1C080] =	vst v63  }
.Ltmp9:
0x141: {  	_ = 	snop;
	(pc) =	sbr.rel @p1 .LBB2_15-.Ltmp9, $4  }
.Ltmp10:
0x142: {  	_ = 	snop;
	(pc) =	sbr.rel @!p1 .LBB2_26-.Ltmp10, $4  }
0x143: {  	_ =	swait.ge [sflag:s19], $0x4000  }
0x144: {  	[sflag:s19] =	ssyncset.done $0x0  }
0x145: {  	[sflag:s19] =	ssyncadd.s32 $0xFFFFC000  }
0x146: {  	_ = 	snop  }
.LBB2_4:
0x147: {  	s0 =	sshll.u32 s31, $0xA  }
0x148: {  	s0 =	sadd.s32 s11, s0  }
0x149: {  	s0 =	sshrl.u32 s0, $0x3  }
0x14a: {  	s3 =	sadd.s32 s5, s0  }
0x14b: {  	[tilespmem:s30], [sflag:$0x3] =	stream.linear.gather [hbm4b:s3+s30], $0x400, $0x38;
	[tilespmem:$0x1C080] =	vst v63  }
0x14c: {  	_ =	swait.ge [sflag:s19], $0x400  }
0x14d: {  	[sflag:s19] =	ssyncset.done $0x0  }
0x14e: {  	s0 =	sadd.s32 s6, s0;
	[sflag:s19] =	ssyncadd.s32 $0xFFFFFC00  }
0x14f: {  	[tilespmem:s20], [sflag:$0x3] =	stream.linear.gather [hbm4b:s0+s30], $0x400, $0x38;
	[tilespmem:$0x1C080] =	vst v63  }
0x150: {  	_ =	swait.ge [sflag:s19], $0x400  }
0x151: {  	[sflag:s19] =	ssyncset.done $0x0  }
0x152: {  	[sflag:s19] =	ssyncadd.s32 $0xFFFFFC00  }
0x153: {  	[tilespmem:s22], [sflag:$0x1] =	stream.indirect.gather [hbm4b:s1+s21], $0x40, s30, s21, $0xb8;
	[tilespmem:$0x1C080] =	vst v63  }
0x154: {  	s0 =	simm.s32 $0x0  }
0x155: {  	[tilespmem:s23], [sflag:$0x2] =	stream.indirect.gather [hbm4b:s1+s21], $0x40, s21, s21, $0xb8;
	[tilespmem:$0x1C080] =	vst v63  }
.LBB2_5:
0x156: {  	_ =	swait.ge [sflag:s24], $0x2000  }
0x157: {  	[sflag:s24] =	ssyncset.done $0x0  }
0x158: {  	s10 =	simm.s32 $0x0;
	[sflag:s24] =	ssyncadd.s32 $0xFFFFE000  }
0x159: {  	v1 =	vld [tilespmem:s10+$0x800];
	_ =	sdelay $0x4  }
0x15a: {  	s3 =	simm.s32 $0x4840;
	v2 =	vshll.u32 v1, $0x10  }
0x15b: {  	v1 =	vand.u32 $0xFFFF0000, v1;
	[tilespmem:s3+$0xFFFFFFC0] =	vst v2  }
0x15c: {  	[tilespmem:s3+$0xFFFFFFD0] =	vst v1  }
0x15d: {  	v1 =	vld [tilespmem:s10+$0x810];
	_ =	sdelay $0x4  }
0x15e: {  	v2 =	vshll.u32 v1, $0x10  }
0x15f: {  	v1 =	vand.u32 $0xFFFF0000, v1;
	[tilespmem:s3+$0xFFFFFFE0] =	vst v2  }
0x160: {  	[tilespmem:s3+$0xFFFFFFF0] =	vst v1  }
0x161: {  	v1 =	vld [tilespmem:s10+$0x820];
	_ =	sdelay $0x4  }
0x162: {  	v2 =	vand.u32 $0xFFFF0000, v1  }
0x163: {  	v1 =	vshll.u32 v1, $0x10;
	[tilespmem:s3+$0x10] =	vst v2  }
0x164: {  	[tilespmem:s3+$0x0] =	vst v1  }
0x165: {  	v1 =	vld [tilespmem:s10+$0x830];
	_ =	sdelay $0x4  }
0x166: {  	v2 =	vshll.u32 v1, $0x10  }
0x167: {  	v1 =	vand.u32 $0xFFFF0000, v1;
	[tilespmem:s3+$0x20] =	vst v2  }
0x168: {  	s10 =	simm.s32 $0x40;
	[tilespmem:s3+$0x30] =	vst v1  }
0x169: {  	v1 =	vld [tilespmem:s10+$0x800]  }
0x16a: {  	s13 =	simm.s32 $0x200  }
.LBB2_6:
0x16b: {  	p1 =	sne.s32 s13, $0x7F00;
	_ =	sdelay $0x2  }
0x16c: {  	s3 =	sadd.s32 $0x80, s3;
	v2 =	vshll.u32 v1, $0x10  }
0x16d: {  	v1 =	vand.u32 $0xFFFF0000, v1;
	[tilespmem:s3+$0xFFFFFFC0] =	vst v2  }
0x16e: {  	[tilespmem:s3+$0xFFFFFFD0] =	vst v1  }
0x16f: {  	v1 =	vld [tilespmem:s10+$0x810];
	_ =	sdelay $0x4  }
0x170: {  	v2 =	vshll.u32 v1, $0x10  }
0x171: {  	v1 =	vand.u32 $0xFFFF0000, v1;
	[tilespmem:s3+$0xFFFFFFE0] =	vst v2  }
0x172: {  	[tilespmem:s3+$0xFFFFFFF0] =	vst v1  }
0x173: {  	v1 =	vld [tilespmem:s10+$0x820];
	_ =	sdelay $0x4  }
0x174: {  	v2 =	vshll.u32 v1, $0x10;
	v1 =	vand.u32 $0xFFFF0000, v1  }
0x175: {  	[tilespmem:s3+$0x10] =	vst v1  }
0x176: {  	[tilespmem:s3+$0x0] =	vst v2  }
0x177: {  	v1 =	vld [tilespmem:s10+$0x830];
	_ =	sdelay $0x4  }
.Ltmp11:
0x178: {  	v2 =	vshll.u32 v1, $0x10;
	v1 =	vand.u32 $0xFFFF0000, v1;
	(pc) =	sbr.rel @p1 .LBB2_6-.Ltmp11, $4  }
0x179: {  	[tilespmem:s3+$0x20] =	vst v2  }
0x17a: {  	s10 =	sshra.s32 s13, $0x2;
	[tilespmem:s3+$0x30] =	vst v1  }
0x17b: {  	v1 =	vld [tilespmem:s10+$0x800]  }
0x17c: {  	s13 =	sadd.s32 $0x100, s13  }
0x17d: {  	_ =	sdelay $0x2  }
0x17e: {  	s13 =	sadd.s32 $0x80, s3;
	v2 =	vshll.u32 v1, $0x10  }
0x17f: {  	v1 =	vand.u32 $0xFFFF0000, v1;
	[tilespmem:s13+$0xFFFFFFC0] =	vst v2  }
0x180: {  	[tilespmem:s13+$0xFFFFFFD0] =	vst v1  }
0x181: {  	v1 =	vld [tilespmem:s10+$0x810];
	_ =	sdelay $0x4  }
0x182: {  	v2 =	vshll.u32 v1, $0x10  }
0x183: {  	v1 =	vand.u32 $0xFFFF0000, v1;
	[tilespmem:s13+$0xFFFFFFE0] =	vst v2  }
0x184: {  	[tilespmem:s13+$0xFFFFFFF0] =	vst v1  }
0x185: {  	v1 =	vld [tilespmem:s10+$0x820];
	_ =	sdelay $0x4  }
0x186: {  	v2 =	vand.u32 $0xFFFF0000, v1  }
0x187: {  	v1 =	vshll.u32 v1, $0x10;
	[tilespmem:s13+$0x10] =	vst v2  }
0x188: {  	[tilespmem:s13+$0x0] =	vst v1  }
0x189: {  	v1 =	vld [tilespmem:s10+$0x830];
	_ =	sdelay $0x4  }
0x18a: {  	s10 =	sshll.u32 s0, $0x8;
	v2 =	vshll.u32 v1, $0x10  }
0x18b: {  	s3 =	sand.u32 $0x3FFFFF00, s10;
	v1 =	vand.u32 $0xFFFF0000, v1;
	[tilespmem:s13+$0x20] =	vst v2  }
0x18c: {  	s14 =	sadd.s32 $0x100, s3;
	[tilespmem:s13+$0x30] =	vst v1  }
0x18d: {  	[tilespmem:s22], [sflag:$0x1] =	stream.indirect.gather [hbm4b:s1+s21], $0x40, s14, s21, $0xb8;
	[tilespmem:$0x1C080] =	vst v63  }
0x18e: {  	s13 =	sadd.s32 $0x400, s3  }
0x18f: {  	[spmem:s2] =	stream.indirect.scatter.add.f32 [tilespmem:s18], [sflag:$0x3], $0x80, s13, s21, $0xb8;
	[tilespmem:$0x1C080] =	vst v63  }
0x190: {  	_ =	swait.ge [sflag:s19], $0x4000  }
0x191: {  	[sflag:s19] =	ssyncset.done $0x0  }
0x192: {  	[sflag:s19] =	ssyncadd.s32 $0xFFFFC000  }
0x193: {  	_ =	swait.ge [sflag:s26], $0x2000  }
0x194: {  	[sflag:s26] =	ssyncset.done $0x0  }
0x195: {  	s14 =	simm.s32 $0x0;
	[sflag:s26] =	ssyncadd.s32 $0xFFFFE000  }
0x196: {  	v1 =	vld [tilespmem:s14+$0x2800];
	_ =	sdelay $0x4  }
0x197: {  	s10 =	simm.s32 $0x4840;
	v2 =	vshll.u32 v1, $0x10  }
0x198: {  	v1 =	vand.u32 $0xFFFF0000, v1;
	[tilespmem:s10+$0xFFFFFFC0] =	vst v2  }
0x199: {  	[tilespmem:s10+$0xFFFFFFD0] =	vst v1  }
0x19a: {  	v1 =	vld [tilespmem:s14+$0x2810];
	_ =	sdelay $0x4  }
0x19b: {  	v2 =	vshll.u32 v1, $0x10  }
0x19c: {  	v1 =	vand.u32 $0xFFFF0000, v1;
	[tilespmem:s10+$0xFFFFFFE0] =	vst v2  }
0x19d: {  	[tilespmem:s10+$0xFFFFFFF0] =	vst v1  }
0x19e: {  	v1 =	vld [tilespmem:s14+$0x2820];
	_ =	sdelay $0x4  }
0x19f: {  	v2 =	vand.u32 $0xFFFF0000, v1  }
0x1a0: {  	v1 =	vshll.u32 v1, $0x10;
	[tilespmem:s10+$0x10] =	vst v2  }
0x1a1: {  	[tilespmem:s10+$0x0] =	vst v1  }
0x1a2: {  	v1 =	vld [tilespmem:s14+$0x2830];
	_ =	sdelay $0x4  }
0x1a3: {  	v2 =	vshll.u32 v1, $0x10  }
0x1a4: {  	v1 =	vand.u32 $0xFFFF0000, v1;
	[tilespmem:s10+$0x20] =	vst v2  }
0x1a5: {  	s13 =	simm.s32 $0x40;
	[tilespmem:s10+$0x30] =	vst v1  }
0x1a6: {  	v1 =	vld [tilespmem:s13+$0x2800]  }
0x1a7: {  	s14 =	simm.s32 $0x200  }
.LBB2_8:
0x1a8: {  	p1 =	sne.s32 s14, $0x7F00;
	_ =	sdelay $0x2  }
0x1a9: {  	s10 =	sadd.s32 $0x80, s10;
	v2 =	vshll.u32 v1, $0x10  }
0x1aa: {  	v1 =	vand.u32 $0xFFFF0000, v1;
	[tilespmem:s10+$0xFFFFFFC0] =	vst v2  }
0x1ab: {  	[tilespmem:s10+$0xFFFFFFD0] =	vst v1  }
0x1ac: {  	v1 =	vld [tilespmem:s13+$0x2810];
	_ =	sdelay $0x4  }
0x1ad: {  	v2 =	vshll.u32 v1, $0x10  }
0x1ae: {  	v1 =	vand.u32 $0xFFFF0000, v1;
	[tilespmem:s10+$0xFFFFFFE0] =	vst v2  }
0x1af: {  	[tilespmem:s10+$0xFFFFFFF0] =	vst v1  }
0x1b0: {  	v1 =	vld [tilespmem:s13+$0x2820];
	_ =	sdelay $0x4  }
0x1b1: {  	v2 =	vshll.u32 v1, $0x10;
	v1 =	vand.u32 $0xFFFF0000, v1  }
0x1b2: {  	[tilespmem:s10+$0x10] =	vst v1  }
0x1b3: {  	[tilespmem:s10+$0x0] =	vst v2  }
0x1b4: {  	v1 =	vld [tilespmem:s13+$0x2830];
	_ =	sdelay $0x4  }
.Ltmp12:
0x1b5: {  	v2 =	vshll.u32 v1, $0x10;
	v1 =	vand.u32 $0xFFFF0000, v1;
	(pc) =	sbr.rel @p1 .LBB2_8-.Ltmp12, $4  }
0x1b6: {  	[tilespmem:s10+$0x20] =	vst v2  }
0x1b7: {  	s13 =	sshra.s32 s14, $0x2;
	[tilespmem:s10+$0x30] =	vst v1  }
0x1b8: {  	v1 =	vld [tilespmem:s13+$0x2800]  }
0x1b9: {  	s14 =	sadd.s32 $0x100, s14  }
0x1ba: {  	_ =	sdelay $0x2  }
0x1bb: {  	s10 =	sadd.s32 $0x80, s10;
	v2 =	vshll.u32 v1, $0x10  }
0x1bc: {  	v1 =	vand.u32 $0xFFFF0000, v1;
	[tilespmem:s10+$0xFFFFFFC0] =	vst v2  }
0x1bd: {  	[tilespmem:s10+$0xFFFFFFD0] =	vst v1  }
0x1be: {  	v1 =	vld [tilespmem:s13+$0x2810];
	_ =	sdelay $0x4  }
0x1bf: {  	v2 =	vshll.u32 v1, $0x10  }
0x1c0: {  	v1 =	vand.u32 $0xFFFF0000, v1;
	[tilespmem:s10+$0xFFFFFFE0] =	vst v2  }
0x1c1: {  	[tilespmem:s10+$0xFFFFFFF0] =	vst v1  }
0x1c2: {  	v1 =	vld [tilespmem:s13+$0x2820];
	_ =	sdelay $0x4  }
0x1c3: {  	v2 =	vand.u32 $0xFFFF0000, v1  }
0x1c4: {  	v1 =	vshll.u32 v1, $0x10;
	[tilespmem:s10+$0x10] =	vst v2  }
0x1c5: {  	[tilespmem:s10+$0x0] =	vst v1  }
0x1c6: {  	v1 =	vld [tilespmem:s13+$0x2830];
	_ =	sdelay $0x4  }
0x1c7: {  	v2 =	vshll.u32 v1, $0x10  }
0x1c8: {  	s0 =	sadd.s32 $0x1, s0;
	v1 =	vand.u32 $0xFFFF0000, v1;
	[tilespmem:s10+$0x20] =	vst v2  }
0x1c9: {  	p1 =	sne.s32 s0, $0x3;
	s13 =	sadd.s32 $0x180, s3;
	[tilespmem:s10+$0x30] =	vst v1  }
0x1ca: {  	[tilespmem:s23], [sflag:$0x2] =	stream.indirect.gather [hbm4b:s1+s21], $0x40, s13, s21, $0xb8;
	[tilespmem:$0x1C080] =	vst v63  }
.Ltmp13:
0x1cb: {  	s14 =	sadd.s32 $0x480, s3;
	(pc) =	sbr.rel @p1 .LBB2_5-.Ltmp13, $4  }
0x1cc: {  	[spmem:s2] =	stream.indirect.scatter.add.f32 [tilespmem:s18], [sflag:$0x3], $0x80, s14, s21, $0xb8;
	[tilespmem:$0x1C080] =	vst v63  }
0x1cd: {  	_ =	swait.ge [sflag:s19], $0x4000  }
0x1ce: {  	[sflag:s19] =	ssyncset.done $0x0  }
0x1cf: {  	[sflag:s19] =	ssyncadd.s32 $0xFFFFC000  }
0x1d0: {  	_ =	swait.ge [sflag:s24], $0x2000  }
0x1d1: {  	[sflag:s24] =	ssyncset.done $0x0  }
0x1d2: {  	s3 =	simm.s32 $0x0;
	[sflag:s24] =	ssyncadd.s32 $0xFFFFE000  }
0x1d3: {  	v1 =	vld [tilespmem:s3+$0x800];
	_ =	sdelay $0x4  }
0x1d4: {  	s0 =	simm.s32 $0x4840;
	v2 =	vshll.u32 v1, $0x10  }
0x1d5: {  	v1 =	vand.u32 $0xFFFF0000, v1;
	[tilespmem:s0+$0xFFFFFFC0] =	vst v2  }
0x1d6: {  	[tilespmem:s0+$0xFFFFFFD0] =	vst v1  }
0x1d7: {  	v1 =	vld [tilespmem:s3+$0x810];
	_ =	sdelay $0x4  }
0x1d8: {  	v2 =	vshll.u32 v1, $0x10  }
0x1d9: {  	v1 =	vand.u32 $0xFFFF0000, v1;
	[tilespmem:s0+$0xFFFFFFE0] =	vst v2  }
0x1da: {  	[tilespmem:s0+$0xFFFFFFF0] =	vst v1  }
0x1db: {  	v1 =	vld [tilespmem:s3+$0x820];
	_ =	sdelay $0x4  }
0x1dc: {  	v2 =	vand.u32 $0xFFFF0000, v1  }
0x1dd: {  	v1 =	vshll.u32 v1, $0x10;
	[tilespmem:s0+$0x10] =	vst v2  }
0x1de: {  	[tilespmem:s0+$0x0] =	vst v1  }
0x1df: {  	v1 =	vld [tilespmem:s3+$0x830];
	_ =	sdelay $0x4  }
0x1e0: {  	v2 =	vshll.u32 v1, $0x10  }
0x1e1: {  	v1 =	vand.u32 $0xFFFF0000, v1;
	[tilespmem:s0+$0x20] =	vst v2  }
0x1e2: {  	s3 =	simm.s32 $0x40;
	[tilespmem:s0+$0x30] =	vst v1  }
0x1e3: {  	v1 =	vld [tilespmem:s3+$0x800]  }
0x1e4: {  	s10 =	simm.s32 $0x200  }
.LBB2_11:
0x1e5: {  	p1 =	sne.s32 s10, $0x7F00;
	_ =	sdelay $0x2  }
0x1e6: {  	s0 =	sadd.s32 $0x80, s0;
	v2 =	vshll.u32 v1, $0x10  }
0x1e7: {  	v1 =	vand.u32 $0xFFFF0000, v1;
	[tilespmem:s0+$0xFFFFFFC0] =	vst v2  }
0x1e8: {  	[tilespmem:s0+$0xFFFFFFD0] =	vst v1  }
0x1e9: {  	v1 =	vld [tilespmem:s3+$0x810];
	_ =	sdelay $0x4  }
0x1ea: {  	v2 =	vshll.u32 v1, $0x10  }
0x1eb: {  	v1 =	vand.u32 $0xFFFF0000, v1;
	[tilespmem:s0+$0xFFFFFFE0] =	vst v2  }
0x1ec: {  	[tilespmem:s0+$0xFFFFFFF0] =	vst v1  }
0x1ed: {  	v1 =	vld [tilespmem:s3+$0x820];
	_ =	sdelay $0x4  }
0x1ee: {  	v2 =	vshll.u32 v1, $0x10;
	v1 =	vand.u32 $0xFFFF0000, v1  }
0x1ef: {  	[tilespmem:s0+$0x10] =	vst v1  }
0x1f0: {  	[tilespmem:s0+$0x0] =	vst v2  }
0x1f1: {  	v1 =	vld [tilespmem:s3+$0x830];
	_ =	sdelay $0x4  }
.Ltmp14:
0x1f2: {  	v2 =	vshll.u32 v1, $0x10;
	v1 =	vand.u32 $0xFFFF0000, v1;
	(pc) =	sbr.rel @p1 .LBB2_11-.Ltmp14, $4  }
0x1f3: {  	[tilespmem:s0+$0x20] =	vst v2  }
0x1f4: {  	s3 =	sshra.s32 s10, $0x2;
	[tilespmem:s0+$0x30] =	vst v1  }
0x1f5: {  	v1 =	vld [tilespmem:s3+$0x800]  }
0x1f6: {  	s10 =	sadd.s32 $0x100, s10  }
0x1f7: {  	_ =	sdelay $0x2  }
0x1f8: {  	s0 =	sadd.s32 $0x80, s0;
	v2 =	vshll.u32 v1, $0x10  }
0x1f9: {  	v1 =	vand.u32 $0xFFFF0000, v1;
	[tilespmem:s0+$0xFFFFFFC0] =	vst v2  }
0x1fa: {  	[tilespmem:s0+$0xFFFFFFD0] =	vst v1  }
0x1fb: {  	v1 =	vld [tilespmem:s3+$0x810];
	_ =	sdelay $0x4  }
0x1fc: {  	v2 =	vshll.u32 v1, $0x10  }
0x1fd: {  	v1 =	vand.u32 $0xFFFF0000, v1;
	[tilespmem:s0+$0xFFFFFFE0] =	vst v2  }
0x1fe: {  	[tilespmem:s0+$0xFFFFFFF0] =	vst v1  }
0x1ff: {  	v1 =	vld [tilespmem:s3+$0x820];
	_ =	sdelay $0x4  }
0x200: {  	v2 =	vand.u32 $0xFFFF0000, v1  }
0x201: {  	v1 =	vshll.u32 v1, $0x10;
	[tilespmem:s0+$0x10] =	vst v2  }
0x202: {  	[tilespmem:s0+$0x0] =	vst v1  }
0x203: {  	v1 =	vld [tilespmem:s3+$0x830];
	_ =	sdelay $0x4  }
0x204: {  	v2 =	vshll.u32 v1, $0x10  }
0x205: {  	v1 =	vand.u32 $0xFFFF0000, v1;
	[tilespmem:s0+$0x20] =	vst v2  }
0x206: {  	[tilespmem:s0+$0x30] =	vst v1  }
0x207: {  	[spmem:s2] =	stream.indirect.scatter.add.f32 [tilespmem:s18], [sflag:$0x3], $0x80, s28, s21, $0xb8;
	[tilespmem:$0x1C080] =	vst v63  }
0x208: {  	_ =	swait.ge [sflag:s19], $0x4000  }
0x209: {  	[sflag:s19] =	ssyncset.done $0x0  }
0x20a: {  	[sflag:s19] =	ssyncadd.s32 $0xFFFFC000  }
0x20b: {  	_ =	swait.ge [sflag:s26], $0x2000  }
0x20c: {  	[sflag:s26] =	ssyncset.done $0x0  }
0x20d: {  	s14 =	simm.s32 $0x0;
	[sflag:s26] =	ssyncadd.s32 $0xFFFFE000  }
0x20e: {  	v1 =	vld [tilespmem:s14+$0x2800];
	_ =	sdelay $0x4  }
0x20f: {  	s0 =	simm.s32 $0x4840;
	v2 =	vshll.u32 v1, $0x10  }
0x210: {  	v1 =	vand.u32 $0xFFFF0000, v1;
	[tilespmem:s0+$0xFFFFFFC0] =	vst v2  }
0x211: {  	[tilespmem:s0+$0xFFFFFFD0] =	vst v1  }
0x212: {  	v1 =	vld [tilespmem:s14+$0x2810];
	_ =	sdelay $0x4  }
0x213: {  	v2 =	vshll.u32 v1, $0x10  }
0x214: {  	v1 =	vand.u32 $0xFFFF0000, v1;
	[tilespmem:s0+$0xFFFFFFE0] =	vst v2  }
0x215: {  	[tilespmem:s0+$0xFFFFFFF0] =	vst v1  }
0x216: {  	v1 =	vld [tilespmem:s14+$0x2820];
	_ =	sdelay $0x4  }
0x217: {  	v2 =	vand.u32 $0xFFFF0000, v1  }
0x218: {  	v1 =	vshll.u32 v1, $0x10;
	[tilespmem:s0+$0x10] =	vst v2  }
0x219: {  	[tilespmem:s0+$0x0] =	vst v1  }
0x21a: {  	v1 =	vld [tilespmem:s14+$0x2830];
	_ =	sdelay $0x4  }
0x21b: {  	v2 =	vshll.u32 v1, $0x10  }
0x21c: {  	v1 =	vand.u32 $0xFFFF0000, v1;
	[tilespmem:s0+$0x20] =	vst v2  }
0x21d: {  	s3 =	simm.s32 $0x40;
	[tilespmem:s0+$0x30] =	vst v1  }
0x21e: {  	v1 =	vld [tilespmem:s3+$0x2800]  }
0x21f: {  	s10 =	simm.s32 $0x200  }
.LBB2_13:
0x220: {  	p1 =	sne.s32 s10, $0x7F00;
	_ =	sdelay $0x2  }
0x221: {  	s0 =	sadd.s32 $0x80, s0;
	v2 =	vshll.u32 v1, $0x10  }
0x222: {  	v1 =	vand.u32 $0xFFFF0000, v1;
	[tilespmem:s0+$0xFFFFFFC0] =	vst v2  }
0x223: {  	[tilespmem:s0+$0xFFFFFFD0] =	vst v1  }
0x224: {  	v1 =	vld [tilespmem:s3+$0x2810];
	_ =	sdelay $0x4  }
0x225: {  	v2 =	vshll.u32 v1, $0x10  }
0x226: {  	v1 =	vand.u32 $0xFFFF0000, v1;
	[tilespmem:s0+$0xFFFFFFE0] =	vst v2  }
0x227: {  	[tilespmem:s0+$0xFFFFFFF0] =	vst v1  }
0x228: {  	v1 =	vld [tilespmem:s3+$0x2820];
	_ =	sdelay $0x4  }
0x229: {  	v2 =	vshll.u32 v1, $0x10;
	v1 =	vand.u32 $0xFFFF0000, v1  }
0x22a: {  	[tilespmem:s0+$0x10] =	vst v1  }
0x22b: {  	[tilespmem:s0+$0x0] =	vst v2  }
0x22c: {  	v1 =	vld [tilespmem:s3+$0x2830];
	_ =	sdelay $0x4  }
.Ltmp15:
0x22d: {  	v2 =	vshll.u32 v1, $0x10;
	v1 =	vand.u32 $0xFFFF0000, v1;
	(pc) =	sbr.rel @p1 .LBB2_13-.Ltmp15, $4  }
0x22e: {  	[tilespmem:s0+$0x20] =	vst v2  }
0x22f: {  	s3 =	sshra.s32 s10, $0x2;
	[tilespmem:s0+$0x30] =	vst v1  }
0x230: {  	v1 =	vld [tilespmem:s3+$0x2800]  }
0x231: {  	s10 =	sadd.s32 $0x100, s10  }
0x232: {  	_ =	sdelay $0x2  }
0x233: {  	s0 =	sadd.s32 $0x80, s0;
	v2 =	vshll.u32 v1, $0x10  }
0x234: {  	v1 =	vand.u32 $0xFFFF0000, v1;
	[tilespmem:s0+$0xFFFFFFC0] =	vst v2  }
0x235: {  	[tilespmem:s0+$0xFFFFFFD0] =	vst v1  }
0x236: {  	v1 =	vld [tilespmem:s3+$0x2810];
	_ =	sdelay $0x4  }
0x237: {  	v2 =	vshll.u32 v1, $0x10  }
0x238: {  	v1 =	vand.u32 $0xFFFF0000, v1;
	[tilespmem:s0+$0xFFFFFFE0] =	vst v2  }
0x239: {  	[tilespmem:s0+$0xFFFFFFF0] =	vst v1  }
0x23a: {  	v1 =	vld [tilespmem:s3+$0x2820];
	_ =	sdelay $0x4  }
0x23b: {  	v2 =	vand.u32 $0xFFFF0000, v1  }
0x23c: {  	v1 =	vshll.u32 v1, $0x10;
	[tilespmem:s0+$0x10] =	vst v2  }
0x23d: {  	[tilespmem:s0+$0x0] =	vst v1  }
0x23e: {  	v1 =	vld [tilespmem:s3+$0x2830];
	_ =	sdelay $0x4  }
0x23f: {  	v2 =	vshll.u32 v1, $0x10  }
0x240: {  	s31 =	sadd.s32 $0x1, s31;
	v1 =	vand.u32 $0xFFFF0000, v1;
	[tilespmem:s0+$0x20] =	vst v2  }
0x241: {  	p1 =	seq.s32 s31, $0xB;
	[tilespmem:s0+$0x30] =	vst v1  }
0x242: {  	[spmem:s2] =	stream.indirect.scatter.add.f32 [tilespmem:s18], [sflag:$0x3], $0x80, s29, s21, $0xb8;
	[tilespmem:$0x1C080] =	vst v63  }
.Ltmp16:
0x243: {  	_ = 	snop;
	(pc) =	sbr.rel @!p1 .LBB2_4-.Ltmp16, $4  }
.Ltmp17:
0x244: {  	_ = 	snop;
	(pc) =	sbr.rel @p1 .LBB2_26-.Ltmp17, $4  }
0x245: {  	_ =	swait.ge [sflag:s19], $0x4000  }
0x246: {  	[sflag:s19] =	ssyncset.done $0x0  }
0x247: {  	[sflag:s19] =	ssyncadd.s32 $0xFFFFC000  }
0x248: {  	_ = 	snop  }
.LBB2_27:
0x249: {  	_ =	sfence.sel $0x180000  }
0x24a: {  	[bflag:$0x0] =	sbarrier.arrive $0xFFFF  }
0x24b: {  	_ =	strace $0x9000004A  }
0x24c: {  	s0 =	stileid.u32;
	[bflag:$0x2] =	sbarrier.arrive $0xFFFF  }
0x24d: {  	p0 =	sne.s32 s0, $0x0;
	s0 =	rddreg [dreg:$0x3]  }
0x24e: {  	s0 =	sadd.s32 @!p0 $0x100000, s0  }
0x24f: {  	[sflag:s0] =	ssyncadd.tile.s32 @!p0 $0x1;
	_ =	shalt  }
.Lfunc_end2:
_tile_overlayer_lowered:
.L_overlay_start_2:
0x250: {  	(tag) =	ssettag $0x2  }
0x251: {  	s0 =	rddreg [dreg:$0x0];
	s2 =	stileid.u32  }
0x252: {  	s1 =	rddreg [dreg:$0x1];
	p0 =	sne.s32 s2, $0x0  }
0x253: {  	s3 =	rddreg [dreg:$0x2];
	[bflag:$0x3] =	sbarrier.arrive $0xFFFF;
	s2 =	simm.s32 @!p0 $0x1C03  }
0x254: {  	[timem:s3], [sflag:s2] =	dma.local @!p0 [hbm:s0], s1  }
0x255: {  	s0 =	simm.s32 @!p0 $0x3  }
0x256: {  	_ =	swait.ge @!p0 [sflag:s0], s1  }
0x257: {  	s1 =	ssub.s32 @!p0 $0x0, s1;
	[sflag:s0] =	ssyncset.done @!p0 $0x0  }
0x258: {  	[sflag:s0] =	ssyncadd.s32 @!p0 s1  }
0x259: {  	[bflag:$0x3] =	sbarrier.arrive $0xFFFF  }
0x25a: {  	_ =	shalt  }

</sc_bundles>
